<compile_context>
chip_gen: v7x
topology: tpu7x:2x2x1
jax: 0.10.2.dev20260603
libtpu: 0.0.44.dev20260713+nightly
codegen_flags: <defaults>
</compile_context>

<pallas_src>
import functools

import jax
import jax.numpy as jnp
import numpy as np
from jax import lax
from jax.experimental import pallas as pl
from jax.experimental.pallas import tpu as pltpu, tpu_sc as plsc

N = 10000
E = 320000
D = 128
DH = D // 2

NC = 2
NS = 16
CHUNK = 128
NCHC = E // CHUNK
NCHM = NCHC // NS
XTRA = NCHC - NS * NCHM
NCH = NCHM + 1
R = 10112
RPT = R // NS
BLK = 2000
GRID = N // BLK
CW = 8
NB = 4


def _sc_scatter(with_counts):
    out_type = [jax.ShapeDtypeStruct((R, D), jnp.float32)]
    if with_counts:
        out_type.append(jax.ShapeDtypeStruct((NC, R, CW), jnp.float32))
    scratch = [
        pltpu.VMEM((NCH, CHUNK), jnp.int32),
        pltpu.VMEM((NCH, CHUNK), jnp.int32),
        pltpu.VMEM((NB, CHUNK, DH), jnp.float32),
        pltpu.VMEM((CHUNK, CW), jnp.float32),
        pltpu.VMEM_SHARED((R, DH), jnp.float32),
        pltpu.VMEM_SHARED((R, CW), jnp.float32),
    ] + [pltpu.SemaphoreType.DMA] * NB

    mesh = plsc.VectorSubcoreMesh(core_axis_name="c", subcore_axis_name="s")

    @functools.partial(
        pl.kernel, out_type=tuple(out_type), mesh=mesh,
        scratch_types=scratch,
        compiler_params=pltpu.CompilerParams(use_tc_tiling_on_sc=False))
    def k(xr_hbm, src_hbm, dst_hbm, zeros_hbm, zeros_c_hbm, ones_hbm,
          part_hbm, *rest):
        if with_counts:
            cnt_hbm = rest[0]
            rest = rest[1:]
        src_v, dst_v, rows_v, ones_v, acc, cacc = rest[:6]
        sems_g = rest[6:]
        c = lax.axis_index("c")
        s = lax.axis_index("s")

        pltpu.sync_copy(zeros_hbm, acc.at[pl.ds(s * RPT, RPT)])
        if with_counts:
            pltpu.sync_copy(zeros_c_hbm, cacc.at[pl.ds(s * RPT, RPT)])
            pltpu.sync_copy(ones_hbm, ones_v)
        base = s * NCHM
        pltpu.sync_copy(src_hbm.at[c, pl.ds(base, NCHM)],
                        src_v.at[pl.ds(0, NCHM)])
        pltpu.sync_copy(dst_hbm.at[pl.ds(base, NCHM)],
                        dst_v.at[pl.ds(0, NCHM)])

        @pl.when(s < XTRA)
        def _():
            pltpu.sync_copy(src_hbm.at[c, pl.ds(NS * NCHM + s, 1)],
                            src_v.at[pl.ds(NCHM, 1)])
            pltpu.sync_copy(dst_hbm.at[pl.ds(NS * NCHM + s, 1)],
                            dst_v.at[pl.ds(NCHM, 1)])

        plsc.subcore_barrier()

        for b in range(NB):
            pltpu.async_copy(xr_hbm.at[src_v.at[b]], rows_v.at[b], sems_g[b])

        @pl.loop(0, NCHM, step=NB)
        def chunk_loop(j):
            for b in range(NB):
                jj = j + b
                pltpu.make_async_copy(
                    xr_hbm.at[src_v.at[jj]], rows_v.at[b], sems_g[b]).wait()
                pltpu.sync_copy(rows_v.at[b], acc.at[dst_v.at[jj]], add=True)
                if with_counts:
                    @pl.when(c == b % NC)
                    def _():
                        pltpu.sync_copy(ones_v, cacc.at[dst_v.at[jj]],
                                        add=True)
                nxt = jj + NB

                @pl.when(nxt < NCHM)
                def _():
                    pltpu.async_copy(xr_hbm.at[src_v.at[nxt]], rows_v.at[b],
                                     sems_g[b])

        @pl.when(s < XTRA)
        def _():
            pltpu.async_copy(xr_hbm.at[src_v.at[NCHM]], rows_v.at[0],
                             sems_g[0]).wait()
            pltpu.sync_copy(rows_v.at[0], acc.at[dst_v.at[NCHM]], add=True)
            if with_counts:
                @pl.when(c == s % NC)
                def _():
                    pltpu.sync_copy(ones_v, cacc.at[dst_v.at[NCHM]],
                                    add=True)

        plsc.subcore_barrier()
        rows = pl.ds(s * RPT, RPT)
        pltpu.sync_copy(acc.at[rows],
                        part_hbm.at[rows, pl.ds(c * DH, DH)])
        if with_counts:
            pltpu.sync_copy(cacc.at[rows], cnt_hbm.at[c, rows])

    return k


_sc_scatter_l1 = _sc_scatter(True)
_sc_scatter_l2 = _sc_scatter(False)


def _dotT(a, w):
    return lax.dot_general(a, w, (((1,), (1,)), ((), ())),
                           preferred_element_type=jnp.float32)


def _tc_root(x, Wr, b):
    def body(x_ref, wr_ref, b_ref, y_ref):
        y_ref[...] = _dotT(x_ref[...], wr_ref[...]) + b_ref[...]

    return pl.pallas_call(
        body,
        grid=(GRID,),
        in_specs=[
            pl.BlockSpec((BLK, D), lambda i: (i, 0)),
            pl.BlockSpec((D, D), lambda i: (0, 0)),
            pl.BlockSpec((1, D), lambda i: (0, 0)),
        ],
        out_specs=pl.BlockSpec((BLK, D), lambda i: (i, 0)),
        out_shape=jax.ShapeDtypeStruct((N, D), jnp.float32),
    )(x, Wr, b.reshape(1, D))


def _tc_mid(p, cnt, y1, Wl, Wr, b):
    def body(p_ref, c_ref, y1_ref, wl_ref, wr_ref, b_ref, h_ref, y_ref):
        cn = c_ref[0, :, :1] + c_ref[1, :, :1]
        mean = p_ref[...] * (1.0 / jnp.maximum(cn, 1.0))
        h = jnp.maximum(_dotT(mean, wl_ref[...]) + y1_ref[...], 0.0)
        h_ref[...] = h
        y_ref[...] = _dotT(h, wr_ref[...]) + b_ref[...]

    h, y2 = pl.pallas_call(
        body,
        grid=(GRID,),
        in_specs=[
            pl.BlockSpec((BLK, D), lambda i: (i, 0)),
            pl.BlockSpec((NC, BLK, CW), lambda i: (0, i, 0)),
            pl.BlockSpec((BLK, D), lambda i: (i, 0)),
            pl.BlockSpec((D, D), lambda i: (0, 0)),
            pl.BlockSpec((D, D), lambda i: (0, 0)),
            pl.BlockSpec((1, D), lambda i: (0, 0)),
        ],
        out_specs=[
            pl.BlockSpec((BLK, D), lambda i: (i, 0)),
            pl.BlockSpec((BLK, D), lambda i: (i, 0)),
        ],
        out_shape=[
            jax.ShapeDtypeStruct((N, D), jnp.float32),
            jax.ShapeDtypeStruct((N, D), jnp.float32),
        ],
    )(p, cnt, y1, Wl, Wr, b.reshape(1, D))
    return h, y2


def _tc_out(q, cnt, y2, Wl):
    def body(q_ref, c_ref, y2_ref, wl_ref, o_ref):
        cn = c_ref[0, :, :1] + c_ref[1, :, :1]
        mean = q_ref[...] * (1.0 / jnp.maximum(cn, 1.0))
        o_ref[...] = _dotT(mean, wl_ref[...]) + y2_ref[...]

    return pl.pallas_call(
        body,
        grid=(GRID,),
        in_specs=[
            pl.BlockSpec((BLK, D), lambda i: (i, 0)),
            pl.BlockSpec((NC, BLK, CW), lambda i: (0, i, 0)),
            pl.BlockSpec((BLK, D), lambda i: (i, 0)),
            pl.BlockSpec((D, D), lambda i: (0, 0)),
        ],
        out_specs=pl.BlockSpec((BLK, D), lambda i: (i, 0)),
        out_shape=jax.ShapeDtypeStruct((N, D), jnp.float32),
    )(q, cnt, y2, Wl)


_ZEROS = np.zeros((RPT, DH), np.float32)
_ZEROS_C = np.zeros((RPT, CW), np.float32)
_ONES = np.ones((CHUNK, CW), np.float32)


def kernel(x, edge_index, W1l, b1l, W1r, W2l, b2l, W2r):
    src_r = edge_index[0].reshape(NCHC, CHUNK).astype(jnp.int32)
    dst_r = edge_index[1].reshape(NCHC, CHUNK).astype(jnp.int32)
    src2 = jnp.stack([src_r * 2, src_r * 2 + 1])
    zeros = _ZEROS
    zeros_c = _ZEROS_C
    ones = _ONES

    xr = x.reshape(2 * N, DH)
    p, cnt = _sc_scatter_l1(xr, src2, dst_r, zeros, zeros_c, ones)
    y1 = _tc_root(x, W1r, b1l)
    h, y2 = _tc_mid(p, cnt, y1, W1l, W2r, b2l)
    hr = h.reshape(2 * N, DH)
    (q,) = _sc_scatter_l2(hr, src2, dst_r, zeros, zeros_c, ones)
    return _tc_out(q, cnt, y2, W2l)

# --- scband reference (transcript-rebuilt; emitter-appended) ---
"""Pipeline reference for scband-graph-sageencoder-24257975288372 (READ-ONLY COPY).

The authoritative reference and input builder live on the scoring server;
editing this copy changes nothing except your own understanding.
"""

import jax, jax.numpy as jnp
import numpy as np

N = 10000
E = 320000
D_IN = 128
D_HID = 128
D_OUT = 128


def _sage_conv(x, src, dst, Wl, bl, Wr, num_nodes):
    # message = gather source node features
    msg = jnp.take(x, src, axis=0)
    # mean aggregation over destination nodes (scatter-add + degree normalize)
    agg = jax.ops.segment_sum(msg, dst, num_segments=num_nodes)
    cnt = jax.ops.segment_sum(jnp.ones((src.shape[0],), dtype=x.dtype), dst, num_segments=num_nodes)
    mean = agg / jnp.maximum(cnt, 1.0)[:, None]
    # lin_l(aggregated) + bias + lin_r(root), matching PyG SAGEConv (mean aggr)
    return mean @ Wl.T + bl + x @ Wr.T


def setup_inputs(seed: int = 0):
    key = jax.random.key(seed)
    ks = jax.random.split(key, 8)
    x = jax.random.normal(ks[0], (N, D_IN), dtype=jnp.float32)
    edge_index = jax.random.randint(ks[1], (2, E), 0, N)
    s1 = 1.0 / np.sqrt(D_IN)
    s2 = 1.0 / np.sqrt(D_HID)
    W1l = jax.random.uniform(ks[2], (D_HID, D_IN), dtype=jnp.float32, minval=-s1, maxval=s1)
    b1l = jax.random.uniform(ks[3], (D_HID,), dtype=jnp.float32, minval=-s1, maxval=s1)
    W1r = jax.random.uniform(ks[4], (D_HID, D_IN), dtype=jnp.float32, minval=-s1, maxval=s1)
    W2l = jax.random.uniform(ks[5], (D_OUT, D_HID), dtype=jnp.float32, minval=-s2, maxval=s2)
    b2l = jax.random.uniform(ks[6], (D_OUT,), dtype=jnp.float32, minval=-s2, maxval=s2)
    W2r = jax.random.uniform(ks[7], (D_OUT, D_HID), dtype=jnp.float32, minval=-s2, maxval=s2)
    return {"x": x, "edge_index": edge_index, "W1l": W1l, "b1l": b1l, "W1r": W1r, "W2l": W2l, "b2l": b2l, "W2r": W2r}


def reference(x, edge_index, W1l, b1l, W1r, W2l, b2l, W2r):
    src = edge_index[0]
    dst = edge_index[1]
    h = jax.nn.relu(_sage_conv(x, src, dst, W1l, b1l, W1r, N))
    # dropout is identity in eval mode
    out = _sage_conv(h, src, dst, W2l, b2l, W2r, N)
    return out

if __name__ == "__main__":
    import jax
    _d = setup_inputs()
    print(jax.jit(kernel)(*tuple(_d.values())))

</pallas_src>

<mosaic_0001>
#map = affine_map<(d0, d1) -> (0, 0)>
#map1 = affine_map<(d0, d1) -> (0, 0, 0)>
module attributes {stable_mosaic.version = 14 : i64} {
  func.func @k(%arg0: i32, %arg1: i32, %arg2: memref<20000x64xf32, #tpu.memory_space<hbm>>, %arg3: memref<2x2500x128xi32, #tpu.memory_space<hbm>>, %arg4: memref<2500x128xi32, #tpu.memory_space<hbm>>, %arg5: memref<632x64xf32, #tpu.memory_space<hbm>>, %arg6: memref<632x8xf32, #tpu.memory_space<hbm>>, %arg7: memref<128x8xf32, #tpu.memory_space<hbm>>, %arg8: memref<10112x128xf32, #tpu.memory_space<hbm>>, %arg9: memref<157x128xi32, #tpu.memory_space<vmem>>, %arg10: memref<157x128xi32, #tpu.memory_space<vmem>>, %arg11: memref<4x128x64xf32, #tpu.memory_space<vmem>>, %arg12: memref<128x8xf32, #tpu.memory_space<vmem>>, %arg13: memref<10112x64xf32, #tpu.memory_space<vmem_shared>>, %arg14: memref<10112x8xf32, #tpu.memory_space<vmem_shared>>, %arg15: memref<!tpu.dma_semaphore, #tpu.memory_space<semaphore_mem>>, %arg16: memref<!tpu.dma_semaphore, #tpu.memory_space<semaphore_mem>>, %arg17: memref<!tpu.dma_semaphore, #tpu.memory_space<semaphore_mem>>, %arg18: memref<!tpu.dma_semaphore, #tpu.memory_space<semaphore_mem>>) attributes {dimension_semantics = [#tpu.dimension_semantics<core_parallel>, #tpu.dimension_semantics<subcore_parallel>], iteration_bounds = array<i64: 2, 16>, scalar_prefetch = 0 : i64, scratch_operands = 10 : i64, tpu.core_type = #tpu.core_type<sc_vector_subcore>, window_params = [{transform_indices = #map}, {transform_indices = #map1}, {transform_indices = #map}, {transform_indices = #map}, {transform_indices = #map}, {transform_indices = #map}, {transform_indices = #map}]} {
    %mul3A = arith.constant 632 : i32
    %mul3A_0 = arith.muli %arg1, %mul3A : i32
    "tpu.region"() ({
      %run_scoped3A = tpu.sem_alloc : memref<!tpu.dma_semaphore, #tpu.memory_space<semaphore_mem>>
      %dma_start3A_66 = arith.constant 0 : i32
      %dma_start3A_67 = tpu.memref_slice %arg13[%mul3A_0, %dma_start3A_66] : memref<10112x64xf32, #tpu.memory_space<vmem_shared>> -> memref<632x64xf32, #tpu.memory_space<vmem_shared>>
      tpu.enqueue_dma source(%arg5 : memref<632x64xf32, #tpu.memory_space<hbm>>) target(%dma_start3A_67 : memref<632x64xf32, #tpu.memory_space<vmem_shared>>) target_semaphore(%run_scoped3A : memref<!tpu.dma_semaphore, #tpu.memory_space<semaphore_mem>>)
      %dma_wait3A = arith.constant 0 : i32
      %dma_wait3A_68 = tpu.memref_slice %arg13[%mul3A_0, %dma_wait3A] : memref<10112x64xf32, #tpu.memory_space<vmem_shared>> -> memref<632x64xf32, #tpu.memory_space<vmem_shared>>
      tpu.wait_dma2 semaphore(%run_scoped3A : memref<!tpu.dma_semaphore, #tpu.memory_space<semaphore_mem>>) src(%arg5 : memref<632x64xf32, #tpu.memory_space<hbm>>) dst(%dma_wait3A_68 : memref<632x64xf32, #tpu.memory_space<vmem_shared>>)
      tpu.yield
    }) : () -> ()
    %mul3A_1 = arith.constant 156 : i32
    %mul3A_2 = arith.muli %arg1, %mul3A_1 : i32
    "tpu.region"() ({
      %run_scoped3A = tpu.sem_alloc : memref<!tpu.dma_semaphore, #tpu.memory_space<semaphore_mem>>
      %dma_start3A_66 = arith.constant 0 : i32
      %dma_start3A_67 = arith.constant 0 : i32
      %dma_start3A_68 = tpu.memref_slice %arg9[%dma_start3A_66, %dma_start3A_67] : memref<157x128xi32, #tpu.memory_space<vmem>> -> memref<156x128xi32, #tpu.memory_space<vmem>>
      %dma_start3A_69 = arith.constant 0 : i32
      %dma_start3A_70 = tpu.memref_slice %arg3[%arg0, %mul3A_2, %dma_start3A_69] : memref<2x2500x128xi32, #tpu.memory_space<hbm>> -> memref<1x156x128xi32, #tpu.memory_space<hbm>>
      %dma_start3A_71 = tpu.memref_squeeze %dma_start3A_70 : memref<1x156x128xi32, #tpu.memory_space<hbm>> -> memref<156x128xi32, #tpu.memory_space<hbm>>
      %dma_start3A_72 = arith.constant 0 : i32
      %dma_start3A_73 = arith.constant 0 : i32
      %dma_start3A_74 = tpu.memref_slice %arg9[%dma_start3A_72, %dma_start3A_73] : memref<157x128xi32, #tpu.memory_space<vmem>> -> memref<156x128xi32, #tpu.memory_space<vmem>>
      %dma_start3A_75 = arith.constant 0 : i32
      %dma_start3A_76 = tpu.memref_slice %arg3[%arg0, %mul3A_2, %dma_start3A_75] : memref<2x2500x128xi32, #tpu.memory_space<hbm>> -> memref<1x156x128xi32, #tpu.memory_space<hbm>>
      %dma_start3A_77 = tpu.memref_squeeze %dma_start3A_76 : memref<1x156x128xi32, #tpu.memory_space<hbm>> -> memref<156x128xi32, #tpu.memory_space<hbm>>
      tpu.enqueue_dma source(%dma_start3A_77 : memref<156x128xi32, #tpu.memory_space<hbm>>) target(%dma_start3A_74 : memref<156x128xi32, #tpu.memory_space<vmem>>) target_semaphore(%run_scoped3A : memref<!tpu.dma_semaphore, #tpu.memory_space<semaphore_mem>>)
      %dma_wait3A = arith.constant 0 : i32
      %dma_wait3A_78 = arith.constant 0 : i32
      %dma_wait3A_79 = tpu.memref_slice %arg9[%dma_wait3A, %dma_wait3A_78] : memref<157x128xi32, #tpu.memory_space<vmem>> -> memref<156x128xi32, #tpu.memory_space<vmem>>
      %dma_wait3A_80 = arith.constant 0 : i32
      %dma_wait3A_81 = tpu.memref_slice %arg3[%arg0, %mul3A_2, %dma_wait3A_80] : memref<2x2500x128xi32, #tpu.memory_space<hbm>> -> memref<1x156x128xi32, #tpu.memory_space<hbm>>
      %dma_wait3A_82 = tpu.memref_squeeze %dma_wait3A_81 : memref<1x156x128xi32, #tpu.memory_space<hbm>> -> memref<156x128xi32, #tpu.memory_space<hbm>>
      %dma_wait3A_83 = arith.constant 0 : i32
      %dma_wait3A_84 = arith.constant 0 : i32
      %dma_wait3A_85 = tpu.memref_slice %arg9[%dma_wait3A_83, %dma_wait3A_84] : memref<157x128xi32, #tpu.memory_space<vmem>> -> memref<156x128xi32, #tpu.memory_space<vmem>>
      %dma_wait3A_86 = arith.constant 0 : i32
      %dma_wait3A_87 = tpu.memref_slice %arg3[%arg0, %mul3A_2, %dma_wait3A_86] : memref<2x2500x128xi32, #tpu.memory_space<hbm>> -> memref<1x156x128xi32, #tpu.memory_space<hbm>>
      %dma_wait3A_88 = tpu.memref_squeeze %dma_wait3A_87 : memref<1x156x128xi32, #tpu.memory_space<hbm>> -> memref<156x128xi32, #tpu.memory_space<hbm>>
      tpu.wait_dma2 semaphore(%run_scoped3A : memref<!tpu.dma_semaphore, #tpu.memory_space<semaphore_mem>>) src(%dma_wait3A_88 : memref<156x128xi32, #tpu.memory_space<hbm>>) dst(%dma_wait3A_85 : memref<156x128xi32, #tpu.memory_space<vmem>>)
      tpu.yield
    }) : () -> ()
    "tpu.region"() ({
      %run_scoped3A = tpu.sem_alloc : memref<!tpu.dma_semaphore, #tpu.memory_space<semaphore_mem>>
      %dma_start3A_66 = arith.constant 0 : i32
      %dma_start3A_67 = arith.constant 0 : i32
      %dma_start3A_68 = tpu.memref_slice %arg10[%dma_start3A_66, %dma_start3A_67] : memref<157x128xi32, #tpu.memory_space<vmem>> -> memref<156x128xi32, #tpu.memory_space<vmem>>
      %dma_start3A_69 = arith.constant 0 : i32
      %dma_start3A_70 = tpu.memref_slice %arg4[%mul3A_2, %dma_start3A_69] : memref<2500x128xi32, #tpu.memory_space<hbm>> -> memref<156x128xi32, #tpu.memory_space<hbm>>
      %dma_start3A_71 = arith.constant 0 : i32
      %dma_start3A_72 = arith.constant 0 : i32
      %dma_start3A_73 = tpu.memref_slice %arg10[%dma_start3A_71, %dma_start3A_72] : memref<157x128xi32, #tpu.memory_space<vmem>> -> memref<156x128xi32, #tpu.memory_space<vmem>>
      %dma_start3A_74 = arith.constant 0 : i32
      %dma_start3A_75 = tpu.memref_slice %arg4[%mul3A_2, %dma_start3A_74] : memref<2500x128xi32, #tpu.memory_space<hbm>> -> memref<156x128xi32, #tpu.memory_space<hbm>>
      tpu.enqueue_dma source(%dma_start3A_75 : memref<156x128xi32, #tpu.memory_space<hbm>>) target(%dma_start3A_73 : memref<156x128xi32, #tpu.memory_space<vmem>>) target_semaphore(%run_scoped3A : memref<!tpu.dma_semaphore, #tpu.memory_space<semaphore_mem>>)
      %dma_wait3A = arith.constant 0 : i32
      %dma_wait3A_76 = arith.constant 0 : i32
      %dma_wait3A_77 = tpu.memref_slice %arg10[%dma_wait3A, %dma_wait3A_76] : memref<157x128xi32, #tpu.memory_space<vmem>> -> memref<156x128xi32, #tpu.memory_space<vmem>>
      %dma_wait3A_78 = arith.constant 0 : i32
      %dma_wait3A_79 = tpu.memref_slice %arg4[%mul3A_2, %dma_wait3A_78] : memref<2500x128xi32, #tpu.memory_space<hbm>> -> memref<156x128xi32, #tpu.memory_space<hbm>>
      %dma_wait3A_80 = arith.constant 0 : i32
      %dma_wait3A_81 = arith.constant 0 : i32
      %dma_wait3A_82 = tpu.memref_slice %arg10[%dma_wait3A_80, %dma_wait3A_81] : memref<157x128xi32, #tpu.memory_space<vmem>> -> memref<156x128xi32, #tpu.memory_space<vmem>>
      %dma_wait3A_83 = arith.constant 0 : i32
      %dma_wait3A_84 = tpu.memref_slice %arg4[%mul3A_2, %dma_wait3A_83] : memref<2500x128xi32, #tpu.memory_space<hbm>> -> memref<156x128xi32, #tpu.memory_space<hbm>>
      tpu.wait_dma2 semaphore(%run_scoped3A : memref<!tpu.dma_semaphore, #tpu.memory_space<semaphore_mem>>) src(%dma_wait3A_84 : memref<156x128xi32, #tpu.memory_space<hbm>>) dst(%dma_wait3A_82 : memref<156x128xi32, #tpu.memory_space<vmem>>)
      tpu.yield
    }) : () -> ()
    %lt3A = arith.constant 4 : i32
    %lt3A_3 = arith.cmpi slt, %arg1, %lt3A : i32
    %convert_element_type3A = arith.extui %lt3A_3 : i1 to i32
    %cond3A = arith.constant 0 : i32
    %cond3A_4 = arith.cmpi ne, %convert_element_type3A, %cond3A : i32
    scf.if %cond3A_4 {
      %add3A = arith.constant 2496 : i32
      %add3A_66 = arith.addi %add3A, %arg1 : i32
      "tpu.region"() ({
        %run_scoped3A = tpu.sem_alloc : memref<!tpu.dma_semaphore, #tpu.memory_space<semaphore_mem>>
        %dma_start3A_69 = arith.constant 156 : i32
        %dma_start3A_70 = arith.constant 0 : i32
        %dma_start3A_71 = tpu.memref_slice %arg9[%dma_start3A_69, %dma_start3A_70] : memref<157x128xi32, #tpu.memory_space<vmem>> -> memref<1x128xi32, #tpu.memory_space<vmem>>
        %dma_start3A_72 = arith.constant 0 : i32
        %dma_start3A_73 = tpu.memref_slice %arg3[%arg0, %add3A_66, %dma_start3A_72] : memref<2x2500x128xi32, #tpu.memory_space<hbm>> -> memref<1x1x128xi32, #tpu.memory_space<hbm>>
        %dma_start3A_74 = tpu.memref_squeeze %dma_start3A_73 : memref<1x1x128xi32, #tpu.memory_space<hbm>> -> memref<1x128xi32, #tpu.memory_space<hbm>>
        %dma_start3A_75 = arith.constant 156 : i32
        %dma_start3A_76 = arith.constant 0 : i32
        %dma_start3A_77 = tpu.memref_slice %arg9[%dma_start3A_75, %dma_start3A_76] : memref<157x128xi32, #tpu.memory_space<vmem>> -> memref<1x128xi32, #tpu.memory_space<vmem>>
        %dma_start3A_78 = arith.constant 0 : i32
        %dma_start3A_79 = tpu.memref_slice %arg3[%arg0, %add3A_66, %dma_start3A_78] : memref<2x2500x128xi32, #tpu.memory_space<hbm>> -> memref<1x1x128xi32, #tpu.memory_space<hbm>>
        %dma_start3A_80 = tpu.memref_squeeze %dma_start3A_79 : memref<1x1x128xi32, #tpu.memory_space<hbm>> -> memref<1x128xi32, #tpu.memory_space<hbm>>
        tpu.enqueue_dma source(%dma_start3A_80 : memref<1x128xi32, #tpu.memory_space<hbm>>) target(%dma_start3A_77 : memref<1x128xi32, #tpu.memory_space<vmem>>) target_semaphore(%run_scoped3A : memref<!tpu.dma_semaphore, #tpu.memory_space<semaphore_mem>>)
        %dma_wait3A = arith.constant 156 : i32
        %dma_wait3A_81 = arith.constant 0 : i32
        %dma_wait3A_82 = tpu.memref_slice %arg9[%dma_wait3A, %dma_wait3A_81] : memref<157x128xi32, #tpu.memory_space<vmem>> -> memref<1x128xi32, #tpu.memory_space<vmem>>
        %dma_wait3A_83 = arith.constant 0 : i32
        %dma_wait3A_84 = tpu.memref_slice %arg3[%arg0, %add3A_66, %dma_wait3A_83] : memref<2x2500x128xi32, #tpu.memory_space<hbm>> -> memref<1x1x128xi32, #tpu.memory_space<hbm>>
        %dma_wait3A_85 = tpu.memref_squeeze %dma_wait3A_84 : memref<1x1x128xi32, #tpu.memory_space<hbm>> -> memref<1x128xi32, #tpu.memory_space<hbm>>
        %dma_wait3A_86 = arith.constant 156 : i32
        %dma_wait3A_87 = arith.constant 0 : i32
        %dma_wait3A_88 = tpu.memref_slice %arg9[%dma_wait3A_86, %dma_wait3A_87] : memref<157x128xi32, #tpu.memory_space<vmem>> -> memref<1x128xi32, #tpu.memory_space<vmem>>
        %dma_wait3A_89 = arith.constant 0 : i32
        %dma_wait3A_90 = tpu.memref_slice %arg3[%arg0, %add3A_66, %dma_wait3A_89] : memref<2x2500x128xi32, #tpu.memory_space<hbm>> -> memref<1x1x128xi32, #tpu.memory_space<hbm>>
        %dma_wait3A_91 = tpu.memref_squeeze %dma_wait3A_90 : memref<1x1x128xi32, #tpu.memory_space<hbm>> -> memref<1x128xi32, #tpu.memory_space<hbm>>
        tpu.wait_dma2 semaphore(%run_scoped3A : memref<!tpu.dma_semaphore, #tpu.memory_space<semaphore_mem>>) src(%dma_wait3A_91 : memref<1x128xi32, #tpu.memory_space<hbm>>) dst(%dma_wait3A_88 : memref<1x128xi32, #tpu.memory_space<vmem>>)
        tpu.yield
      }) : () -> ()
      %add3A_67 = arith.constant 2496 : i32
      %add3A_68 = arith.addi %add3A_67, %arg1 : i32
      "tpu.region"() ({
        %run_scoped3A = tpu.sem_alloc : memref<!tpu.dma_semaphore, #tpu.memory_space<semaphore_mem>>
        %dma_start3A_69 = arith.constant 156 : i32
        %dma_start3A_70 = arith.constant 0 : i32
        %dma_start3A_71 = tpu.memref_slice %arg10[%dma_start3A_69, %dma_start3A_70] : memref<157x128xi32, #tpu.memory_space<vmem>> -> memref<1x128xi32, #tpu.memory_space<vmem>>
        %dma_start3A_72 = arith.constant 0 : i32
        %dma_start3A_73 = tpu.memref_slice %arg4[%add3A_68, %dma_start3A_72] : memref<2500x128xi32, #tpu.memory_space<hbm>> -> memref<1x128xi32, #tpu.memory_space<hbm>>
        %dma_start3A_74 = arith.constant 156 : i32
        %dma_start3A_75 = arith.constant 0 : i32
        %dma_start3A_76 = tpu.memref_slice %arg10[%dma_start3A_74, %dma_start3A_75] : memref<157x128xi32, #tpu.memory_space<vmem>> -> memref<1x128xi32, #tpu.memory_space<vmem>>
        %dma_start3A_77 = arith.constant 0 : i32
        %dma_start3A_78 = tpu.memref_slice %arg4[%add3A_68, %dma_start3A_77] : memref<2500x128xi32, #tpu.memory_space<hbm>> -> memref<1x128xi32, #tpu.memory_space<hbm>>
        tpu.enqueue_dma source(%dma_start3A_78 : memref<1x128xi32, #tpu.memory_space<hbm>>) target(%dma_start3A_76 : memref<1x128xi32, #tpu.memory_space<vmem>>) target_semaphore(%run_scoped3A : memref<!tpu.dma_semaphore, #tpu.memory_space<semaphore_mem>>)
        %dma_wait3A = arith.constant 156 : i32
        %dma_wait3A_79 = arith.constant 0 : i32
        %dma_wait3A_80 = tpu.memref_slice %arg10[%dma_wait3A, %dma_wait3A_79] : memref<157x128xi32, #tpu.memory_space<vmem>> -> memref<1x128xi32, #tpu.memory_space<vmem>>
        %dma_wait3A_81 = arith.constant 0 : i32
        %dma_wait3A_82 = tpu.memref_slice %arg4[%add3A_68, %dma_wait3A_81] : memref<2500x128xi32, #tpu.memory_space<hbm>> -> memref<1x128xi32, #tpu.memory_space<hbm>>
        %dma_wait3A_83 = arith.constant 156 : i32
        %dma_wait3A_84 = arith.constant 0 : i32
        %dma_wait3A_85 = tpu.memref_slice %arg10[%dma_wait3A_83, %dma_wait3A_84] : memref<157x128xi32, #tpu.memory_space<vmem>> -> memref<1x128xi32, #tpu.memory_space<vmem>>
        %dma_wait3A_86 = arith.constant 0 : i32
        %dma_wait3A_87 = tpu.memref_slice %arg4[%add3A_68, %dma_wait3A_86] : memref<2500x128xi32, #tpu.memory_space<hbm>> -> memref<1x128xi32, #tpu.memory_space<hbm>>
        tpu.wait_dma2 semaphore(%run_scoped3A : memref<!tpu.dma_semaphore, #tpu.memory_space<semaphore_mem>>) src(%dma_wait3A_87 : memref<1x128xi32, #tpu.memory_space<hbm>>) dst(%dma_wait3A_85 : memref<1x128xi32, #tpu.memory_space<vmem>>)
        tpu.yield
      }) : () -> ()
    } else {
    }
    %barrier3A = arith.constant 0 : index
    tpu.barrier barrier_id(%barrier3A)
    %dma_start3A = arith.constant 0 : i32
    %dma_start3A_5 = arith.constant 0 : i32
    %dma_start3A_6 = arith.constant 0 : i32
    %dma_start3A_7 = arith.constant 0 : i32
    %dma_start3A_8 = tpu.memref_slice %arg11[%dma_start3A_5, %dma_start3A_6, %dma_start3A_7] : memref<4x128x64xf32, #tpu.memory_space<vmem>> -> memref<1x128x64xf32, #tpu.memory_space<vmem>>
    %dma_start3A_9 = tpu.memref_squeeze %dma_start3A_8 : memref<1x128x64xf32, #tpu.memory_space<vmem>> -> memref<128x64xf32, #tpu.memory_space<vmem>>
    %dma_start3A_10 = arith.constant 0 : i32
    %dma_start3A_11 = tpu.memref_slice %arg9[%dma_start3A, %dma_start3A_10] : memref<157x128xi32, #tpu.memory_space<vmem>> -> memref<1x128xi32, #tpu.memory_space<vmem>>
    %dma_start3A_12 = tpu.memref_squeeze %dma_start3A_11 : memref<1x128xi32, #tpu.memory_space<vmem>> -> memref<128xi32, #tpu.memory_space<vmem>>
    %dma_start3A_13 = arith.constant 0 : i32
    %dma_start3A_14 = arith.constant 0 : i32
    %dma_start3A_15 = tpu.memref_slice %arg2[%dma_start3A_13, %dma_start3A_14] : memref<20000x64xf32, #tpu.memory_space<hbm>> -> memref<20000x64xf32, #tpu.memory_space<hbm>>
    tpu.enqueue_indirect_dma source(%dma_start3A_15 : memref<20000x64xf32, #tpu.memory_space<hbm>>) target(%dma_start3A_9 : memref<128x64xf32, #tpu.memory_space<vmem>>) offsets(%dma_start3A_12 : memref<128xi32, #tpu.memory_space<vmem>>) semaphore(%arg15 : memref<!tpu.dma_semaphore, #tpu.memory_space<semaphore_mem>>)
    %dma_start3A_16 = arith.constant 1 : i32
    %dma_start3A_17 = arith.constant 1 : i32
    %dma_start3A_18 = arith.constant 0 : i32
    %dma_start3A_19 = arith.constant 0 : i32
    %dma_start3A_20 = tpu.memref_slice %arg11[%dma_start3A_17, %dma_start3A_18, %dma_start3A_19] : memref<4x128x64xf32, #tpu.memory_space<vmem>> -> memref<1x128x64xf32, #tpu.memory_space<vmem>>
    %dma_start3A_21 = tpu.memref_squeeze %dma_start3A_20 : memref<1x128x64xf32, #tpu.memory_space<vmem>> -> memref<128x64xf32, #tpu.memory_space<vmem>>
    %dma_start3A_22 = arith.constant 0 : i32
    %dma_start3A_23 = tpu.memref_slice %arg9[%dma_start3A_16, %dma_start3A_22] : memref<157x128xi32, #tpu.memory_space<vmem>> -> memref<1x128xi32, #tpu.memory_space<vmem>>
    %dma_start3A_24 = tpu.memref_squeeze %dma_start3A_23 : memref<1x128xi32, #tpu.memory_space<vmem>> -> memref<128xi32, #tpu.memory_space<vmem>>
    %dma_start3A_25 = arith.constant 0 : i32
    %dma_start3A_26 = arith.constant 0 : i32
    %dma_start3A_27 = tpu.memref_slice %arg2[%dma_start3A_25, %dma_start3A_26] : memref<20000x64xf32, #tpu.memory_space<hbm>> -> memref<20000x64xf32, #tpu.memory_space<hbm>>
    tpu.enqueue_indirect_dma source(%dma_start3A_27 : memref<20000x64xf32, #tpu.memory_space<hbm>>) target(%dma_start3A_21 : memref<128x64xf32, #tpu.memory_space<vmem>>) offsets(%dma_start3A_24 : memref<128xi32, #tpu.memory_space<vmem>>) semaphore(%arg16 : memref<!tpu.dma_semaphore, #tpu.memory_space<semaphore_mem>>)
    %dma_start3A_28 = arith.constant 2 : i32
    %dma_start3A_29 = arith.constant 2 : i32
    %dma_start3A_30 = arith.constant 0 : i32
    %dma_start3A_31 = arith.constant 0 : i32
    %dma_start3A_32 = tpu.memref_slice %arg11[%dma_start3A_29, %dma_start3A_30, %dma_start3A_31] : memref<4x128x64xf32, #tpu.memory_space<vmem>> -> memref<1x128x64xf32, #tpu.memory_space<vmem>>
    %dma_start3A_33 = tpu.memref_squeeze %dma_start3A_32 : memref<1x128x64xf32, #tpu.memory_space<vmem>> -> memref<128x64xf32, #tpu.memory_space<vmem>>
    %dma_start3A_34 = arith.constant 0 : i32
    %dma_start3A_35 = tpu.memref_slice %arg9[%dma_start3A_28, %dma_start3A_34] : memref<157x128xi32, #tpu.memory_space<vmem>> -> memref<1x128xi32, #tpu.memory_space<vmem>>
    %dma_start3A_36 = tpu.memref_squeeze %dma_start3A_35 : memref<1x128xi32, #tpu.memory_space<vmem>> -> memref<128xi32, #tpu.memory_space<vmem>>
    %dma_start3A_37 = arith.constant 0 : i32
    %dma_start3A_38 = arith.constant 0 : i32
    %dma_start3A_39 = tpu.memref_slice %arg2[%dma_start3A_37, %dma_start3A_38] : memref<20000x64xf32, #tpu.memory_space<hbm>> -> memref<20000x64xf32, #tpu.memory_space<hbm>>
    tpu.enqueue_indirect_dma source(%dma_start3A_39 : memref<20000x64xf32, #tpu.memory_space<hbm>>) target(%dma_start3A_33 : memref<128x64xf32, #tpu.memory_space<vmem>>) offsets(%dma_start3A_36 : memref<128xi32, #tpu.memory_space<vmem>>) semaphore(%arg17 : memref<!tpu.dma_semaphore, #tpu.memory_space<semaphore_mem>>)
    %dma_start3A_40 = arith.constant 3 : i32
    %dma_start3A_41 = arith.constant 3 : i32
    %dma_start3A_42 = arith.constant 0 : i32
    %dma_start3A_43 = arith.constant 0 : i32
    %dma_start3A_44 = tpu.memref_slice %arg11[%dma_start3A_41, %dma_start3A_42, %dma_start3A_43] : memref<4x128x64xf32, #tpu.memory_space<vmem>> -> memref<1x128x64xf32, #tpu.memory_space<vmem>>
    %dma_start3A_45 = tpu.memref_squeeze %dma_start3A_44 : memref<1x128x64xf32, #tpu.memory_space<vmem>> -> memref<128x64xf32, #tpu.memory_space<vmem>>
    %dma_start3A_46 = arith.constant 0 : i32
    %dma_start3A_47 = tpu.memref_slice %arg9[%dma_start3A_40, %dma_start3A_46] : memref<157x128xi32, #tpu.memory_space<vmem>> -> memref<1x128xi32, #tpu.memory_space<vmem>>
    %dma_start3A_48 = tpu.memref_squeeze %dma_start3A_47 : memref<1x128xi32, #tpu.memory_space<vmem>> -> memref<128xi32, #tpu.memory_space<vmem>>
    %dma_start3A_49 = arith.constant 0 : i32
    %dma_start3A_50 = arith.constant 0 : i32
    %dma_start3A_51 = tpu.memref_slice %arg2[%dma_start3A_49, %dma_start3A_50] : memref<20000x64xf32, #tpu.memory_space<hbm>> -> memref<20000x64xf32, #tpu.memory_space<hbm>>
    tpu.enqueue_indirect_dma source(%dma_start3A_51 : memref<20000x64xf32, #tpu.memory_space<hbm>>) target(%dma_start3A_45 : memref<128x64xf32, #tpu.memory_space<vmem>>) offsets(%dma_start3A_48 : memref<128xi32, #tpu.memory_space<vmem>>) semaphore(%arg18 : memref<!tpu.dma_semaphore, #tpu.memory_space<semaphore_mem>>)
    %scan3A = arith.constant 0 : i32
    %scan3A_52 = arith.constant 39 : i32
    %scan3A_53 = arith.addi %scan3A, %scan3A_52 : i32
    %scan3A_54 = arith.constant 1 : i32
    scf.for %scan3A_66 = %scan3A to %scan3A_53 step %scan3A_54  : i32 {
      %mul3A_67 = arith.constant 4 : i32
      %mul3A_68 = arith.muli %scan3A_66, %mul3A_67 : i32
      %add3A = arith.constant 0 : i32
      %add3A_69 = arith.addi %add3A, %mul3A_68 : i32
      %add3A_70 = arith.constant 0 : i32
      %add3A_71 = arith.addi %add3A_69, %add3A_70 : i32
      %dma_wait3A = arith.constant 0 : i32
      %dma_wait3A_72 = arith.constant 0 : i32
      %dma_wait3A_73 = arith.constant 0 : i32
      %dma_wait3A_74 = tpu.memref_slice %arg11[%dma_wait3A, %dma_wait3A_72, %dma_wait3A_73] : memref<4x128x64xf32, #tpu.memory_space<vmem>> -> memref<1x128x64xf32, #tpu.memory_space<vmem>>
      %dma_wait3A_75 = tpu.memref_squeeze %dma_wait3A_74 : memref<1x128x64xf32, #tpu.memory_space<vmem>> -> memref<128x64xf32, #tpu.memory_space<vmem>>
      %dma_wait3A_76 = arith.constant 0 : i32
      %dma_wait3A_77 = tpu.memref_slice %arg9[%add3A_71, %dma_wait3A_76] : memref<157x128xi32, #tpu.memory_space<vmem>> -> memref<1x128xi32, #tpu.memory_space<vmem>>
      %dma_wait3A_78 = tpu.memref_squeeze %dma_wait3A_77 : memref<1x128xi32, #tpu.memory_space<vmem>> -> memref<128xi32, #tpu.memory_space<vmem>>
      %dma_wait3A_79 = arith.constant 0 : i32
      %dma_wait3A_80 = arith.constant 0 : i32
      %dma_wait3A_81 = tpu.memref_slice %arg2[%dma_wait3A_79, %dma_wait3A_80] : memref<20000x64xf32, #tpu.memory_space<hbm>> -> memref<20000x64xf32, #tpu.memory_space<hbm>>
      tpu.wait_indirect_dma semaphore(%arg15 : memref<!tpu.dma_semaphore, #tpu.memory_space<semaphore_mem>>) src(%dma_wait3A_81 : memref<20000x64xf32, #tpu.memory_space<hbm>>) dst(%dma_wait3A_75 : memref<128x64xf32, #tpu.memory_space<vmem>>)
      %run_scoped3A = arith.constant 0 : i32
      "tpu.region"() ({
        %run_scoped3A_152 = tpu.sem_alloc : memref<!tpu.dma_semaphore, #tpu.memory_space<semaphore_mem>>
        %dma_start3A_153 = arith.constant 0 : i32
        %dma_start3A_154 = arith.constant 0 : i32
        %dma_start3A_155 = tpu.memref_slice %arg11[%run_scoped3A, %dma_start3A_153, %dma_start3A_154] : memref<4x128x64xf32, #tpu.memory_space<vmem>> -> memref<1x128x64xf32, #tpu.memory_space<vmem>>
        %dma_start3A_156 = tpu.memref_squeeze %dma_start3A_155 : memref<1x128x64xf32, #tpu.memory_space<vmem>> -> memref<128x64xf32, #tpu.memory_space<vmem>>
        %dma_start3A_157 = arith.constant 0 : i32
        %dma_start3A_158 = tpu.memref_slice %arg10[%add3A_71, %dma_start3A_157] : memref<157x128xi32, #tpu.memory_space<vmem>> -> memref<1x128xi32, #tpu.memory_space<vmem>>
        %dma_start3A_159 = tpu.memref_squeeze %dma_start3A_158 : memref<1x128xi32, #tpu.memory_space<vmem>> -> memref<128xi32, #tpu.memory_space<vmem>>
        %dma_start3A_160 = arith.constant 0 : i32
        %dma_start3A_161 = arith.constant 0 : i32
        %dma_start3A_162 = tpu.memref_slice %arg13[%dma_start3A_160, %dma_start3A_161] : memref<10112x64xf32, #tpu.memory_space<vmem_shared>> -> memref<10112x64xf32, #tpu.memory_space<vmem_shared>>
        tpu.enqueue_indirect_dma source(%dma_start3A_156 : memref<128x64xf32, #tpu.memory_space<vmem>>) target(%dma_start3A_162 : memref<10112x64xf32, #tpu.memory_space<vmem_shared>>) offsets(%dma_start3A_159 : memref<128xi32, #tpu.memory_space<vmem>>) semaphore(%run_scoped3A_152 : memref<!tpu.dma_semaphore, #tpu.memory_space<semaphore_mem>>) {add = true}
        %dma_wait3A_163 = arith.constant 0 : i32
        %dma_wait3A_164 = arith.constant 0 : i32
        %dma_wait3A_165 = tpu.memref_slice %arg11[%run_scoped3A, %dma_wait3A_163, %dma_wait3A_164] : memref<4x128x64xf32, #tpu.memory_space<vmem>> -> memref<1x128x64xf32, #tpu.memory_space<vmem>>
        %dma_wait3A_166 = tpu.memref_squeeze %dma_wait3A_165 : memref<1x128x64xf32, #tpu.memory_space<vmem>> -> memref<128x64xf32, #tpu.memory_space<vmem>>
        %dma_wait3A_167 = arith.constant 0 : i32
        %dma_wait3A_168 = tpu.memref_slice %arg10[%add3A_71, %dma_wait3A_167] : memref<157x128xi32, #tpu.memory_space<vmem>> -> memref<1x128xi32, #tpu.memory_space<vmem>>
        %dma_wait3A_169 = tpu.memref_squeeze %dma_wait3A_168 : memref<1x128xi32, #tpu.memory_space<vmem>> -> memref<128xi32, #tpu.memory_space<vmem>>
        %dma_wait3A_170 = arith.constant 0 : i32
        %dma_wait3A_171 = arith.constant 0 : i32
        %dma_wait3A_172 = tpu.memref_slice %arg13[%dma_wait3A_170, %dma_wait3A_171] : memref<10112x64xf32, #tpu.memory_space<vmem_shared>> -> memref<10112x64xf32, #tpu.memory_space<vmem_shared>>
        tpu.wait_indirect_dma semaphore(%run_scoped3A_152 : memref<!tpu.dma_semaphore, #tpu.memory_space<semaphore_mem>>) src(%dma_wait3A_166 : memref<128x64xf32, #tpu.memory_space<vmem>>) dst(%dma_wait3A_172 : memref<10112x64xf32, #tpu.memory_space<vmem_shared>>)
        tpu.yield
      }) : () -> ()
      %add3A_82 = arith.constant 4 : i32
      %add3A_83 = arith.addi %add3A_71, %add3A_82 : i32
      %lt3A_84 = arith.constant 156 : i32
      %lt3A_85 = arith.cmpi slt, %add3A_83, %lt3A_84 : i32
      %convert_element_type3A_86 = arith.extui %lt3A_85 : i1 to i32
      %cond3A_87 = arith.constant 0 : i32
      %cond3A_88 = arith.cmpi ne, %convert_element_type3A_86, %cond3A_87 : i32
      scf.if %cond3A_88 {
        %dma_start3A_152 = arith.constant 0 : i32
        %dma_start3A_153 = arith.constant 0 : i32
        %dma_start3A_154 = arith.constant 0 : i32
        %dma_start3A_155 = tpu.memref_slice %arg11[%dma_start3A_152, %dma_start3A_153, %dma_start3A_154] : memref<4x128x64xf32, #tpu.memory_space<vmem>> -> memref<1x128x64xf32, #tpu.memory_space<vmem>>
        %dma_start3A_156 = tpu.memref_squeeze %dma_start3A_155 : memref<1x128x64xf32, #tpu.memory_space<vmem>> -> memref<128x64xf32, #tpu.memory_space<vmem>>
        %dma_start3A_157 = arith.constant 0 : i32
        %dma_start3A_158 = tpu.memref_slice %arg9[%add3A_83, %dma_start3A_157] : memref<157x128xi32, #tpu.memory_space<vmem>> -> memref<1x128xi32, #tpu.memory_space<vmem>>
        %dma_start3A_159 = tpu.memref_squeeze %dma_start3A_158 : memref<1x128xi32, #tpu.memory_space<vmem>> -> memref<128xi32, #tpu.memory_space<vmem>>
        %dma_start3A_160 = arith.constant 0 : i32
        %dma_start3A_161 = arith.constant 0 : i32
        %dma_start3A_162 = tpu.memref_slice %arg2[%dma_start3A_160, %dma_start3A_161] : memref<20000x64xf32, #tpu.memory_space<hbm>> -> memref<20000x64xf32, #tpu.memory_space<hbm>>
        tpu.enqueue_indirect_dma source(%dma_start3A_162 : memref<20000x64xf32, #tpu.memory_space<hbm>>) target(%dma_start3A_156 : memref<128x64xf32, #tpu.memory_space<vmem>>) offsets(%dma_start3A_159 : memref<128xi32, #tpu.memory_space<vmem>>) semaphore(%arg15 : memref<!tpu.dma_semaphore, #tpu.memory_space<semaphore_mem>>)
      } else {
      }
      %add3A_89 = arith.constant 1 : i32
      %add3A_90 = arith.addi %add3A_69, %add3A_89 : i32
      %dma_wait3A_91 = arith.constant 1 : i32
      %dma_wait3A_92 = arith.constant 0 : i32
      %dma_wait3A_93 = arith.constant 0 : i32
      %dma_wait3A_94 = tpu.memref_slice %arg11[%dma_wait3A_91, %dma_wait3A_92, %dma_wait3A_93] : memref<4x128x64xf32, #tpu.memory_space<vmem>> -> memref<1x128x64xf32, #tpu.memory_space<vmem>>
      %dma_wait3A_95 = tpu.memref_squeeze %dma_wait3A_94 : memref<1x128x64xf32, #tpu.memory_space<vmem>> -> memref<128x64xf32, #tpu.memory_space<vmem>>
      %dma_wait3A_96 = arith.constant 0 : i32
      %dma_wait3A_97 = tpu.memref_slice %arg9[%add3A_90, %dma_wait3A_96] : memref<157x128xi32, #tpu.memory_space<vmem>> -> memref<1x128xi32, #tpu.memory_space<vmem>>
      %dma_wait3A_98 = tpu.memref_squeeze %dma_wait3A_97 : memref<1x128xi32, #tpu.memory_space<vmem>> -> memref<128xi32, #tpu.memory_space<vmem>>
      %dma_wait3A_99 = arith.constant 0 : i32
      %dma_wait3A_100 = arith.constant 0 : i32
      %dma_wait3A_101 = tpu.memref_slice %arg2[%dma_wait3A_99, %dma_wait3A_100] : memref<20000x64xf32, #tpu.memory_space<hbm>> -> memref<20000x64xf32, #tpu.memory_space<hbm>>
      tpu.wait_indirect_dma semaphore(%arg16 : memref<!tpu.dma_semaphore, #tpu.memory_space<semaphore_mem>>) src(%dma_wait3A_101 : memref<20000x64xf32, #tpu.memory_space<hbm>>) dst(%dma_wait3A_95 : memref<128x64xf32, #tpu.memory_space<vmem>>)
      %run_scoped3A_102 = arith.constant 1 : i32
      "tpu.region"() ({
        %run_scoped3A_152 = tpu.sem_alloc : memref<!tpu.dma_semaphore, #tpu.memory_space<semaphore_mem>>
        %dma_start3A_153 = arith.constant 0 : i32
        %dma_start3A_154 = arith.constant 0 : i32
        %dma_start3A_155 = tpu.memref_slice %arg11[%run_scoped3A_102, %dma_start3A_153, %dma_start3A_154] : memref<4x128x64xf32, #tpu.memory_space<vmem>> -> memref<1x128x64xf32, #tpu.memory_space<vmem>>
        %dma_start3A_156 = tpu.memref_squeeze %dma_start3A_155 : memref<1x128x64xf32, #tpu.memory_space<vmem>> -> memref<128x64xf32, #tpu.memory_space<vmem>>
        %dma_start3A_157 = arith.constant 0 : i32
        %dma_start3A_158 = tpu.memref_slice %arg10[%add3A_90, %dma_start3A_157] : memref<157x128xi32, #tpu.memory_space<vmem>> -> memref<1x128xi32, #tpu.memory_space<vmem>>
        %dma_start3A_159 = tpu.memref_squeeze %dma_start3A_158 : memref<1x128xi32, #tpu.memory_space<vmem>> -> memref<128xi32, #tpu.memory_space<vmem>>
        %dma_start3A_160 = arith.constant 0 : i32
        %dma_start3A_161 = arith.constant 0 : i32
        %dma_start3A_162 = tpu.memref_slice %arg13[%dma_start3A_160, %dma_start3A_161] : memref<10112x64xf32, #tpu.memory_space<vmem_shared>> -> memref<10112x64xf32, #tpu.memory_space<vmem_shared>>
        tpu.enqueue_indirect_dma source(%dma_start3A_156 : memref<128x64xf32, #tpu.memory_space<vmem>>) target(%dma_start3A_162 : memref<10112x64xf32, #tpu.memory_space<vmem_shared>>) offsets(%dma_start3A_159 : memref<128xi32, #tpu.memory_space<vmem>>) semaphore(%run_scoped3A_152 : memref<!tpu.dma_semaphore, #tpu.memory_space<semaphore_mem>>) {add = true}
        %dma_wait3A_163 = arith.constant 0 : i32
        %dma_wait3A_164 = arith.constant 0 : i32
        %dma_wait3A_165 = tpu.memref_slice %arg11[%run_scoped3A_102, %dma_wait3A_163, %dma_wait3A_164] : memref<4x128x64xf32, #tpu.memory_space<vmem>> -> memref<1x128x64xf32, #tpu.memory_space<vmem>>
        %dma_wait3A_166 = tpu.memref_squeeze %dma_wait3A_165 : memref<1x128x64xf32, #tpu.memory_space<vmem>> -> memref<128x64xf32, #tpu.memory_space<vmem>>
        %dma_wait3A_167 = arith.constant 0 : i32
        %dma_wait3A_168 = tpu.memref_slice %arg10[%add3A_90, %dma_wait3A_167] : memref<157x128xi32, #tpu.memory_space<vmem>> -> memref<1x128xi32, #tpu.memory_space<vmem>>
        %dma_wait3A_169 = tpu.memref_squeeze %dma_wait3A_168 : memref<1x128xi32, #tpu.memory_space<vmem>> -> memref<128xi32, #tpu.memory_space<vmem>>
        %dma_wait3A_170 = arith.constant 0 : i32
        %dma_wait3A_171 = arith.constant 0 : i32
        %dma_wait3A_172 = tpu.memref_slice %arg13[%dma_wait3A_170, %dma_wait3A_171] : memref<10112x64xf32, #tpu.memory_space<vmem_shared>> -> memref<10112x64xf32, #tpu.memory_space<vmem_shared>>
        tpu.wait_indirect_dma semaphore(%run_scoped3A_152 : memref<!tpu.dma_semaphore, #tpu.memory_space<semaphore_mem>>) src(%dma_wait3A_166 : memref<128x64xf32, #tpu.memory_space<vmem>>) dst(%dma_wait3A_172 : memref<10112x64xf32, #tpu.memory_space<vmem_shared>>)
        tpu.yield
      }) : () -> ()
      %add3A_103 = arith.constant 4 : i32
      %add3A_104 = arith.addi %add3A_90, %add3A_103 : i32
      %lt3A_105 = arith.constant 156 : i32
      %lt3A_106 = arith.cmpi slt, %add3A_104, %lt3A_105 : i32
      %convert_element_type3A_107 = arith.extui %lt3A_106 : i1 to i32
      %cond3A_108 = arith.constant 0 : i32
      %cond3A_109 = arith.cmpi ne, %convert_element_type3A_107, %cond3A_108 : i32
      scf.if %cond3A_109 {
        %dma_start3A_152 = arith.constant 1 : i32
        %dma_start3A_153 = arith.constant 0 : i32
        %dma_start3A_154 = arith.constant 0 : i32
        %dma_start3A_155 = tpu.memref_slice %arg11[%dma_start3A_152, %dma_start3A_153, %dma_start3A_154] : memref<4x128x64xf32, #tpu.memory_space<vmem>> -> memref<1x128x64xf32, #tpu.memory_space<vmem>>
        %dma_start3A_156 = tpu.memref_squeeze %dma_start3A_155 : memref<1x128x64xf32, #tpu.memory_space<vmem>> -> memref<128x64xf32, #tpu.memory_space<vmem>>
        %dma_start3A_157 = arith.constant 0 : i32
        %dma_start3A_158 = tpu.memref_slice %arg9[%add3A_104, %dma_start3A_157] : memref<157x128xi32, #tpu.memory_space<vmem>> -> memref<1x128xi32, #tpu.memory_space<vmem>>
        %dma_start3A_159 = tpu.memref_squeeze %dma_start3A_158 : memref<1x128xi32, #tpu.memory_space<vmem>> -> memref<128xi32, #tpu.memory_space<vmem>>
        %dma_start3A_160 = arith.constant 0 : i32
        %dma_start3A_161 = arith.constant 0 : i32
        %dma_start3A_162 = tpu.memref_slice %arg2[%dma_start3A_160, %dma_start3A_161] : memref<20000x64xf32, #tpu.memory_space<hbm>> -> memref<20000x64xf32, #tpu.memory_space<hbm>>
        tpu.enqueue_indirect_dma source(%dma_start3A_162 : memref<20000x64xf32, #tpu.memory_space<hbm>>) target(%dma_start3A_156 : memref<128x64xf32, #tpu.memory_space<vmem>>) offsets(%dma_start3A_159 : memref<128xi32, #tpu.memory_space<vmem>>) semaphore(%arg16 : memref<!tpu.dma_semaphore, #tpu.memory_space<semaphore_mem>>)
      } else {
      }
      %add3A_110 = arith.constant 2 : i32
      %add3A_111 = arith.addi %add3A_69, %add3A_110 : i32
      %dma_wait3A_112 = arith.constant 2 : i32
      %dma_wait3A_113 = arith.constant 0 : i32
      %dma_wait3A_114 = arith.constant 0 : i32
      %dma_wait3A_115 = tpu.memref_slice %arg11[%dma_wait3A_112, %dma_wait3A_113, %dma_wait3A_114] : memref<4x128x64xf32, #tpu.memory_space<vmem>> -> memref<1x128x64xf32, #tpu.memory_space<vmem>>
      %dma_wait3A_116 = tpu.memref_squeeze %dma_wait3A_115 : memref<1x128x64xf32, #tpu.memory_space<vmem>> -> memref<128x64xf32, #tpu.memory_space<vmem>>
      %dma_wait3A_117 = arith.constant 0 : i32
      %dma_wait3A_118 = tpu.memref_slice %arg9[%add3A_111, %dma_wait3A_117] : memref<157x128xi32, #tpu.memory_space<vmem>> -> memref<1x128xi32, #tpu.memory_space<vmem>>
      %dma_wait3A_119 = tpu.memref_squeeze %dma_wait3A_118 : memref<1x128xi32, #tpu.memory_space<vmem>> -> memref<128xi32, #tpu.memory_space<vmem>>
      %dma_wait3A_120 = arith.constant 0 : i32
      %dma_wait3A_121 = arith.constant 0 : i32
      %dma_wait3A_122 = tpu.memref_slice %arg2[%dma_wait3A_120, %dma_wait3A_121] : memref<20000x64xf32, #tpu.memory_space<hbm>> -> memref<20000x64xf32, #tpu.memory_space<hbm>>
      tpu.wait_indirect_dma semaphore(%arg17 : memref<!tpu.dma_semaphore, #tpu.memory_space<semaphore_mem>>) src(%dma_wait3A_122 : memref<20000x64xf32, #tpu.memory_space<hbm>>) dst(%dma_wait3A_116 : memref<128x64xf32, #tpu.memory_space<vmem>>)
      %run_scoped3A_123 = arith.constant 2 : i32
      "tpu.region"() ({
        %run_scoped3A_152 = tpu.sem_alloc : memref<!tpu.dma_semaphore, #tpu.memory_space<semaphore_mem>>
        %dma_start3A_153 = arith.constant 0 : i32
        %dma_start3A_154 = arith.constant 0 : i32
        %dma_start3A_155 = tpu.memref_slice %arg11[%run_scoped3A_123, %dma_start3A_153, %dma_start3A_154] : memref<4x128x64xf32, #tpu.memory_space<vmem>> -> memref<1x128x64xf32, #tpu.memory_space<vmem>>
        %dma_start3A_156 = tpu.memref_squeeze %dma_start3A_155 : memref<1x128x64xf32, #tpu.memory_space<vmem>> -> memref<128x64xf32, #tpu.memory_space<vmem>>
        %dma_start3A_157 = arith.constant 0 : i32
        %dma_start3A_158 = tpu.memref_slice %arg10[%add3A_111, %dma_start3A_157] : memref<157x128xi32, #tpu.memory_space<vmem>> -> memref<1x128xi32, #tpu.memory_space<vmem>>
        %dma_start3A_159 = tpu.memref_squeeze %dma_start3A_158 : memref<1x128xi32, #tpu.memory_space<vmem>> -> memref<128xi32, #tpu.memory_space<vmem>>
        %dma_start3A_160 = arith.constant 0 : i32
        %dma_start3A_161 = arith.constant 0 : i32
        %dma_start3A_162 = tpu.memref_slice %arg13[%dma_start3A_160, %dma_start3A_161] : memref<10112x64xf32, #tpu.memory_space<vmem_shared>> -> memref<10112x64xf32, #tpu.memory_space<vmem_shared>>
        tpu.enqueue_indirect_dma source(%dma_start3A_156 : memref<128x64xf32, #tpu.memory_space<vmem>>) target(%dma_start3A_162 : memref<10112x64xf32, #tpu.memory_space<vmem_shared>>) offsets(%dma_start3A_159 : memref<128xi32, #tpu.memory_space<vmem>>) semaphore(%run_scoped3A_152 : memref<!tpu.dma_semaphore, #tpu.memory_space<semaphore_mem>>) {add = true}
        %dma_wait3A_163 = arith.constant 0 : i32
        %dma_wait3A_164 = arith.constant 0 : i32
        %dma_wait3A_165 = tpu.memref_slice %arg11[%run_scoped3A_123, %dma_wait3A_163, %dma_wait3A_164] : memref<4x128x64xf32, #tpu.memory_space<vmem>> -> memref<1x128x64xf32, #tpu.memory_space<vmem>>
        %dma_wait3A_166 = tpu.memref_squeeze %dma_wait3A_165 : memref<1x128x64xf32, #tpu.memory_space<vmem>> -> memref<128x64xf32, #tpu.memory_space<vmem>>
        %dma_wait3A_167 = arith.constant 0 : i32
        %dma_wait3A_168 = tpu.memref_slice %arg10[%add3A_111, %dma_wait3A_167] : memref<157x128xi32, #tpu.memory_space<vmem>> -> memref<1x128xi32, #tpu.memory_space<vmem>>
        %dma_wait3A_169 = tpu.memref_squeeze %dma_wait3A_168 : memref<1x128xi32, #tpu.memory_space<vmem>> -> memref<128xi32, #tpu.memory_space<vmem>>
        %dma_wait3A_170 = arith.constant 0 : i32
        %dma_wait3A_171 = arith.constant 0 : i32
        %dma_wait3A_172 = tpu.memref_slice %arg13[%dma_wait3A_170, %dma_wait3A_171] : memref<10112x64xf32, #tpu.memory_space<vmem_shared>> -> memref<10112x64xf32, #tpu.memory_space<vmem_shared>>
        tpu.wait_indirect_dma semaphore(%run_scoped3A_152 : memref<!tpu.dma_semaphore, #tpu.memory_space<semaphore_mem>>) src(%dma_wait3A_166 : memref<128x64xf32, #tpu.memory_space<vmem>>) dst(%dma_wait3A_172 : memref<10112x64xf32, #tpu.memory_space<vmem_shared>>)
        tpu.yield
      }) : () -> ()
      %add3A_124 = arith.constant 4 : i32
      %add3A_125 = arith.addi %add3A_111, %add3A_124 : i32
      %lt3A_126 = arith.constant 156 : i32
      %lt3A_127 = arith.cmpi slt, %add3A_125, %lt3A_126 : i32
      %convert_element_type3A_128 = arith.extui %lt3A_127 : i1 to i32
      %cond3A_129 = arith.constant 0 : i32
      %cond3A_130 = arith.cmpi ne, %convert_element_type3A_128, %cond3A_129 : i32
      scf.if %cond3A_130 {
        %dma_start3A_152 = arith.constant 2 : i32
        %dma_start3A_153 = arith.constant 0 : i32
        %dma_start3A_154 = arith.constant 0 : i32
        %dma_start3A_155 = tpu.memref_slice %arg11[%dma_start3A_152, %dma_start3A_153, %dma_start3A_154] : memref<4x128x64xf32, #tpu.memory_space<vmem>> -> memref<1x128x64xf32, #tpu.memory_space<vmem>>
        %dma_start3A_156 = tpu.memref_squeeze %dma_start3A_155 : memref<1x128x64xf32, #tpu.memory_space<vmem>> -> memref<128x64xf32, #tpu.memory_space<vmem>>
        %dma_start3A_157 = arith.constant 0 : i32
        %dma_start3A_158 = tpu.memref_slice %arg9[%add3A_125, %dma_start3A_157] : memref<157x128xi32, #tpu.memory_space<vmem>> -> memref<1x128xi32, #tpu.memory_space<vmem>>
        %dma_start3A_159 = tpu.memref_squeeze %dma_start3A_158 : memref<1x128xi32, #tpu.memory_space<vmem>> -> memref<128xi32, #tpu.memory_space<vmem>>
        %dma_start3A_160 = arith.constant 0 : i32
        %dma_start3A_161 = arith.constant 0 : i32
        %dma_start3A_162 = tpu.memref_slice %arg2[%dma_start3A_160, %dma_start3A_161] : memref<20000x64xf32, #tpu.memory_space<hbm>> -> memref<20000x64xf32, #tpu.memory_space<hbm>>
        tpu.enqueue_indirect_dma source(%dma_start3A_162 : memref<20000x64xf32, #tpu.memory_space<hbm>>) target(%dma_start3A_156 : memref<128x64xf32, #tpu.memory_space<vmem>>) offsets(%dma_start3A_159 : memref<128xi32, #tpu.memory_space<vmem>>) semaphore(%arg17 : memref<!tpu.dma_semaphore, #tpu.memory_space<semaphore_mem>>)
      } else {
      }
      %add3A_131 = arith.constant 3 : i32
      %add3A_132 = arith.addi %add3A_69, %add3A_131 : i32
      %dma_wait3A_133 = arith.constant 3 : i32
      %dma_wait3A_134 = arith.constant 0 : i32
      %dma_wait3A_135 = arith.constant 0 : i32
      %dma_wait3A_136 = tpu.memref_slice %arg11[%dma_wait3A_133, %dma_wait3A_134, %dma_wait3A_135] : memref<4x128x64xf32, #tpu.memory_space<vmem>> -> memref<1x128x64xf32, #tpu.memory_space<vmem>>
      %dma_wait3A_137 = tpu.memref_squeeze %dma_wait3A_136 : memref<1x128x64xf32, #tpu.memory_space<vmem>> -> memref<128x64xf32, #tpu.memory_space<vmem>>
      %dma_wait3A_138 = arith.constant 0 : i32
      %dma_wait3A_139 = tpu.memref_slice %arg9[%add3A_132, %dma_wait3A_138] : memref<157x128xi32, #tpu.memory_space<vmem>> -> memref<1x128xi32, #tpu.memory_space<vmem>>
      %dma_wait3A_140 = tpu.memref_squeeze %dma_wait3A_139 : memref<1x128xi32, #tpu.memory_space<vmem>> -> memref<128xi32, #tpu.memory_space<vmem>>
      %dma_wait3A_141 = arith.constant 0 : i32
      %dma_wait3A_142 = arith.constant 0 : i32
      %dma_wait3A_143 = tpu.memref_slice %arg2[%dma_wait3A_141, %dma_wait3A_142] : memref<20000x64xf32, #tpu.memory_space<hbm>> -> memref<20000x64xf32, #tpu.memory_space<hbm>>
      tpu.wait_indirect_dma semaphore(%arg18 : memref<!tpu.dma_semaphore, #tpu.memory_space<semaphore_mem>>) src(%dma_wait3A_143 : memref<20000x64xf32, #tpu.memory_space<hbm>>) dst(%dma_wait3A_137 : memref<128x64xf32, #tpu.memory_space<vmem>>)
      %run_scoped3A_144 = arith.constant 3 : i32
      "tpu.region"() ({
        %run_scoped3A_152 = tpu.sem_alloc : memref<!tpu.dma_semaphore, #tpu.memory_space<semaphore_mem>>
        %dma_start3A_153 = arith.constant 0 : i32
        %dma_start3A_154 = arith.constant 0 : i32
        %dma_start3A_155 = tpu.memref_slice %arg11[%run_scoped3A_144, %dma_start3A_153, %dma_start3A_154] : memref<4x128x64xf32, #tpu.memory_space<vmem>> -> memref<1x128x64xf32, #tpu.memory_space<vmem>>
        %dma_start3A_156 = tpu.memref_squeeze %dma_start3A_155 : memref<1x128x64xf32, #tpu.memory_space<vmem>> -> memref<128x64xf32, #tpu.memory_space<vmem>>
        %dma_start3A_157 = arith.constant 0 : i32
        %dma_start3A_158 = tpu.memref_slice %arg10[%add3A_132, %dma_start3A_157] : memref<157x128xi32, #tpu.memory_space<vmem>> -> memref<1x128xi32, #tpu.memory_space<vmem>>
        %dma_start3A_159 = tpu.memref_squeeze %dma_start3A_158 : memref<1x128xi32, #tpu.memory_space<vmem>> -> memref<128xi32, #tpu.memory_space<vmem>>
        %dma_start3A_160 = arith.constant 0 : i32
        %dma_start3A_161 = arith.constant 0 : i32
        %dma_start3A_162 = tpu.memref_slice %arg13[%dma_start3A_160, %dma_start3A_161] : memref<10112x64xf32, #tpu.memory_space<vmem_shared>> -> memref<10112x64xf32, #tpu.memory_space<vmem_shared>>
        tpu.enqueue_indirect_dma source(%dma_start3A_156 : memref<128x64xf32, #tpu.memory_space<vmem>>) target(%dma_start3A_162 : memref<10112x64xf32, #tpu.memory_space<vmem_shared>>) offsets(%dma_start3A_159 : memref<128xi32, #tpu.memory_space<vmem>>) semaphore(%run_scoped3A_152 : memref<!tpu.dma_semaphore, #tpu.memory_space<semaphore_mem>>) {add = true}
        %dma_wait3A_163 = arith.constant 0 : i32
        %dma_wait3A_164 = arith.constant 0 : i32
        %dma_wait3A_165 = tpu.memref_slice %arg11[%run_scoped3A_144, %dma_wait3A_163, %dma_wait3A_164] : memref<4x128x64xf32, #tpu.memory_space<vmem>> -> memref<1x128x64xf32, #tpu.memory_space<vmem>>
        %dma_wait3A_166 = tpu.memref_squeeze %dma_wait3A_165 : memref<1x128x64xf32, #tpu.memory_space<vmem>> -> memref<128x64xf32, #tpu.memory_space<vmem>>
        %dma_wait3A_167 = arith.constant 0 : i32
        %dma_wait3A_168 = tpu.memref_slice %arg10[%add3A_132, %dma_wait3A_167] : memref<157x128xi32, #tpu.memory_space<vmem>> -> memref<1x128xi32, #tpu.memory_space<vmem>>
        %dma_wait3A_169 = tpu.memref_squeeze %dma_wait3A_168 : memref<1x128xi32, #tpu.memory_space<vmem>> -> memref<128xi32, #tpu.memory_space<vmem>>
        %dma_wait3A_170 = arith.constant 0 : i32
        %dma_wait3A_171 = arith.constant 0 : i32
        %dma_wait3A_172 = tpu.memref_slice %arg13[%dma_wait3A_170, %dma_wait3A_171] : memref<10112x64xf32, #tpu.memory_space<vmem_shared>> -> memref<10112x64xf32, #tpu.memory_space<vmem_shared>>
        tpu.wait_indirect_dma semaphore(%run_scoped3A_152 : memref<!tpu.dma_semaphore, #tpu.memory_space<semaphore_mem>>) src(%dma_wait3A_166 : memref<128x64xf32, #tpu.memory_space<vmem>>) dst(%dma_wait3A_172 : memref<10112x64xf32, #tpu.memory_space<vmem_shared>>)
        tpu.yield
      }) : () -> ()
      %add3A_145 = arith.constant 4 : i32
      %add3A_146 = arith.addi %add3A_132, %add3A_145 : i32
      %lt3A_147 = arith.constant 156 : i32
      %lt3A_148 = arith.cmpi slt, %add3A_146, %lt3A_147 : i32
      %convert_element_type3A_149 = arith.extui %lt3A_148 : i1 to i32
      %cond3A_150 = arith.constant 0 : i32
      %cond3A_151 = arith.cmpi ne, %convert_element_type3A_149, %cond3A_150 : i32
      scf.if %cond3A_151 {
        %dma_start3A_152 = arith.constant 3 : i32
        %dma_start3A_153 = arith.constant 0 : i32
        %dma_start3A_154 = arith.constant 0 : i32
        %dma_start3A_155 = tpu.memref_slice %arg11[%dma_start3A_152, %dma_start3A_153, %dma_start3A_154] : memref<4x128x64xf32, #tpu.memory_space<vmem>> -> memref<1x128x64xf32, #tpu.memory_space<vmem>>
        %dma_start3A_156 = tpu.memref_squeeze %dma_start3A_155 : memref<1x128x64xf32, #tpu.memory_space<vmem>> -> memref<128x64xf32, #tpu.memory_space<vmem>>
        %dma_start3A_157 = arith.constant 0 : i32
        %dma_start3A_158 = tpu.memref_slice %arg9[%add3A_146, %dma_start3A_157] : memref<157x128xi32, #tpu.memory_space<vmem>> -> memref<1x128xi32, #tpu.memory_space<vmem>>
        %dma_start3A_159 = tpu.memref_squeeze %dma_start3A_158 : memref<1x128xi32, #tpu.memory_space<vmem>> -> memref<128xi32, #tpu.memory_space<vmem>>
        %dma_start3A_160 = arith.constant 0 : i32
        %dma_start3A_161 = arith.constant 0 : i32
        %dma_start3A_162 = tpu.memref_slice %arg2[%dma_start3A_160, %dma_start3A_161] : memref<20000x64xf32, #tpu.memory_space<hbm>> -> memref<20000x64xf32, #tpu.memory_space<hbm>>
        tpu.enqueue_indirect_dma source(%dma_start3A_162 : memref<20000x64xf32, #tpu.memory_space<hbm>>) target(%dma_start3A_156 : memref<128x64xf32, #tpu.memory_space<vmem>>) offsets(%dma_start3A_159 : memref<128xi32, #tpu.memory_space<vmem>>) semaphore(%arg18 : memref<!tpu.dma_semaphore, #tpu.memory_space<semaphore_mem>>)
      } else {
      }
    }
    %scan3A_55 = arith.constant 39 : i32
    %lt3A_56 = arith.constant 4 : i32
    %lt3A_57 = arith.cmpi slt, %arg1, %lt3A_56 : i32
    %convert_element_type3A_58 = arith.extui %lt3A_57 : i1 to i32
    %cond3A_59 = arith.constant 0 : i32
    %cond3A_60 = arith.cmpi ne, %convert_element_type3A_58, %cond3A_59 : i32
    scf.if %cond3A_60 {
      %dma_start3A_66 = arith.constant 156 : i32
      %dma_start3A_67 = arith.constant 0 : i32
      %dma_start3A_68 = arith.constant 0 : i32
      %dma_start3A_69 = arith.constant 0 : i32
      %dma_start3A_70 = tpu.memref_slice %arg11[%dma_start3A_67, %dma_start3A_68, %dma_start3A_69] : memref<4x128x64xf32, #tpu.memory_space<vmem>> -> memref<1x128x64xf32, #tpu.memory_space<vmem>>
      %dma_start3A_71 = tpu.memref_squeeze %dma_start3A_70 : memref<1x128x64xf32, #tpu.memory_space<vmem>> -> memref<128x64xf32, #tpu.memory_space<vmem>>
      %dma_start3A_72 = arith.constant 0 : i32
      %dma_start3A_73 = tpu.memref_slice %arg9[%dma_start3A_66, %dma_start3A_72] : memref<157x128xi32, #tpu.memory_space<vmem>> -> memref<1x128xi32, #tpu.memory_space<vmem>>
      %dma_start3A_74 = tpu.memref_squeeze %dma_start3A_73 : memref<1x128xi32, #tpu.memory_space<vmem>> -> memref<128xi32, #tpu.memory_space<vmem>>
      %dma_start3A_75 = arith.constant 0 : i32
      %dma_start3A_76 = arith.constant 0 : i32
      %dma_start3A_77 = tpu.memref_slice %arg2[%dma_start3A_75, %dma_start3A_76] : memref<20000x64xf32, #tpu.memory_space<hbm>> -> memref<20000x64xf32, #tpu.memory_space<hbm>>
      tpu.enqueue_indirect_dma source(%dma_start3A_77 : memref<20000x64xf32, #tpu.memory_space<hbm>>) target(%dma_start3A_71 : memref<128x64xf32, #tpu.memory_space<vmem>>) offsets(%dma_start3A_74 : memref<128xi32, #tpu.memory_space<vmem>>) semaphore(%arg15 : memref<!tpu.dma_semaphore, #tpu.memory_space<semaphore_mem>>)
      %dma_wait3A = arith.constant 156 : i32
      %dma_wait3A_78 = arith.constant 0 : i32
      %dma_wait3A_79 = arith.constant 0 : i32
      %dma_wait3A_80 = arith.constant 0 : i32
      %dma_wait3A_81 = tpu.memref_slice %arg11[%dma_wait3A_78, %dma_wait3A_79, %dma_wait3A_80] : memref<4x128x64xf32, #tpu.memory_space<vmem>> -> memref<1x128x64xf32, #tpu.memory_space<vmem>>
      %dma_wait3A_82 = tpu.memref_squeeze %dma_wait3A_81 : memref<1x128x64xf32, #tpu.memory_space<vmem>> -> memref<128x64xf32, #tpu.memory_space<vmem>>
      %dma_wait3A_83 = arith.constant 0 : i32
      %dma_wait3A_84 = tpu.memref_slice %arg9[%dma_wait3A, %dma_wait3A_83] : memref<157x128xi32, #tpu.memory_space<vmem>> -> memref<1x128xi32, #tpu.memory_space<vmem>>
      %dma_wait3A_85 = tpu.memref_squeeze %dma_wait3A_84 : memref<1x128xi32, #tpu.memory_space<vmem>> -> memref<128xi32, #tpu.memory_space<vmem>>
      %dma_wait3A_86 = arith.constant 0 : i32
      %dma_wait3A_87 = arith.constant 0 : i32
      %dma_wait3A_88 = tpu.memref_slice %arg2[%dma_wait3A_86, %dma_wait3A_87] : memref<20000x64xf32, #tpu.memory_space<hbm>> -> memref<20000x64xf32, #tpu.memory_space<hbm>>
      tpu.wait_indirect_dma semaphore(%arg15 : memref<!tpu.dma_semaphore, #tpu.memory_space<semaphore_mem>>) src(%dma_wait3A_88 : memref<20000x64xf32, #tpu.memory_space<hbm>>) dst(%dma_wait3A_82 : memref<128x64xf32, #tpu.memory_space<vmem>>)
      %run_scoped3A = arith.constant 0 : i32
      %run_scoped3A_89 = arith.constant 156 : i32
      "tpu.region"() ({
        %run_scoped3A_90 = tpu.sem_alloc : memref<!tpu.dma_semaphore, #tpu.memory_space<semaphore_mem>>
        %dma_start3A_91 = arith.constant 0 : i32
        %dma_start3A_92 = arith.constant 0 : i32
        %dma_start3A_93 = tpu.memref_slice %arg11[%run_scoped3A, %dma_start3A_91, %dma_start3A_92] : memref<4x128x64xf32, #tpu.memory_space<vmem>> -> memref<1x128x64xf32, #tpu.memory_space<vmem>>
        %dma_start3A_94 = tpu.memref_squeeze %dma_start3A_93 : memref<1x128x64xf32, #tpu.memory_space<vmem>> -> memref<128x64xf32, #tpu.memory_space<vmem>>
        %dma_start3A_95 = arith.constant 0 : i32
        %dma_start3A_96 = tpu.memref_slice %arg10[%run_scoped3A_89, %dma_start3A_95] : memref<157x128xi32, #tpu.memory_space<vmem>> -> memref<1x128xi32, #tpu.memory_space<vmem>>
        %dma_start3A_97 = tpu.memref_squeeze %dma_start3A_96 : memref<1x128xi32, #tpu.memory_space<vmem>> -> memref<128xi32, #tpu.memory_space<vmem>>
        %dma_start3A_98 = arith.constant 0 : i32
        %dma_start3A_99 = arith.constant 0 : i32
        %dma_start3A_100 = tpu.memref_slice %arg13[%dma_start3A_98, %dma_start3A_99] : memref<10112x64xf32, #tpu.memory_space<vmem_shared>> -> memref<10112x64xf32, #tpu.memory_space<vmem_shared>>
        tpu.enqueue_indirect_dma source(%dma_start3A_94 : memref<128x64xf32, #tpu.memory_space<vmem>>) target(%dma_start3A_100 : memref<10112x64xf32, #tpu.memory_space<vmem_shared>>) offsets(%dma_start3A_97 : memref<128xi32, #tpu.memory_space<vmem>>) semaphore(%run_scoped3A_90 : memref<!tpu.dma_semaphore, #tpu.memory_space<semaphore_mem>>) {add = true}
        %dma_wait3A_101 = arith.constant 0 : i32
        %dma_wait3A_102 = arith.constant 0 : i32
        %dma_wait3A_103 = tpu.memref_slice %arg11[%run_scoped3A, %dma_wait3A_101, %dma_wait3A_102] : memref<4x128x64xf32, #tpu.memory_space<vmem>> -> memref<1x128x64xf32, #tpu.memory_space<vmem>>
        %dma_wait3A_104 = tpu.memref_squeeze %dma_wait3A_103 : memref<1x128x64xf32, #tpu.memory_space<vmem>> -> memref<128x64xf32, #tpu.memory_space<vmem>>
        %dma_wait3A_105 = arith.constant 0 : i32
        %dma_wait3A_106 = tpu.memref_slice %arg10[%run_scoped3A_89, %dma_wait3A_105] : memref<157x128xi32, #tpu.memory_space<vmem>> -> memref<1x128xi32, #tpu.memory_space<vmem>>
        %dma_wait3A_107 = tpu.memref_squeeze %dma_wait3A_106 : memref<1x128xi32, #tpu.memory_space<vmem>> -> memref<128xi32, #tpu.memory_space<vmem>>
        %dma_wait3A_108 = arith.constant 0 : i32
        %dma_wait3A_109 = arith.constant 0 : i32
        %dma_wait3A_110 = tpu.memref_slice %arg13[%dma_wait3A_108, %dma_wait3A_109] : memref<10112x64xf32, #tpu.memory_space<vmem_shared>> -> memref<10112x64xf32, #tpu.memory_space<vmem_shared>>
        tpu.wait_indirect_dma semaphore(%run_scoped3A_90 : memref<!tpu.dma_semaphore, #tpu.memory_space<semaphore_mem>>) src(%dma_wait3A_104 : memref<128x64xf32, #tpu.memory_space<vmem>>) dst(%dma_wait3A_110 : memref<10112x64xf32, #tpu.memory_space<vmem_shared>>)
        tpu.yield
      }) : () -> ()
    } else {
    }
    %barrier3A_61 = arith.constant 0 : index
    tpu.barrier barrier_id(%barrier3A_61)
    %mul3A_62 = arith.constant 632 : i32
    %mul3A_63 = arith.muli %arg1, %mul3A_62 : i32
    %mul3A_64 = arith.constant 64 : i32
    %mul3A_65 = arith.muli %arg0, %mul3A_64 : i32
    "tpu.region"() ({
      %run_scoped3A = tpu.sem_alloc : memref<!tpu.dma_semaphore, #tpu.memory_space<semaphore_mem>>
      %dma_start3A_66 = tpu.memref_slice %arg8[%mul3A_63, %mul3A_65] : memref<10112x128xf32, #tpu.memory_space<hbm>> -> memref<632x64xf32, #tpu.memory_space<hbm>>
      %dma_start3A_67 = arith.constant 0 : i32
      %dma_start3A_68 = tpu.memref_slice %arg13[%mul3A_63, %dma_start3A_67] : memref<10112x64xf32, #tpu.memory_space<vmem_shared>> -> memref<632x64xf32, #tpu.memory_space<vmem_shared>>
      tpu.enqueue_dma source(%dma_start3A_68 : memref<632x64xf32, #tpu.memory_space<vmem_shared>>) target(%dma_start3A_66 : memref<632x64xf32, #tpu.memory_space<hbm>>) target_semaphore(%run_scoped3A : memref<!tpu.dma_semaphore, #tpu.memory_space<semaphore_mem>>)
      %dma_wait3A = tpu.memref_slice %arg8[%mul3A_63, %mul3A_65] : memref<10112x128xf32, #tpu.memory_space<hbm>> -> memref<632x64xf32, #tpu.memory_space<hbm>>
      %dma_wait3A_69 = arith.constant 0 : i32
      %dma_wait3A_70 = tpu.memref_slice %arg13[%mul3A_63, %dma_wait3A_69] : memref<10112x64xf32, #tpu.memory_space<vmem_shared>> -> memref<632x64xf32, #tpu.memory_space<vmem_shared>>
      tpu.wait_dma2 semaphore(%run_scoped3A : memref<!tpu.dma_semaphore, #tpu.memory_space<semaphore_mem>>) src(%dma_wait3A_70 : memref<632x64xf32, #tpu.memory_space<vmem_shared>>) dst(%dma_wait3A : memref<632x64xf32, #tpu.memory_space<hbm>>)
      tpu.yield
    }) : () -> ()
    return
  }
}

#map = affine_map<(d0, d1) -> (0, 0)>
#map1 = affine_map<(d0, d1) -> (0, 0, 0)>
module attributes {stable_mosaic.version = 14 : i64} {
  func.func @k(%arg0: i32, %arg1: i32, %arg2: memref<20000x64xf32, #tpu.memory_space<hbm>>, %arg3: memref<2x2500x128xi32, #tpu.memory_space<hbm>>, %arg4: memref<2500x128xi32, #tpu.memory_space<hbm>>, %arg5: memref<632x64xf32, #tpu.memory_space<hbm>>, %arg6: memref<632x8xf32, #tpu.memory_space<hbm>>, %arg7: memref<128x8xf32, #tpu.memory_space<hbm>>, %arg8: memref<10112x128xf32, #tpu.memory_space<hbm>>, %arg9: memref<2x10112x8xf32, #tpu.memory_space<hbm>>, %arg10: memref<157x128xi32, #tpu.memory_space<vmem>>, %arg11: memref<157x128xi32, #tpu.memory_space<vmem>>, %arg12: memref<4x128x64xf32, #tpu.memory_space<vmem>>, %arg13: memref<128x8xf32, #tpu.memory_space<vmem>>, %arg14: memref<10112x64xf32, #tpu.memory_space<vmem_shared>>, %arg15: memref<10112x8xf32, #tpu.memory_space<vmem_shared>>, %arg16: memref<!tpu.dma_semaphore, #tpu.memory_space<semaphore_mem>>, %arg17: memref<!tpu.dma_semaphore, #tpu.memory_space<semaphore_mem>>, %arg18: memref<!tpu.dma_semaphore, #tpu.memory_space<semaphore_mem>>, %arg19: memref<!tpu.dma_semaphore, #tpu.memory_space<semaphore_mem>>) attributes {dimension_semantics = [#tpu.dimension_semantics<core_parallel>, #tpu.dimension_semantics<subcore_parallel>], iteration_bounds = array<i64: 2, 16>, scalar_prefetch = 0 : i64, scratch_operands = 10 : i64, tpu.core_type = #tpu.core_type<sc_vector_subcore>, window_params = [{transform_indices = #map}, {transform_indices = #map1}, {transform_indices = #map}, {transform_indices = #map}, {transform_indices = #map}, {transform_indices = #map}, {transform_indices = #map}, {transform_indices = #map1}]} {
    %mul3A = arith.constant 632 : i32
    %mul3A_0 = arith.muli %arg1, %mul3A : i32
    "tpu.region"() ({
      %run_scoped3A = tpu.sem_alloc : memref<!tpu.dma_semaphore, #tpu.memory_space<semaphore_mem>>
      %dma_start3A_68 = arith.constant 0 : i32
      %dma_start3A_69 = tpu.memref_slice %arg14[%mul3A_0, %dma_start3A_68] : memref<10112x64xf32, #tpu.memory_space<vmem_shared>> -> memref<632x64xf32, #tpu.memory_space<vmem_shared>>
      tpu.enqueue_dma source(%arg5 : memref<632x64xf32, #tpu.memory_space<hbm>>) target(%dma_start3A_69 : memref<632x64xf32, #tpu.memory_space<vmem_shared>>) target_semaphore(%run_scoped3A : memref<!tpu.dma_semaphore, #tpu.memory_space<semaphore_mem>>)
      %dma_wait3A = arith.constant 0 : i32
      %dma_wait3A_70 = tpu.memref_slice %arg14[%mul3A_0, %dma_wait3A] : memref<10112x64xf32, #tpu.memory_space<vmem_shared>> -> memref<632x64xf32, #tpu.memory_space<vmem_shared>>
      tpu.wait_dma2 semaphore(%run_scoped3A : memref<!tpu.dma_semaphore, #tpu.memory_space<semaphore_mem>>) src(%arg5 : memref<632x64xf32, #tpu.memory_space<hbm>>) dst(%dma_wait3A_70 : memref<632x64xf32, #tpu.memory_space<vmem_shared>>)
      tpu.yield
    }) : () -> ()
    %mul3A_1 = arith.constant 632 : i32
    %mul3A_2 = arith.muli %arg1, %mul3A_1 : i32
    "tpu.region"() ({
      %run_scoped3A = tpu.sem_alloc : memref<!tpu.dma_semaphore, #tpu.memory_space<semaphore_mem>>
      %dma_start3A_68 = arith.constant 0 : i32
      %dma_start3A_69 = tpu.memref_slice %arg15[%mul3A_2, %dma_start3A_68] : memref<10112x8xf32, #tpu.memory_space<vmem_shared>> -> memref<632x8xf32, #tpu.memory_space<vmem_shared>>
      tpu.enqueue_dma source(%arg6 : memref<632x8xf32, #tpu.memory_space<hbm>>) target(%dma_start3A_69 : memref<632x8xf32, #tpu.memory_space<vmem_shared>>) target_semaphore(%run_scoped3A : memref<!tpu.dma_semaphore, #tpu.memory_space<semaphore_mem>>)
      %dma_wait3A = arith.constant 0 : i32
      %dma_wait3A_70 = tpu.memref_slice %arg15[%mul3A_2, %dma_wait3A] : memref<10112x8xf32, #tpu.memory_space<vmem_shared>> -> memref<632x8xf32, #tpu.memory_space<vmem_shared>>
      tpu.wait_dma2 semaphore(%run_scoped3A : memref<!tpu.dma_semaphore, #tpu.memory_space<semaphore_mem>>) src(%arg6 : memref<632x8xf32, #tpu.memory_space<hbm>>) dst(%dma_wait3A_70 : memref<632x8xf32, #tpu.memory_space<vmem_shared>>)
      tpu.yield
    }) : () -> ()
    "tpu.region"() ({
      %run_scoped3A = tpu.sem_alloc : memref<!tpu.dma_semaphore, #tpu.memory_space<semaphore_mem>>
      tpu.enqueue_dma source(%arg7 : memref<128x8xf32, #tpu.memory_space<hbm>>) target(%arg13 : memref<128x8xf32, #tpu.memory_space<vmem>>) target_semaphore(%run_scoped3A : memref<!tpu.dma_semaphore, #tpu.memory_space<semaphore_mem>>)
      tpu.wait_dma2 semaphore(%run_scoped3A : memref<!tpu.dma_semaphore, #tpu.memory_space<semaphore_mem>>) src(%arg7 : memref<128x8xf32, #tpu.memory_space<hbm>>) dst(%arg13 : memref<128x8xf32, #tpu.memory_space<vmem>>)
      tpu.yield
    }) : () -> ()
    %mul3A_3 = arith.constant 156 : i32
    %mul3A_4 = arith.muli %arg1, %mul3A_3 : i32
    "tpu.region"() ({
      %run_scoped3A = tpu.sem_alloc : memref<!tpu.dma_semaphore, #tpu.memory_space<semaphore_mem>>
      %dma_start3A_68 = arith.constant 0 : i32
      %dma_start3A_69 = arith.constant 0 : i32
      %dma_start3A_70 = tpu.memref_slice %arg10[%dma_start3A_68, %dma_start3A_69] : memref<157x128xi32, #tpu.memory_space<vmem>> -> memref<156x128xi32, #tpu.memory_space<vmem>>
      %dma_start3A_71 = arith.constant 0 : i32
      %dma_start3A_72 = tpu.memref_slice %arg3[%arg0, %mul3A_4, %dma_start3A_71] : memref<2x2500x128xi32, #tpu.memory_space<hbm>> -> memref<1x156x128xi32, #tpu.memory_space<hbm>>
      %dma_start3A_73 = tpu.memref_squeeze %dma_start3A_72 : memref<1x156x128xi32, #tpu.memory_space<hbm>> -> memref<156x128xi32, #tpu.memory_space<hbm>>
      %dma_start3A_74 = arith.constant 0 : i32
      %dma_start3A_75 = arith.constant 0 : i32
      %dma_start3A_76 = tpu.memref_slice %arg10[%dma_start3A_74, %dma_start3A_75] : memref<157x128xi32, #tpu.memory_space<vmem>> -> memref<156x128xi32, #tpu.memory_space<vmem>>
      %dma_start3A_77 = arith.constant 0 : i32
      %dma_start3A_78 = tpu.memref_slice %arg3[%arg0, %mul3A_4, %dma_start3A_77] : memref<2x2500x128xi32, #tpu.memory_space<hbm>> -> memref<1x156x128xi32, #tpu.memory_space<hbm>>
      %dma_start3A_79 = tpu.memref_squeeze %dma_start3A_78 : memref<1x156x128xi32, #tpu.memory_space<hbm>> -> memref<156x128xi32, #tpu.memory_space<hbm>>
      tpu.enqueue_dma source(%dma_start3A_79 : memref<156x128xi32, #tpu.memory_space<hbm>>) target(%dma_start3A_76 : memref<156x128xi32, #tpu.memory_space<vmem>>) target_semaphore(%run_scoped3A : memref<!tpu.dma_semaphore, #tpu.memory_space<semaphore_mem>>)
      %dma_wait3A = arith.constant 0 : i32
      %dma_wait3A_80 = arith.constant 0 : i32
      %dma_wait3A_81 = tpu.memref_slice %arg10[%dma_wait3A, %dma_wait3A_80] : memref<157x128xi32, #tpu.memory_space<vmem>> -> memref<156x128xi32, #tpu.memory_space<vmem>>
      %dma_wait3A_82 = arith.constant 0 : i32
      %dma_wait3A_83 = tpu.memref_slice %arg3[%arg0, %mul3A_4, %dma_wait3A_82] : memref<2x2500x128xi32, #tpu.memory_space<hbm>> -> memref<1x156x128xi32, #tpu.memory_space<hbm>>
      %dma_wait3A_84 = tpu.memref_squeeze %dma_wait3A_83 : memref<1x156x128xi32, #tpu.memory_space<hbm>> -> memref<156x128xi32, #tpu.memory_space<hbm>>
      %dma_wait3A_85 = arith.constant 0 : i32
      %dma_wait3A_86 = arith.constant 0 : i32
      %dma_wait3A_87 = tpu.memref_slice %arg10[%dma_wait3A_85, %dma_wait3A_86] : memref<157x128xi32, #tpu.memory_space<vmem>> -> memref<156x128xi32, #tpu.memory_space<vmem>>
      %dma_wait3A_88 = arith.constant 0 : i32
      %dma_wait3A_89 = tpu.memref_slice %arg3[%arg0, %mul3A_4, %dma_wait3A_88] : memref<2x2500x128xi32, #tpu.memory_space<hbm>> -> memref<1x156x128xi32, #tpu.memory_space<hbm>>
      %dma_wait3A_90 = tpu.memref_squeeze %dma_wait3A_89 : memref<1x156x128xi32, #tpu.memory_space<hbm>> -> memref<156x128xi32, #tpu.memory_space<hbm>>
      tpu.wait_dma2 semaphore(%run_scoped3A : memref<!tpu.dma_semaphore, #tpu.memory_space<semaphore_mem>>) src(%dma_wait3A_90 : memref<156x128xi32, #tpu.memory_space<hbm>>) dst(%dma_wait3A_87 : memref<156x128xi32, #tpu.memory_space<vmem>>)
      tpu.yield
    }) : () -> ()
    "tpu.region"() ({
      %run_scoped3A = tpu.sem_alloc : memref<!tpu.dma_semaphore, #tpu.memory_space<semaphore_mem>>
      %dma_start3A_68 = arith.constant 0 : i32
      %dma_start3A_69 = arith.constant 0 : i32
      %dma_start3A_70 = tpu.memref_slice %arg11[%dma_start3A_68, %dma_start3A_69] : memref<157x128xi32, #tpu.memory_space<vmem>> -> memref<156x128xi32, #tpu.memory_space<vmem>>
      %dma_start3A_71 = arith.constant 0 : i32
      %dma_start3A_72 = tpu.memref_slice %arg4[%mul3A_4, %dma_start3A_71] : memref<2500x128xi32, #tpu.memory_space<hbm>> -> memref<156x128xi32, #tpu.memory_space<hbm>>
      %dma_start3A_73 = arith.constant 0 : i32
      %dma_start3A_74 = arith.constant 0 : i32
      %dma_start3A_75 = tpu.memref_slice %arg11[%dma_start3A_73, %dma_start3A_74] : memref<157x128xi32, #tpu.memory_space<vmem>> -> memref<156x128xi32, #tpu.memory_space<vmem>>
      %dma_start3A_76 = arith.constant 0 : i32
      %dma_start3A_77 = tpu.memref_slice %arg4[%mul3A_4, %dma_start3A_76] : memref<2500x128xi32, #tpu.memory_space<hbm>> -> memref<156x128xi32, #tpu.memory_space<hbm>>
      tpu.enqueue_dma source(%dma_start3A_77 : memref<156x128xi32, #tpu.memory_space<hbm>>) target(%dma_start3A_75 : memref<156x128xi32, #tpu.memory_space<vmem>>) target_semaphore(%run_scoped3A : memref<!tpu.dma_semaphore, #tpu.memory_space<semaphore_mem>>)
      %dma_wait3A = arith.constant 0 : i32
      %dma_wait3A_78 = arith.constant 0 : i32
      %dma_wait3A_79 = tpu.memref_slice %arg11[%dma_wait3A, %dma_wait3A_78] : memref<157x128xi32, #tpu.memory_space<vmem>> -> memref<156x128xi32, #tpu.memory_space<vmem>>
      %dma_wait3A_80 = arith.constant 0 : i32
      %dma_wait3A_81 = tpu.memref_slice %arg4[%mul3A_4, %dma_wait3A_80] : memref<2500x128xi32, #tpu.memory_space<hbm>> -> memref<156x128xi32, #tpu.memory_space<hbm>>
      %dma_wait3A_82 = arith.constant 0 : i32
      %dma_wait3A_83 = arith.constant 0 : i32
      %dma_wait3A_84 = tpu.memref_slice %arg11[%dma_wait3A_82, %dma_wait3A_83] : memref<157x128xi32, #tpu.memory_space<vmem>> -> memref<156x128xi32, #tpu.memory_space<vmem>>
      %dma_wait3A_85 = arith.constant 0 : i32
      %dma_wait3A_86 = tpu.memref_slice %arg4[%mul3A_4, %dma_wait3A_85] : memref<2500x128xi32, #tpu.memory_space<hbm>> -> memref<156x128xi32, #tpu.memory_space<hbm>>
      tpu.wait_dma2 semaphore(%run_scoped3A : memref<!tpu.dma_semaphore, #tpu.memory_space<semaphore_mem>>) src(%dma_wait3A_86 : memref<156x128xi32, #tpu.memory_space<hbm>>) dst(%dma_wait3A_84 : memref<156x128xi32, #tpu.memory_space<vmem>>)
      tpu.yield
    }) : () -> ()
    %lt3A = arith.constant 4 : i32
    %lt3A_5 = arith.cmpi slt, %arg1, %lt3A : i32
    %convert_element_type3A = arith.extui %lt3A_5 : i1 to i32
    %cond3A = arith.constant 0 : i32
    %cond3A_6 = arith.cmpi ne, %convert_element_type3A, %cond3A : i32
    scf.if %cond3A_6 {
      %add3A = arith.constant 2496 : i32
      %add3A_68 = arith.addi %add3A, %arg1 : i32
      "tpu.region"() ({
        %run_scoped3A = tpu.sem_alloc : memref<!tpu.dma_semaphore, #tpu.memory_space<semaphore_mem>>
        %dma_start3A_71 = arith.constant 156 : i32
        %dma_start3A_72 = arith.constant 0 : i32
        %dma_start3A_73 = tpu.memref_slice %arg10[%dma_start3A_71, %dma_start3A_72] : memref<157x128xi32, #tpu.memory_space<vmem>> -> memref<1x128xi32, #tpu.memory_space<vmem>>
        %dma_start3A_74 = arith.constant 0 : i32
        %dma_start3A_75 = tpu.memref_slice %arg3[%arg0, %add3A_68, %dma_start3A_74] : memref<2x2500x128xi32, #tpu.memory_space<hbm>> -> memref<1x1x128xi32, #tpu.memory_space<hbm>>
        %dma_start3A_76 = tpu.memref_squeeze %dma_start3A_75 : memref<1x1x128xi32, #tpu.memory_space<hbm>> -> memref<1x128xi32, #tpu.memory_space<hbm>>
        %dma_start3A_77 = arith.constant 156 : i32
        %dma_start3A_78 = arith.constant 0 : i32
        %dma_start3A_79 = tpu.memref_slice %arg10[%dma_start3A_77, %dma_start3A_78] : memref<157x128xi32, #tpu.memory_space<vmem>> -> memref<1x128xi32, #tpu.memory_space<vmem>>
        %dma_start3A_80 = arith.constant 0 : i32
        %dma_start3A_81 = tpu.memref_slice %arg3[%arg0, %add3A_68, %dma_start3A_80] : memref<2x2500x128xi32, #tpu.memory_space<hbm>> -> memref<1x1x128xi32, #tpu.memory_space<hbm>>
        %dma_start3A_82 = tpu.memref_squeeze %dma_start3A_81 : memref<1x1x128xi32, #tpu.memory_space<hbm>> -> memref<1x128xi32, #tpu.memory_space<hbm>>
        tpu.enqueue_dma source(%dma_start3A_82 : memref<1x128xi32, #tpu.memory_space<hbm>>) target(%dma_start3A_79 : memref<1x128xi32, #tpu.memory_space<vmem>>) target_semaphore(%run_scoped3A : memref<!tpu.dma_semaphore, #tpu.memory_space<semaphore_mem>>)
        %dma_wait3A = arith.constant 156 : i32
        %dma_wait3A_83 = arith.constant 0 : i32
        %dma_wait3A_84 = tpu.memref_slice %arg10[%dma_wait3A, %dma_wait3A_83] : memref<157x128xi32, #tpu.memory_space<vmem>> -> memref<1x128xi32, #tpu.memory_space<vmem>>
        %dma_wait3A_85 = arith.constant 0 : i32
        %dma_wait3A_86 = tpu.memref_slice %arg3[%arg0, %add3A_68, %dma_wait3A_85] : memref<2x2500x128xi32, #tpu.memory_space<hbm>> -> memref<1x1x128xi32, #tpu.memory_space<hbm>>
        %dma_wait3A_87 = tpu.memref_squeeze %dma_wait3A_86 : memref<1x1x128xi32, #tpu.memory_space<hbm>> -> memref<1x128xi32, #tpu.memory_space<hbm>>
        %dma_wait3A_88 = arith.constant 156 : i32
        %dma_wait3A_89 = arith.constant 0 : i32
        %dma_wait3A_90 = tpu.memref_slice %arg10[%dma_wait3A_88, %dma_wait3A_89] : memref<157x128xi32, #tpu.memory_space<vmem>> -> memref<1x128xi32, #tpu.memory_space<vmem>>
        %dma_wait3A_91 = arith.constant 0 : i32
        %dma_wait3A_92 = tpu.memref_slice %arg3[%arg0, %add3A_68, %dma_wait3A_91] : memref<2x2500x128xi32, #tpu.memory_space<hbm>> -> memref<1x1x128xi32, #tpu.memory_space<hbm>>
        %dma_wait3A_93 = tpu.memref_squeeze %dma_wait3A_92 : memref<1x1x128xi32, #tpu.memory_space<hbm>> -> memref<1x128xi32, #tpu.memory_space<hbm>>
        tpu.wait_dma2 semaphore(%run_scoped3A : memref<!tpu.dma_semaphore, #tpu.memory_space<semaphore_mem>>) src(%dma_wait3A_93 : memref<1x128xi32, #tpu.memory_space<hbm>>) dst(%dma_wait3A_90 : memref<1x128xi32, #tpu.memory_space<vmem>>)
        tpu.yield
      }) : () -> ()
      %add3A_69 = arith.constant 2496 : i32
      %add3A_70 = arith.addi %add3A_69, %arg1 : i32
      "tpu.region"() ({
        %run_scoped3A = tpu.sem_alloc : memref<!tpu.dma_semaphore, #tpu.memory_space<semaphore_mem>>
        %dma_start3A_71 = arith.constant 156 : i32
        %dma_start3A_72 = arith.constant 0 : i32
        %dma_start3A_73 = tpu.memref_slice %arg11[%dma_start3A_71, %dma_start3A_72] : memref<157x128xi32, #tpu.memory_space<vmem>> -> memref<1x128xi32, #tpu.memory_space<vmem>>
        %dma_start3A_74 = arith.constant 0 : i32
        %dma_start3A_75 = tpu.memref_slice %arg4[%add3A_70, %dma_start3A_74] : memref<2500x128xi32, #tpu.memory_space<hbm>> -> memref<1x128xi32, #tpu.memory_space<hbm>>
        %dma_start3A_76 = arith.constant 156 : i32
        %dma_start3A_77 = arith.constant 0 : i32
        %dma_start3A_78 = tpu.memref_slice %arg11[%dma_start3A_76, %dma_start3A_77] : memref<157x128xi32, #tpu.memory_space<vmem>> -> memref<1x128xi32, #tpu.memory_space<vmem>>
        %dma_start3A_79 = arith.constant 0 : i32
        %dma_start3A_80 = tpu.memref_slice %arg4[%add3A_70, %dma_start3A_79] : memref<2500x128xi32, #tpu.memory_space<hbm>> -> memref<1x128xi32, #tpu.memory_space<hbm>>
        tpu.enqueue_dma source(%dma_start3A_80 : memref<1x128xi32, #tpu.memory_space<hbm>>) target(%dma_start3A_78 : memref<1x128xi32, #tpu.memory_space<vmem>>) target_semaphore(%run_scoped3A : memref<!tpu.dma_semaphore, #tpu.memory_space<semaphore_mem>>)
        %dma_wait3A = arith.constant 156 : i32
        %dma_wait3A_81 = arith.constant 0 : i32
        %dma_wait3A_82 = tpu.memref_slice %arg11[%dma_wait3A, %dma_wait3A_81] : memref<157x128xi32, #tpu.memory_space<vmem>> -> memref<1x128xi32, #tpu.memory_space<vmem>>
        %dma_wait3A_83 = arith.constant 0 : i32
        %dma_wait3A_84 = tpu.memref_slice %arg4[%add3A_70, %dma_wait3A_83] : memref<2500x128xi32, #tpu.memory_space<hbm>> -> memref<1x128xi32, #tpu.memory_space<hbm>>
        %dma_wait3A_85 = arith.constant 156 : i32
        %dma_wait3A_86 = arith.constant 0 : i32
        %dma_wait3A_87 = tpu.memref_slice %arg11[%dma_wait3A_85, %dma_wait3A_86] : memref<157x128xi32, #tpu.memory_space<vmem>> -> memref<1x128xi32, #tpu.memory_space<vmem>>
        %dma_wait3A_88 = arith.constant 0 : i32
        %dma_wait3A_89 = tpu.memref_slice %arg4[%add3A_70, %dma_wait3A_88] : memref<2500x128xi32, #tpu.memory_space<hbm>> -> memref<1x128xi32, #tpu.memory_space<hbm>>
        tpu.wait_dma2 semaphore(%run_scoped3A : memref<!tpu.dma_semaphore, #tpu.memory_space<semaphore_mem>>) src(%dma_wait3A_89 : memref<1x128xi32, #tpu.memory_space<hbm>>) dst(%dma_wait3A_87 : memref<1x128xi32, #tpu.memory_space<vmem>>)
        tpu.yield
      }) : () -> ()
    } else {
    }
    %barrier3A = arith.constant 0 : index
    tpu.barrier barrier_id(%barrier3A)
    %dma_start3A = arith.constant 0 : i32
    %dma_start3A_7 = arith.constant 0 : i32
    %dma_start3A_8 = arith.constant 0 : i32
    %dma_start3A_9 = arith.constant 0 : i32
    %dma_start3A_10 = tpu.memref_slice %arg12[%dma_start3A_7, %dma_start3A_8, %dma_start3A_9] : memref<4x128x64xf32, #tpu.memory_space<vmem>> -> memref<1x128x64xf32, #tpu.memory_space<vmem>>
    %dma_start3A_11 = tpu.memref_squeeze %dma_start3A_10 : memref<1x128x64xf32, #tpu.memory_space<vmem>> -> memref<128x64xf32, #tpu.memory_space<vmem>>
    %dma_start3A_12 = arith.constant 0 : i32
    %dma_start3A_13 = tpu.memref_slice %arg10[%dma_start3A, %dma_start3A_12] : memref<157x128xi32, #tpu.memory_space<vmem>> -> memref<1x128xi32, #tpu.memory_space<vmem>>
    %dma_start3A_14 = tpu.memref_squeeze %dma_start3A_13 : memref<1x128xi32, #tpu.memory_space<vmem>> -> memref<128xi32, #tpu.memory_space<vmem>>
    %dma_start3A_15 = arith.constant 0 : i32
    %dma_start3A_16 = arith.constant 0 : i32
    %dma_start3A_17 = tpu.memref_slice %arg2[%dma_start3A_15, %dma_start3A_16] : memref<20000x64xf32, #tpu.memory_space<hbm>> -> memref<20000x64xf32, #tpu.memory_space<hbm>>
    tpu.enqueue_indirect_dma source(%dma_start3A_17 : memref<20000x64xf32, #tpu.memory_space<hbm>>) target(%dma_start3A_11 : memref<128x64xf32, #tpu.memory_space<vmem>>) offsets(%dma_start3A_14 : memref<128xi32, #tpu.memory_space<vmem>>) semaphore(%arg16 : memref<!tpu.dma_semaphore, #tpu.memory_space<semaphore_mem>>)
    %dma_start3A_18 = arith.constant 1 : i32
    %dma_start3A_19 = arith.constant 1 : i32
    %dma_start3A_20 = arith.constant 0 : i32
    %dma_start3A_21 = arith.constant 0 : i32
    %dma_start3A_22 = tpu.memref_slice %arg12[%dma_start3A_19, %dma_start3A_20, %dma_start3A_21] : memref<4x128x64xf32, #tpu.memory_space<vmem>> -> memref<1x128x64xf32, #tpu.memory_space<vmem>>
    %dma_start3A_23 = tpu.memref_squeeze %dma_start3A_22 : memref<1x128x64xf32, #tpu.memory_space<vmem>> -> memref<128x64xf32, #tpu.memory_space<vmem>>
    %dma_start3A_24 = arith.constant 0 : i32
    %dma_start3A_25 = tpu.memref_slice %arg10[%dma_start3A_18, %dma_start3A_24] : memref<157x128xi32, #tpu.memory_space<vmem>> -> memref<1x128xi32, #tpu.memory_space<vmem>>
    %dma_start3A_26 = tpu.memref_squeeze %dma_start3A_25 : memref<1x128xi32, #tpu.memory_space<vmem>> -> memref<128xi32, #tpu.memory_space<vmem>>
    %dma_start3A_27 = arith.constant 0 : i32
    %dma_start3A_28 = arith.constant 0 : i32
    %dma_start3A_29 = tpu.memref_slice %arg2[%dma_start3A_27, %dma_start3A_28] : memref<20000x64xf32, #tpu.memory_space<hbm>> -> memref<20000x64xf32, #tpu.memory_space<hbm>>
    tpu.enqueue_indirect_dma source(%dma_start3A_29 : memref<20000x64xf32, #tpu.memory_space<hbm>>) target(%dma_start3A_23 : memref<128x64xf32, #tpu.memory_space<vmem>>) offsets(%dma_start3A_26 : memref<128xi32, #tpu.memory_space<vmem>>) semaphore(%arg17 : memref<!tpu.dma_semaphore, #tpu.memory_space<semaphore_mem>>)
    %dma_start3A_30 = arith.constant 2 : i32
    %dma_start3A_31 = arith.constant 2 : i32
    %dma_start3A_32 = arith.constant 0 : i32
    %dma_start3A_33 = arith.constant 0 : i32
    %dma_start3A_34 = tpu.memref_slice %arg12[%dma_start3A_31, %dma_start3A_32, %dma_start3A_33] : memref<4x128x64xf32, #tpu.memory_space<vmem>> -> memref<1x128x64xf32, #tpu.memory_space<vmem>>
    %dma_start3A_35 = tpu.memref_squeeze %dma_start3A_34 : memref<1x128x64xf32, #tpu.memory_space<vmem>> -> memref<128x64xf32, #tpu.memory_space<vmem>>
    %dma_start3A_36 = arith.constant 0 : i32
    %dma_start3A_37 = tpu.memref_slice %arg10[%dma_start3A_30, %dma_start3A_36] : memref<157x128xi32, #tpu.memory_space<vmem>> -> memref<1x128xi32, #tpu.memory_space<vmem>>
    %dma_start3A_38 = tpu.memref_squeeze %dma_start3A_37 : memref<1x128xi32, #tpu.memory_space<vmem>> -> memref<128xi32, #tpu.memory_space<vmem>>
    %dma_start3A_39 = arith.constant 0 : i32
    %dma_start3A_40 = arith.constant 0 : i32
    %dma_start3A_41 = tpu.memref_slice %arg2[%dma_start3A_39, %dma_start3A_40] : memref<20000x64xf32, #tpu.memory_space<hbm>> -> memref<20000x64xf32, #tpu.memory_space<hbm>>
    tpu.enqueue_indirect_dma source(%dma_start3A_41 : memref<20000x64xf32, #tpu.memory_space<hbm>>) target(%dma_start3A_35 : memref<128x64xf32, #tpu.memory_space<vmem>>) offsets(%dma_start3A_38 : memref<128xi32, #tpu.memory_space<vmem>>) semaphore(%arg18 : memref<!tpu.dma_semaphore, #tpu.memory_space<semaphore_mem>>)
    %dma_start3A_42 = arith.constant 3 : i32
    %dma_start3A_43 = arith.constant 3 : i32
    %dma_start3A_44 = arith.constant 0 : i32
    %dma_start3A_45 = arith.constant 0 : i32
    %dma_start3A_46 = tpu.memref_slice %arg12[%dma_start3A_43, %dma_start3A_44, %dma_start3A_45] : memref<4x128x64xf32, #tpu.memory_space<vmem>> -> memref<1x128x64xf32, #tpu.memory_space<vmem>>
    %dma_start3A_47 = tpu.memref_squeeze %dma_start3A_46 : memref<1x128x64xf32, #tpu.memory_space<vmem>> -> memref<128x64xf32, #tpu.memory_space<vmem>>
    %dma_start3A_48 = arith.constant 0 : i32
    %dma_start3A_49 = tpu.memref_slice %arg10[%dma_start3A_42, %dma_start3A_48] : memref<157x128xi32, #tpu.memory_space<vmem>> -> memref<1x128xi32, #tpu.memory_space<vmem>>
    %dma_start3A_50 = tpu.memref_squeeze %dma_start3A_49 : memref<1x128xi32, #tpu.memory_space<vmem>> -> memref<128xi32, #tpu.memory_space<vmem>>
    %dma_start3A_51 = arith.constant 0 : i32
    %dma_start3A_52 = arith.constant 0 : i32
    %dma_start3A_53 = tpu.memref_slice %arg2[%dma_start3A_51, %dma_start3A_52] : memref<20000x64xf32, #tpu.memory_space<hbm>> -> memref<20000x64xf32, #tpu.memory_space<hbm>>
    tpu.enqueue_indirect_dma source(%dma_start3A_53 : memref<20000x64xf32, #tpu.memory_space<hbm>>) target(%dma_start3A_47 : memref<128x64xf32, #tpu.memory_space<vmem>>) offsets(%dma_start3A_50 : memref<128xi32, #tpu.memory_space<vmem>>) semaphore(%arg19 : memref<!tpu.dma_semaphore, #tpu.memory_space<semaphore_mem>>)
    %scan3A = arith.constant 0 : i32
    %scan3A_54 = arith.constant 39 : i32
    %scan3A_55 = arith.addi %scan3A, %scan3A_54 : i32
    %scan3A_56 = arith.constant 1 : i32
    scf.for %scan3A_68 = %scan3A to %scan3A_55 step %scan3A_56  : i32 {
      %mul3A_69 = arith.constant 4 : i32
      %mul3A_70 = arith.muli %scan3A_68, %mul3A_69 : i32
      %add3A = arith.constant 0 : i32
      %add3A_71 = arith.addi %add3A, %mul3A_70 : i32
      %add3A_72 = arith.constant 0 : i32
      %add3A_73 = arith.addi %add3A_71, %add3A_72 : i32
      %dma_wait3A = arith.constant 0 : i32
      %dma_wait3A_74 = arith.constant 0 : i32
      %dma_wait3A_75 = arith.constant 0 : i32
      %dma_wait3A_76 = tpu.memref_slice %arg12[%dma_wait3A, %dma_wait3A_74, %dma_wait3A_75] : memref<4x128x64xf32, #tpu.memory_space<vmem>> -> memref<1x128x64xf32, #tpu.memory_space<vmem>>
      %dma_wait3A_77 = tpu.memref_squeeze %dma_wait3A_76 : memref<1x128x64xf32, #tpu.memory_space<vmem>> -> memref<128x64xf32, #tpu.memory_space<vmem>>
      %dma_wait3A_78 = arith.constant 0 : i32
      %dma_wait3A_79 = tpu.memref_slice %arg10[%add3A_73, %dma_wait3A_78] : memref<157x128xi32, #tpu.memory_space<vmem>> -> memref<1x128xi32, #tpu.memory_space<vmem>>
      %dma_wait3A_80 = tpu.memref_squeeze %dma_wait3A_79 : memref<1x128xi32, #tpu.memory_space<vmem>> -> memref<128xi32, #tpu.memory_space<vmem>>
      %dma_wait3A_81 = arith.constant 0 : i32
      %dma_wait3A_82 = arith.constant 0 : i32
      %dma_wait3A_83 = tpu.memref_slice %arg2[%dma_wait3A_81, %dma_wait3A_82] : memref<20000x64xf32, #tpu.memory_space<hbm>> -> memref<20000x64xf32, #tpu.memory_space<hbm>>
      tpu.wait_indirect_dma semaphore(%arg16 : memref<!tpu.dma_semaphore, #tpu.memory_space<semaphore_mem>>) src(%dma_wait3A_83 : memref<20000x64xf32, #tpu.memory_space<hbm>>) dst(%dma_wait3A_77 : memref<128x64xf32, #tpu.memory_space<vmem>>)
      %run_scoped3A = arith.constant 0 : i32
      "tpu.region"() ({
        %run_scoped3A_173 = tpu.sem_alloc : memref<!tpu.dma_semaphore, #tpu.memory_space<semaphore_mem>>
        %dma_start3A_174 = arith.constant 0 : i32
        %dma_start3A_175 = arith.constant 0 : i32
        %dma_start3A_176 = tpu.memref_slice %arg12[%run_scoped3A, %dma_start3A_174, %dma_start3A_175] : memref<4x128x64xf32, #tpu.memory_space<vmem>> -> memref<1x128x64xf32, #tpu.memory_space<vmem>>
        %dma_start3A_177 = tpu.memref_squeeze %dma_start3A_176 : memref<1x128x64xf32, #tpu.memory_space<vmem>> -> memref<128x64xf32, #tpu.memory_space<vmem>>
        %dma_start3A_178 = arith.constant 0 : i32
        %dma_start3A_179 = tpu.memref_slice %arg11[%add3A_73, %dma_start3A_178] : memref<157x128xi32, #tpu.memory_space<vmem>> -> memref<1x128xi32, #tpu.memory_space<vmem>>
        %dma_start3A_180 = tpu.memref_squeeze %dma_start3A_179 : memref<1x128xi32, #tpu.memory_space<vmem>> -> memref<128xi32, #tpu.memory_space<vmem>>
        %dma_start3A_181 = arith.constant 0 : i32
        %dma_start3A_182 = arith.constant 0 : i32
        %dma_start3A_183 = tpu.memref_slice %arg14[%dma_start3A_181, %dma_start3A_182] : memref<10112x64xf32, #tpu.memory_space<vmem_shared>> -> memref<10112x64xf32, #tpu.memory_space<vmem_shared>>
        tpu.enqueue_indirect_dma source(%dma_start3A_177 : memref<128x64xf32, #tpu.memory_space<vmem>>) target(%dma_start3A_183 : memref<10112x64xf32, #tpu.memory_space<vmem_shared>>) offsets(%dma_start3A_180 : memref<128xi32, #tpu.memory_space<vmem>>) semaphore(%run_scoped3A_173 : memref<!tpu.dma_semaphore, #tpu.memory_space<semaphore_mem>>) {add = true}
        %dma_wait3A_184 = arith.constant 0 : i32
        %dma_wait3A_185 = arith.constant 0 : i32
        %dma_wait3A_186 = tpu.memref_slice %arg12[%run_scoped3A, %dma_wait3A_184, %dma_wait3A_185] : memref<4x128x64xf32, #tpu.memory_space<vmem>> -> memref<1x128x64xf32, #tpu.memory_space<vmem>>
        %dma_wait3A_187 = tpu.memref_squeeze %dma_wait3A_186 : memref<1x128x64xf32, #tpu.memory_space<vmem>> -> memref<128x64xf32, #tpu.memory_space<vmem>>
        %dma_wait3A_188 = arith.constant 0 : i32
        %dma_wait3A_189 = tpu.memref_slice %arg11[%add3A_73, %dma_wait3A_188] : memref<157x128xi32, #tpu.memory_space<vmem>> -> memref<1x128xi32, #tpu.memory_space<vmem>>
        %dma_wait3A_190 = tpu.memref_squeeze %dma_wait3A_189 : memref<1x128xi32, #tpu.memory_space<vmem>> -> memref<128xi32, #tpu.memory_space<vmem>>
        %dma_wait3A_191 = arith.constant 0 : i32
        %dma_wait3A_192 = arith.constant 0 : i32
        %dma_wait3A_193 = tpu.memref_slice %arg14[%dma_wait3A_191, %dma_wait3A_192] : memref<10112x64xf32, #tpu.memory_space<vmem_shared>> -> memref<10112x64xf32, #tpu.memory_space<vmem_shared>>
        tpu.wait_indirect_dma semaphore(%run_scoped3A_173 : memref<!tpu.dma_semaphore, #tpu.memory_space<semaphore_mem>>) src(%dma_wait3A_187 : memref<128x64xf32, #tpu.memory_space<vmem>>) dst(%dma_wait3A_193 : memref<10112x64xf32, #tpu.memory_space<vmem_shared>>)
        tpu.yield
      }) : () -> ()
      %eq3A = arith.constant 0 : i32
      %eq3A_84 = arith.cmpi eq, %arg0, %eq3A : i32
      %convert_element_type3A_85 = arith.extui %eq3A_84 : i1 to i32
      %cond3A_86 = arith.constant 0 : i32
      %cond3A_87 = arith.cmpi ne, %convert_element_type3A_85, %cond3A_86 : i32
      scf.if %cond3A_87 {
        "tpu.region"() ({
          %run_scoped3A_173 = tpu.sem_alloc : memref<!tpu.dma_semaphore, #tpu.memory_space<semaphore_mem>>
          %dma_start3A_174 = arith.constant 0 : i32
          %dma_start3A_175 = tpu.memref_slice %arg11[%add3A_73, %dma_start3A_174] : memref<157x128xi32, #tpu.memory_space<vmem>> -> memref<1x128xi32, #tpu.memory_space<vmem>>
          %dma_start3A_176 = tpu.memref_squeeze %dma_start3A_175 : memref<1x128xi32, #tpu.memory_space<vmem>> -> memref<128xi32, #tpu.memory_space<vmem>>
          %dma_start3A_177 = arith.constant 0 : i32
          %dma_start3A_178 = arith.constant 0 : i32
          %dma_start3A_179 = tpu.memref_slice %arg15[%dma_start3A_177, %dma_start3A_178] : memref<10112x8xf32, #tpu.memory_space<vmem_shared>> -> memref<10112x8xf32, #tpu.memory_space<vmem_shared>>
          tpu.enqueue_indirect_dma source(%arg13 : memref<128x8xf32, #tpu.memory_space<vmem>>) target(%dma_start3A_179 : memref<10112x8xf32, #tpu.memory_space<vmem_shared>>) offsets(%dma_start3A_176 : memref<128xi32, #tpu.memory_space<vmem>>) semaphore(%run_scoped3A_173 : memref<!tpu.dma_semaphore, #tpu.memory_space<semaphore_mem>>) {add = true}
          %dma_wait3A_180 = arith.constant 0 : i32
          %dma_wait3A_181 = tpu.memref_slice %arg11[%add3A_73, %dma_wait3A_180] : memref<157x128xi32, #tpu.memory_space<vmem>> -> memref<1x128xi32, #tpu.memory_space<vmem>>
          %dma_wait3A_182 = tpu.memref_squeeze %dma_wait3A_181 : memref<1x128xi32, #tpu.memory_space<vmem>> -> memref<128xi32, #tpu.memory_space<vmem>>
          %dma_wait3A_183 = arith.constant 0 : i32
          %dma_wait3A_184 = arith.constant 0 : i32
          %dma_wait3A_185 = tpu.memref_slice %arg15[%dma_wait3A_183, %dma_wait3A_184] : memref<10112x8xf32, #tpu.memory_space<vmem_shared>> -> memref<10112x8xf32, #tpu.memory_space<vmem_shared>>
          tpu.wait_indirect_dma semaphore(%run_scoped3A_173 : memref<!tpu.dma_semaphore, #tpu.memory_space<semaphore_mem>>) src(%arg13 : memref<128x8xf32, #tpu.memory_space<vmem>>) dst(%dma_wait3A_185 : memref<10112x8xf32, #tpu.memory_space<vmem_shared>>)
          tpu.yield
        }) : () -> ()
      } else {
      }
      %add3A_88 = arith.constant 4 : i32
      %add3A_89 = arith.addi %add3A_73, %add3A_88 : i32
      %lt3A_90 = arith.constant 156 : i32
      %lt3A_91 = arith.cmpi slt, %add3A_89, %lt3A_90 : i32
      %convert_element_type3A_92 = arith.extui %lt3A_91 : i1 to i32
      %cond3A_93 = arith.constant 0 : i32
      %cond3A_94 = arith.cmpi ne, %convert_element_type3A_92, %cond3A_93 : i32
      scf.if %cond3A_94 {
        %dma_start3A_173 = arith.constant 0 : i32
        %dma_start3A_174 = arith.constant 0 : i32
        %dma_start3A_175 = arith.constant 0 : i32
        %dma_start3A_176 = tpu.memref_slice %arg12[%dma_start3A_173, %dma_start3A_174, %dma_start3A_175] : memref<4x128x64xf32, #tpu.memory_space<vmem>> -> memref<1x128x64xf32, #tpu.memory_space<vmem>>
        %dma_start3A_177 = tpu.memref_squeeze %dma_start3A_176 : memref<1x128x64xf32, #tpu.memory_space<vmem>> -> memref<128x64xf32, #tpu.memory_space<vmem>>
        %dma_start3A_178 = arith.constant 0 : i32
        %dma_start3A_179 = tpu.memref_slice %arg10[%add3A_89, %dma_start3A_178] : memref<157x128xi32, #tpu.memory_space<vmem>> -> memref<1x128xi32, #tpu.memory_space<vmem>>
        %dma_start3A_180 = tpu.memref_squeeze %dma_start3A_179 : memref<1x128xi32, #tpu.memory_space<vmem>> -> memref<128xi32, #tpu.memory_space<vmem>>
        %dma_start3A_181 = arith.constant 0 : i32
        %dma_start3A_182 = arith.constant 0 : i32
        %dma_start3A_183 = tpu.memref_slice %arg2[%dma_start3A_181, %dma_start3A_182] : memref<20000x64xf32, #tpu.memory_space<hbm>> -> memref<20000x64xf32, #tpu.memory_space<hbm>>
        tpu.enqueue_indirect_dma source(%dma_start3A_183 : memref<20000x64xf32, #tpu.memory_space<hbm>>) target(%dma_start3A_177 : memref<128x64xf32, #tpu.memory_space<vmem>>) offsets(%dma_start3A_180 : memref<128xi32, #tpu.memory_space<vmem>>) semaphore(%arg16 : memref<!tpu.dma_semaphore, #tpu.memory_space<semaphore_mem>>)
      } else {
      }
      %add3A_95 = arith.constant 1 : i32
      %add3A_96 = arith.addi %add3A_71, %add3A_95 : i32
      %dma_wait3A_97 = arith.constant 1 : i32
      %dma_wait3A_98 = arith.constant 0 : i32
      %dma_wait3A_99 = arith.constant 0 : i32
      %dma_wait3A_100 = tpu.memref_slice %arg12[%dma_wait3A_97, %dma_wait3A_98, %dma_wait3A_99] : memref<4x128x64xf32, #tpu.memory_space<vmem>> -> memref<1x128x64xf32, #tpu.memory_space<vmem>>
      %dma_wait3A_101 = tpu.memref_squeeze %dma_wait3A_100 : memref<1x128x64xf32, #tpu.memory_space<vmem>> -> memref<128x64xf32, #tpu.memory_space<vmem>>
      %dma_wait3A_102 = arith.constant 0 : i32
      %dma_wait3A_103 = tpu.memref_slice %arg10[%add3A_96, %dma_wait3A_102] : memref<157x128xi32, #tpu.memory_space<vmem>> -> memref<1x128xi32, #tpu.memory_space<vmem>>
      %dma_wait3A_104 = tpu.memref_squeeze %dma_wait3A_103 : memref<1x128xi32, #tpu.memory_space<vmem>> -> memref<128xi32, #tpu.memory_space<vmem>>
      %dma_wait3A_105 = arith.constant 0 : i32
      %dma_wait3A_106 = arith.constant 0 : i32
      %dma_wait3A_107 = tpu.memref_slice %arg2[%dma_wait3A_105, %dma_wait3A_106] : memref<20000x64xf32, #tpu.memory_space<hbm>> -> memref<20000x64xf32, #tpu.memory_space<hbm>>
      tpu.wait_indirect_dma semaphore(%arg17 : memref<!tpu.dma_semaphore, #tpu.memory_space<semaphore_mem>>) src(%dma_wait3A_107 : memref<20000x64xf32, #tpu.memory_space<hbm>>) dst(%dma_wait3A_101 : memref<128x64xf32, #tpu.memory_space<vmem>>)
      %run_scoped3A_108 = arith.constant 1 : i32
      "tpu.region"() ({
        %run_scoped3A_173 = tpu.sem_alloc : memref<!tpu.dma_semaphore, #tpu.memory_space<semaphore_mem>>
        %dma_start3A_174 = arith.constant 0 : i32
        %dma_start3A_175 = arith.constant 0 : i32
        %dma_start3A_176 = tpu.memref_slice %arg12[%run_scoped3A_108, %dma_start3A_174, %dma_start3A_175] : memref<4x128x64xf32, #tpu.memory_space<vmem>> -> memref<1x128x64xf32, #tpu.memory_space<vmem>>
        %dma_start3A_177 = tpu.memref_squeeze %dma_start3A_176 : memref<1x128x64xf32, #tpu.memory_space<vmem>> -> memref<128x64xf32, #tpu.memory_space<vmem>>
        %dma_start3A_178 = arith.constant 0 : i32
        %dma_start3A_179 = tpu.memref_slice %arg11[%add3A_96, %dma_start3A_178] : memref<157x128xi32, #tpu.memory_space<vmem>> -> memref<1x128xi32, #tpu.memory_space<vmem>>
        %dma_start3A_180 = tpu.memref_squeeze %dma_start3A_179 : memref<1x128xi32, #tpu.memory_space<vmem>> -> memref<128xi32, #tpu.memory_space<vmem>>
        %dma_start3A_181 = arith.constant 0 : i32
        %dma_start3A_182 = arith.constant 0 : i32
        %dma_start3A_183 = tpu.memref_slice %arg14[%dma_start3A_181, %dma_start3A_182] : memref<10112x64xf32, #tpu.memory_space<vmem_shared>> -> memref<10112x64xf32, #tpu.memory_space<vmem_shared>>
        tpu.enqueue_indirect_dma source(%dma_start3A_177 : memref<128x64xf32, #tpu.memory_space<vmem>>) target(%dma_start3A_183 : memref<10112x64xf32, #tpu.memory_space<vmem_shared>>) offsets(%dma_start3A_180 : memref<128xi32, #tpu.memory_space<vmem>>) semaphore(%run_scoped3A_173 : memref<!tpu.dma_semaphore, #tpu.memory_space<semaphore_mem>>) {add = true}
        %dma_wait3A_184 = arith.constant 0 : i32
        %dma_wait3A_185 = arith.constant 0 : i32
        %dma_wait3A_186 = tpu.memref_slice %arg12[%run_scoped3A_108, %dma_wait3A_184, %dma_wait3A_185] : memref<4x128x64xf32, #tpu.memory_space<vmem>> -> memref<1x128x64xf32, #tpu.memory_space<vmem>>
        %dma_wait3A_187 = tpu.memref_squeeze %dma_wait3A_186 : memref<1x128x64xf32, #tpu.memory_space<vmem>> -> memref<128x64xf32, #tpu.memory_space<vmem>>
        %dma_wait3A_188 = arith.constant 0 : i32
        %dma_wait3A_189 = tpu.memref_slice %arg11[%add3A_96, %dma_wait3A_188] : memref<157x128xi32, #tpu.memory_space<vmem>> -> memref<1x128xi32, #tpu.memory_space<vmem>>
        %dma_wait3A_190 = tpu.memref_squeeze %dma_wait3A_189 : memref<1x128xi32, #tpu.memory_space<vmem>> -> memref<128xi32, #tpu.memory_space<vmem>>
        %dma_wait3A_191 = arith.constant 0 : i32
        %dma_wait3A_192 = arith.constant 0 : i32
        %dma_wait3A_193 = tpu.memref_slice %arg14[%dma_wait3A_191, %dma_wait3A_192] : memref<10112x64xf32, #tpu.memory_space<vmem_shared>> -> memref<10112x64xf32, #tpu.memory_space<vmem_shared>>
        tpu.wait_indirect_dma semaphore(%run_scoped3A_173 : memref<!tpu.dma_semaphore, #tpu.memory_space<semaphore_mem>>) src(%dma_wait3A_187 : memref<128x64xf32, #tpu.memory_space<vmem>>) dst(%dma_wait3A_193 : memref<10112x64xf32, #tpu.memory_space<vmem_shared>>)
        tpu.yield
      }) : () -> ()
      %eq3A_109 = arith.constant 1 : i32
      %eq3A_110 = arith.cmpi eq, %arg0, %eq3A_109 : i32
      %convert_element_type3A_111 = arith.extui %eq3A_110 : i1 to i32
      %cond3A_112 = arith.constant 0 : i32
      %cond3A_113 = arith.cmpi ne, %convert_element_type3A_111, %cond3A_112 : i32
      scf.if %cond3A_113 {
        "tpu.region"() ({
          %run_scoped3A_173 = tpu.sem_alloc : memref<!tpu.dma_semaphore, #tpu.memory_space<semaphore_mem>>
          %dma_start3A_174 = arith.constant 0 : i32
          %dma_start3A_175 = tpu.memref_slice %arg11[%add3A_96, %dma_start3A_174] : memref<157x128xi32, #tpu.memory_space<vmem>> -> memref<1x128xi32, #tpu.memory_space<vmem>>
          %dma_start3A_176 = tpu.memref_squeeze %dma_start3A_175 : memref<1x128xi32, #tpu.memory_space<vmem>> -> memref<128xi32, #tpu.memory_space<vmem>>
          %dma_start3A_177 = arith.constant 0 : i32
          %dma_start3A_178 = arith.constant 0 : i32
          %dma_start3A_179 = tpu.memref_slice %arg15[%dma_start3A_177, %dma_start3A_178] : memref<10112x8xf32, #tpu.memory_space<vmem_shared>> -> memref<10112x8xf32, #tpu.memory_space<vmem_shared>>
          tpu.enqueue_indirect_dma source(%arg13 : memref<128x8xf32, #tpu.memory_space<vmem>>) target(%dma_start3A_179 : memref<10112x8xf32, #tpu.memory_space<vmem_shared>>) offsets(%dma_start3A_176 : memref<128xi32, #tpu.memory_space<vmem>>) semaphore(%run_scoped3A_173 : memref<!tpu.dma_semaphore, #tpu.memory_space<semaphore_mem>>) {add = true}
          %dma_wait3A_180 = arith.constant 0 : i32
          %dma_wait3A_181 = tpu.memref_slice %arg11[%add3A_96, %dma_wait3A_180] : memref<157x128xi32, #tpu.memory_space<vmem>> -> memref<1x128xi32, #tpu.memory_space<vmem>>
          %dma_wait3A_182 = tpu.memref_squeeze %dma_wait3A_181 : memref<1x128xi32, #tpu.memory_space<vmem>> -> memref<128xi32, #tpu.memory_space<vmem>>
          %dma_wait3A_183 = arith.constant 0 : i32
          %dma_wait3A_184 = arith.constant 0 : i32
          %dma_wait3A_185 = tpu.memref_slice %arg15[%dma_wait3A_183, %dma_wait3A_184] : memref<10112x8xf32, #tpu.memory_space<vmem_shared>> -> memref<10112x8xf32, #tpu.memory_space<vmem_shared>>
          tpu.wait_indirect_dma semaphore(%run_scoped3A_173 : memref<!tpu.dma_semaphore, #tpu.memory_space<semaphore_mem>>) src(%arg13 : memref<128x8xf32, #tpu.memory_space<vmem>>) dst(%dma_wait3A_185 : memref<10112x8xf32, #tpu.memory_space<vmem_shared>>)
          tpu.yield
        }) : () -> ()
      } else {
      }
      %add3A_114 = arith.constant 4 : i32
      %add3A_115 = arith.addi %add3A_96, %add3A_114 : i32
      %lt3A_116 = arith.constant 156 : i32
      %lt3A_117 = arith.cmpi slt, %add3A_115, %lt3A_116 : i32
      %convert_element_type3A_118 = arith.extui %lt3A_117 : i1 to i32
      %cond3A_119 = arith.constant 0 : i32
      %cond3A_120 = arith.cmpi ne, %convert_element_type3A_118, %cond3A_119 : i32
      scf.if %cond3A_120 {
        %dma_start3A_173 = arith.constant 1 : i32
        %dma_start3A_174 = arith.constant 0 : i32
        %dma_start3A_175 = arith.constant 0 : i32
        %dma_start3A_176 = tpu.memref_slice %arg12[%dma_start3A_173, %dma_start3A_174, %dma_start3A_175] : memref<4x128x64xf32, #tpu.memory_space<vmem>> -> memref<1x128x64xf32, #tpu.memory_space<vmem>>
        %dma_start3A_177 = tpu.memref_squeeze %dma_start3A_176 : memref<1x128x64xf32, #tpu.memory_space<vmem>> -> memref<128x64xf32, #tpu.memory_space<vmem>>
        %dma_start3A_178 = arith.constant 0 : i32
        %dma_start3A_179 = tpu.memref_slice %arg10[%add3A_115, %dma_start3A_178] : memref<157x128xi32, #tpu.memory_space<vmem>> -> memref<1x128xi32, #tpu.memory_space<vmem>>
        %dma_start3A_180 = tpu.memref_squeeze %dma_start3A_179 : memref<1x128xi32, #tpu.memory_space<vmem>> -> memref<128xi32, #tpu.memory_space<vmem>>
        %dma_start3A_181 = arith.constant 0 : i32
        %dma_start3A_182 = arith.constant 0 : i32
        %dma_start3A_183 = tpu.memref_slice %arg2[%dma_start3A_181, %dma_start3A_182] : memref<20000x64xf32, #tpu.memory_space<hbm>> -> memref<20000x64xf32, #tpu.memory_space<hbm>>
        tpu.enqueue_indirect_dma source(%dma_start3A_183 : memref<20000x64xf32, #tpu.memory_space<hbm>>) target(%dma_start3A_177 : memref<128x64xf32, #tpu.memory_space<vmem>>) offsets(%dma_start3A_180 : memref<128xi32, #tpu.memory_space<vmem>>) semaphore(%arg17 : memref<!tpu.dma_semaphore, #tpu.memory_space<semaphore_mem>>)
      } else {
      }
      %add3A_121 = arith.constant 2 : i32
      %add3A_122 = arith.addi %add3A_71, %add3A_121 : i32
      %dma_wait3A_123 = arith.constant 2 : i32
      %dma_wait3A_124 = arith.constant 0 : i32
      %dma_wait3A_125 = arith.constant 0 : i32
      %dma_wait3A_126 = tpu.memref_slice %arg12[%dma_wait3A_123, %dma_wait3A_124, %dma_wait3A_125] : memref<4x128x64xf32, #tpu.memory_space<vmem>> -> memref<1x128x64xf32, #tpu.memory_space<vmem>>
      %dma_wait3A_127 = tpu.memref_squeeze %dma_wait3A_126 : memref<1x128x64xf32, #tpu.memory_space<vmem>> -> memref<128x64xf32, #tpu.memory_space<vmem>>
      %dma_wait3A_128 = arith.constant 0 : i32
      %dma_wait3A_129 = tpu.memref_slice %arg10[%add3A_122, %dma_wait3A_128] : memref<157x128xi32, #tpu.memory_space<vmem>> -> memref<1x128xi32, #tpu.memory_space<vmem>>
      %dma_wait3A_130 = tpu.memref_squeeze %dma_wait3A_129 : memref<1x128xi32, #tpu.memory_space<vmem>> -> memref<128xi32, #tpu.memory_space<vmem>>
      %dma_wait3A_131 = arith.constant 0 : i32
      %dma_wait3A_132 = arith.constant 0 : i32
      %dma_wait3A_133 = tpu.memref_slice %arg2[%dma_wait3A_131, %dma_wait3A_132] : memref<20000x64xf32, #tpu.memory_space<hbm>> -> memref<20000x64xf32, #tpu.memory_space<hbm>>
      tpu.wait_indirect_dma semaphore(%arg18 : memref<!tpu.dma_semaphore, #tpu.memory_space<semaphore_mem>>) src(%dma_wait3A_133 : memref<20000x64xf32, #tpu.memory_space<hbm>>) dst(%dma_wait3A_127 : memref<128x64xf32, #tpu.memory_space<vmem>>)
      %run_scoped3A_134 = arith.constant 2 : i32
      "tpu.region"() ({
        %run_scoped3A_173 = tpu.sem_alloc : memref<!tpu.dma_semaphore, #tpu.memory_space<semaphore_mem>>
        %dma_start3A_174 = arith.constant 0 : i32
        %dma_start3A_175 = arith.constant 0 : i32
        %dma_start3A_176 = tpu.memref_slice %arg12[%run_scoped3A_134, %dma_start3A_174, %dma_start3A_175] : memref<4x128x64xf32, #tpu.memory_space<vmem>> -> memref<1x128x64xf32, #tpu.memory_space<vmem>>
        %dma_start3A_177 = tpu.memref_squeeze %dma_start3A_176 : memref<1x128x64xf32, #tpu.memory_space<vmem>> -> memref<128x64xf32, #tpu.memory_space<vmem>>
        %dma_start3A_178 = arith.constant 0 : i32
        %dma_start3A_179 = tpu.memref_slice %arg11[%add3A_122, %dma_start3A_178] : memref<157x128xi32, #tpu.memory_space<vmem>> -> memref<1x128xi32, #tpu.memory_space<vmem>>
        %dma_start3A_180 = tpu.memref_squeeze %dma_start3A_179 : memref<1x128xi32, #tpu.memory_space<vmem>> -> memref<128xi32, #tpu.memory_space<vmem>>
        %dma_start3A_181 = arith.constant 0 : i32
        %dma_start3A_182 = arith.constant 0 : i32
        %dma_start3A_183 = tpu.memref_slice %arg14[%dma_start3A_181, %dma_start3A_182] : memref<10112x64xf32, #tpu.memory_space<vmem_shared>> -> memref<10112x64xf32, #tpu.memory_space<vmem_shared>>
        tpu.enqueue_indirect_dma source(%dma_start3A_177 : memref<128x64xf32, #tpu.memory_space<vmem>>) target(%dma_start3A_183 : memref<10112x64xf32, #tpu.memory_space<vmem_shared>>) offsets(%dma_start3A_180 : memref<128xi32, #tpu.memory_space<vmem>>) semaphore(%run_scoped3A_173 : memref<!tpu.dma_semaphore, #tpu.memory_space<semaphore_mem>>) {add = true}
        %dma_wait3A_184 = arith.constant 0 : i32
        %dma_wait3A_185 = arith.constant 0 : i32
        %dma_wait3A_186 = tpu.memref_slice %arg12[%run_scoped3A_134, %dma_wait3A_184, %dma_wait3A_185] : memref<4x128x64xf32, #tpu.memory_space<vmem>> -> memref<1x128x64xf32, #tpu.memory_space<vmem>>
        %dma_wait3A_187 = tpu.memref_squeeze %dma_wait3A_186 : memref<1x128x64xf32, #tpu.memory_space<vmem>> -> memref<128x64xf32, #tpu.memory_space<vmem>>
        %dma_wait3A_188 = arith.constant 0 : i32
        %dma_wait3A_189 = tpu.memref_slice %arg11[%add3A_122, %dma_wait3A_188] : memref<157x128xi32, #tpu.memory_space<vmem>> -> memref<1x128xi32, #tpu.memory_space<vmem>>
        %dma_wait3A_190 = tpu.memref_squeeze %dma_wait3A_189 : memref<1x128xi32, #tpu.memory_space<vmem>> -> memref<128xi32, #tpu.memory_space<vmem>>
        %dma_wait3A_191 = arith.constant 0 : i32
        %dma_wait3A_192 = arith.constant 0 : i32
        %dma_wait3A_193 = tpu.memref_slice %arg14[%dma_wait3A_191, %dma_wait3A_192] : memref<10112x64xf32, #tpu.memory_space<vmem_shared>> -> memref<10112x64xf32, #tpu.memory_space<vmem_shared>>
        tpu.wait_indirect_dma semaphore(%run_scoped3A_173 : memref<!tpu.dma_semaphore, #tpu.memory_space<semaphore_mem>>) src(%dma_wait3A_187 : memref<128x64xf32, #tpu.memory_space<vmem>>) dst(%dma_wait3A_193 : memref<10112x64xf32, #tpu.memory_space<vmem_shared>>)
        tpu.yield
      }) : () -> ()
      %eq3A_135 = arith.constant 0 : i32
      %eq3A_136 = arith.cmpi eq, %arg0, %eq3A_135 : i32
      %convert_element_type3A_137 = arith.extui %eq3A_136 : i1 to i32
      %cond3A_138 = arith.constant 0 : i32
      %cond3A_139 = arith.cmpi ne, %convert_element_type3A_137, %cond3A_138 : i32
      scf.if %cond3A_139 {
        "tpu.region"() ({
          %run_scoped3A_173 = tpu.sem_alloc : memref<!tpu.dma_semaphore, #tpu.memory_space<semaphore_mem>>
          %dma_start3A_174 = arith.constant 0 : i32
          %dma_start3A_175 = tpu.memref_slice %arg11[%add3A_122, %dma_start3A_174] : memref<157x128xi32, #tpu.memory_space<vmem>> -> memref<1x128xi32, #tpu.memory_space<vmem>>
          %dma_start3A_176 = tpu.memref_squeeze %dma_start3A_175 : memref<1x128xi32, #tpu.memory_space<vmem>> -> memref<128xi32, #tpu.memory_space<vmem>>
          %dma_start3A_177 = arith.constant 0 : i32
          %dma_start3A_178 = arith.constant 0 : i32
          %dma_start3A_179 = tpu.memref_slice %arg15[%dma_start3A_177, %dma_start3A_178] : memref<10112x8xf32, #tpu.memory_space<vmem_shared>> -> memref<10112x8xf32, #tpu.memory_space<vmem_shared>>
          tpu.enqueue_indirect_dma source(%arg13 : memref<128x8xf32, #tpu.memory_space<vmem>>) target(%dma_start3A_179 : memref<10112x8xf32, #tpu.memory_space<vmem_shared>>) offsets(%dma_start3A_176 : memref<128xi32, #tpu.memory_space<vmem>>) semaphore(%run_scoped3A_173 : memref<!tpu.dma_semaphore, #tpu.memory_space<semaphore_mem>>) {add = true}
          %dma_wait3A_180 = arith.constant 0 : i32
          %dma_wait3A_181 = tpu.memref_slice %arg11[%add3A_122, %dma_wait3A_180] : memref<157x128xi32, #tpu.memory_space<vmem>> -> memref<1x128xi32, #tpu.memory_space<vmem>>
          %dma_wait3A_182 = tpu.memref_squeeze %dma_wait3A_181 : memref<1x128xi32, #tpu.memory_space<vmem>> -> memref<128xi32, #tpu.memory_space<vmem>>
          %dma_wait3A_183 = arith.constant 0 : i32
          %dma_wait3A_184 = arith.constant 0 : i32
          %dma_wait3A_185 = tpu.memref_slice %arg15[%dma_wait3A_183, %dma_wait3A_184] : memref<10112x8xf32, #tpu.memory_space<vmem_shared>> -> memref<10112x8xf32, #tpu.memory_space<vmem_shared>>
          tpu.wait_indirect_dma semaphore(%run_scoped3A_173 : memref<!tpu.dma_semaphore, #tpu.memory_space<semaphore_mem>>) src(%arg13 : memref<128x8xf32, #tpu.memory_space<vmem>>) dst(%dma_wait3A_185 : memref<10112x8xf32, #tpu.memory_space<vmem_shared>>)
          tpu.yield
        }) : () -> ()
      } else {
      }
      %add3A_140 = arith.constant 4 : i32
      %add3A_141 = arith.addi %add3A_122, %add3A_140 : i32
      %lt3A_142 = arith.constant 156 : i32
      %lt3A_143 = arith.cmpi slt, %add3A_141, %lt3A_142 : i32
      %convert_element_type3A_144 = arith.extui %lt3A_143 : i1 to i32
      %cond3A_145 = arith.constant 0 : i32
      %cond3A_146 = arith.cmpi ne, %convert_element_type3A_144, %cond3A_145 : i32
      scf.if %cond3A_146 {
        %dma_start3A_173 = arith.constant 2 : i32
        %dma_start3A_174 = arith.constant 0 : i32
        %dma_start3A_175 = arith.constant 0 : i32
        %dma_start3A_176 = tpu.memref_slice %arg12[%dma_start3A_173, %dma_start3A_174, %dma_start3A_175] : memref<4x128x64xf32, #tpu.memory_space<vmem>> -> memref<1x128x64xf32, #tpu.memory_space<vmem>>
        %dma_start3A_177 = tpu.memref_squeeze %dma_start3A_176 : memref<1x128x64xf32, #tpu.memory_space<vmem>> -> memref<128x64xf32, #tpu.memory_space<vmem>>
        %dma_start3A_178 = arith.constant 0 : i32
        %dma_start3A_179 = tpu.memref_slice %arg10[%add3A_141, %dma_start3A_178] : memref<157x128xi32, #tpu.memory_space<vmem>> -> memref<1x128xi32, #tpu.memory_space<vmem>>
        %dma_start3A_180 = tpu.memref_squeeze %dma_start3A_179 : memref<1x128xi32, #tpu.memory_space<vmem>> -> memref<128xi32, #tpu.memory_space<vmem>>
        %dma_start3A_181 = arith.constant 0 : i32
        %dma_start3A_182 = arith.constant 0 : i32
        %dma_start3A_183 = tpu.memref_slice %arg2[%dma_start3A_181, %dma_start3A_182] : memref<20000x64xf32, #tpu.memory_space<hbm>> -> memref<20000x64xf32, #tpu.memory_space<hbm>>
        tpu.enqueue_indirect_dma source(%dma_start3A_183 : memref<20000x64xf32, #tpu.memory_space<hbm>>) target(%dma_start3A_177 : memref<128x64xf32, #tpu.memory_space<vmem>>) offsets(%dma_start3A_180 : memref<128xi32, #tpu.memory_space<vmem>>) semaphore(%arg18 : memref<!tpu.dma_semaphore, #tpu.memory_space<semaphore_mem>>)
      } else {
      }
      %add3A_147 = arith.constant 3 : i32
      %add3A_148 = arith.addi %add3A_71, %add3A_147 : i32
      %dma_wait3A_149 = arith.constant 3 : i32
      %dma_wait3A_150 = arith.constant 0 : i32
      %dma_wait3A_151 = arith.constant 0 : i32
      %dma_wait3A_152 = tpu.memref_slice %arg12[%dma_wait3A_149, %dma_wait3A_150, %dma_wait3A_151] : memref<4x128x64xf32, #tpu.memory_space<vmem>> -> memref<1x128x64xf32, #tpu.memory_space<vmem>>
      %dma_wait3A_153 = tpu.memref_squeeze %dma_wait3A_152 : memref<1x128x64xf32, #tpu.memory_space<vmem>> -> memref<128x64xf32, #tpu.memory_space<vmem>>
      %dma_wait3A_154 = arith.constant 0 : i32
      %dma_wait3A_155 = tpu.memref_slice %arg10[%add3A_148, %dma_wait3A_154] : memref<157x128xi32, #tpu.memory_space<vmem>> -> memref<1x128xi32, #tpu.memory_space<vmem>>
      %dma_wait3A_156 = tpu.memref_squeeze %dma_wait3A_155 : memref<1x128xi32, #tpu.memory_space<vmem>> -> memref<128xi32, #tpu.memory_space<vmem>>
      %dma_wait3A_157 = arith.constant 0 : i32
      %dma_wait3A_158 = arith.constant 0 : i32
      %dma_wait3A_159 = tpu.memref_slice %arg2[%dma_wait3A_157, %dma_wait3A_158] : memref<20000x64xf32, #tpu.memory_space<hbm>> -> memref<20000x64xf32, #tpu.memory_space<hbm>>
      tpu.wait_indirect_dma semaphore(%arg19 : memref<!tpu.dma_semaphore, #tpu.memory_space<semaphore_mem>>) src(%dma_wait3A_159 : memref<20000x64xf32, #tpu.memory_space<hbm>>) dst(%dma_wait3A_153 : memref<128x64xf32, #tpu.memory_space<vmem>>)
      %run_scoped3A_160 = arith.constant 3 : i32
      "tpu.region"() ({
        %run_scoped3A_173 = tpu.sem_alloc : memref<!tpu.dma_semaphore, #tpu.memory_space<semaphore_mem>>
        %dma_start3A_174 = arith.constant 0 : i32
        %dma_start3A_175 = arith.constant 0 : i32
        %dma_start3A_176 = tpu.memref_slice %arg12[%run_scoped3A_160, %dma_start3A_174, %dma_start3A_175] : memref<4x128x64xf32, #tpu.memory_space<vmem>> -> memref<1x128x64xf32, #tpu.memory_space<vmem>>
        %dma_start3A_177 = tpu.memref_squeeze %dma_start3A_176 : memref<1x128x64xf32, #tpu.memory_space<vmem>> -> memref<128x64xf32, #tpu.memory_space<vmem>>
        %dma_start3A_178 = arith.constant 0 : i32
        %dma_start3A_179 = tpu.memref_slice %arg11[%add3A_148, %dma_start3A_178] : memref<157x128xi32, #tpu.memory_space<vmem>> -> memref<1x128xi32, #tpu.memory_space<vmem>>
        %dma_start3A_180 = tpu.memref_squeeze %dma_start3A_179 : memref<1x128xi32, #tpu.memory_space<vmem>> -> memref<128xi32, #tpu.memory_space<vmem>>
        %dma_start3A_181 = arith.constant 0 : i32
        %dma_start3A_182 = arith.constant 0 : i32
        %dma_start3A_183 = tpu.memref_slice %arg14[%dma_start3A_181, %dma_start3A_182] : memref<10112x64xf32, #tpu.memory_space<vmem_shared>> -> memref<10112x64xf32, #tpu.memory_space<vmem_shared>>
        tpu.enqueue_indirect_dma source(%dma_start3A_177 : memref<128x64xf32, #tpu.memory_space<vmem>>) target(%dma_start3A_183 : memref<10112x64xf32, #tpu.memory_space<vmem_shared>>) offsets(%dma_start3A_180 : memref<128xi32, #tpu.memory_space<vmem>>) semaphore(%run_scoped3A_173 : memref<!tpu.dma_semaphore, #tpu.memory_space<semaphore_mem>>) {add = true}
        %dma_wait3A_184 = arith.constant 0 : i32
        %dma_wait3A_185 = arith.constant 0 : i32
        %dma_wait3A_186 = tpu.memref_slice %arg12[%run_scoped3A_160, %dma_wait3A_184, %dma_wait3A_185] : memref<4x128x64xf32, #tpu.memory_space<vmem>> -> memref<1x128x64xf32, #tpu.memory_space<vmem>>
        %dma_wait3A_187 = tpu.memref_squeeze %dma_wait3A_186 : memref<1x128x64xf32, #tpu.memory_space<vmem>> -> memref<128x64xf32, #tpu.memory_space<vmem>>
        %dma_wait3A_188 = arith.constant 0 : i32
        %dma_wait3A_189 = tpu.memref_slice %arg11[%add3A_148, %dma_wait3A_188] : memref<157x128xi32, #tpu.memory_space<vmem>> -> memref<1x128xi32, #tpu.memory_space<vmem>>
        %dma_wait3A_190 = tpu.memref_squeeze %dma_wait3A_189 : memref<1x128xi32, #tpu.memory_space<vmem>> -> memref<128xi32, #tpu.memory_space<vmem>>
        %dma_wait3A_191 = arith.constant 0 : i32
        %dma_wait3A_192 = arith.constant 0 : i32
        %dma_wait3A_193 = tpu.memref_slice %arg14[%dma_wait3A_191, %dma_wait3A_192] : memref<10112x64xf32, #tpu.memory_space<vmem_shared>> -> memref<10112x64xf32, #tpu.memory_space<vmem_shared>>
        tpu.wait_indirect_dma semaphore(%run_scoped3A_173 : memref<!tpu.dma_semaphore, #tpu.memory_space<semaphore_mem>>) src(%dma_wait3A_187 : memref<128x64xf32, #tpu.memory_space<vmem>>) dst(%dma_wait3A_193 : memref<10112x64xf32, #tpu.memory_space<vmem_shared>>)
        tpu.yield
      }) : () -> ()
      %eq3A_161 = arith.constant 1 : i32
      %eq3A_162 = arith.cmpi eq, %arg0, %eq3A_161 : i32
      %convert_element_type3A_163 = arith.extui %eq3A_162 : i1 to i32
      %cond3A_164 = arith.constant 0 : i32
      %cond3A_165 = arith.cmpi ne, %convert_element_type3A_163, %cond3A_164 : i32
      scf.if %cond3A_165 {
        "tpu.region"() ({
          %run_scoped3A_173 = tpu.sem_alloc : memref<!tpu.dma_semaphore, #tpu.memory_space<semaphore_mem>>
          %dma_start3A_174 = arith.constant 0 : i32
          %dma_start3A_175 = tpu.memref_slice %arg11[%add3A_148, %dma_start3A_174] : memref<157x128xi32, #tpu.memory_space<vmem>> -> memref<1x128xi32, #tpu.memory_space<vmem>>
          %dma_start3A_176 = tpu.memref_squeeze %dma_start3A_175 : memref<1x128xi32, #tpu.memory_space<vmem>> -> memref<128xi32, #tpu.memory_space<vmem>>
          %dma_start3A_177 = arith.constant 0 : i32
          %dma_start3A_178 = arith.constant 0 : i32
          %dma_start3A_179 = tpu.memref_slice %arg15[%dma_start3A_177, %dma_start3A_178] : memref<10112x8xf32, #tpu.memory_space<vmem_shared>> -> memref<10112x8xf32, #tpu.memory_space<vmem_shared>>
          tpu.enqueue_indirect_dma source(%arg13 : memref<128x8xf32, #tpu.memory_space<vmem>>) target(%dma_start3A_179 : memref<10112x8xf32, #tpu.memory_space<vmem_shared>>) offsets(%dma_start3A_176 : memref<128xi32, #tpu.memory_space<vmem>>) semaphore(%run_scoped3A_173 : memref<!tpu.dma_semaphore, #tpu.memory_space<semaphore_mem>>) {add = true}
          %dma_wait3A_180 = arith.constant 0 : i32
          %dma_wait3A_181 = tpu.memref_slice %arg11[%add3A_148, %dma_wait3A_180] : memref<157x128xi32, #tpu.memory_space<vmem>> -> memref<1x128xi32, #tpu.memory_space<vmem>>
          %dma_wait3A_182 = tpu.memref_squeeze %dma_wait3A_181 : memref<1x128xi32, #tpu.memory_space<vmem>> -> memref<128xi32, #tpu.memory_space<vmem>>
          %dma_wait3A_183 = arith.constant 0 : i32
          %dma_wait3A_184 = arith.constant 0 : i32
          %dma_wait3A_185 = tpu.memref_slice %arg15[%dma_wait3A_183, %dma_wait3A_184] : memref<10112x8xf32, #tpu.memory_space<vmem_shared>> -> memref<10112x8xf32, #tpu.memory_space<vmem_shared>>
          tpu.wait_indirect_dma semaphore(%run_scoped3A_173 : memref<!tpu.dma_semaphore, #tpu.memory_space<semaphore_mem>>) src(%arg13 : memref<128x8xf32, #tpu.memory_space<vmem>>) dst(%dma_wait3A_185 : memref<10112x8xf32, #tpu.memory_space<vmem_shared>>)
          tpu.yield
        }) : () -> ()
      } else {
      }
      %add3A_166 = arith.constant 4 : i32
      %add3A_167 = arith.addi %add3A_148, %add3A_166 : i32
      %lt3A_168 = arith.constant 156 : i32
      %lt3A_169 = arith.cmpi slt, %add3A_167, %lt3A_168 : i32
      %convert_element_type3A_170 = arith.extui %lt3A_169 : i1 to i32
      %cond3A_171 = arith.constant 0 : i32
      %cond3A_172 = arith.cmpi ne, %convert_element_type3A_170, %cond3A_171 : i32
      scf.if %cond3A_172 {
        %dma_start3A_173 = arith.constant 3 : i32
        %dma_start3A_174 = arith.constant 0 : i32
        %dma_start3A_175 = arith.constant 0 : i32
        %dma_start3A_176 = tpu.memref_slice %arg12[%dma_start3A_173, %dma_start3A_174, %dma_start3A_175] : memref<4x128x64xf32, #tpu.memory_space<vmem>> -> memref<1x128x64xf32, #tpu.memory_space<vmem>>
        %dma_start3A_177 = tpu.memref_squeeze %dma_start3A_176 : memref<1x128x64xf32, #tpu.memory_space<vmem>> -> memref<128x64xf32, #tpu.memory_space<vmem>>
        %dma_start3A_178 = arith.constant 0 : i32
        %dma_start3A_179 = tpu.memref_slice %arg10[%add3A_167, %dma_start3A_178] : memref<157x128xi32, #tpu.memory_space<vmem>> -> memref<1x128xi32, #tpu.memory_space<vmem>>
        %dma_start3A_180 = tpu.memref_squeeze %dma_start3A_179 : memref<1x128xi32, #tpu.memory_space<vmem>> -> memref<128xi32, #tpu.memory_space<vmem>>
        %dma_start3A_181 = arith.constant 0 : i32
        %dma_start3A_182 = arith.constant 0 : i32
        %dma_start3A_183 = tpu.memref_slice %arg2[%dma_start3A_181, %dma_start3A_182] : memref<20000x64xf32, #tpu.memory_space<hbm>> -> memref<20000x64xf32, #tpu.memory_space<hbm>>
        tpu.enqueue_indirect_dma source(%dma_start3A_183 : memref<20000x64xf32, #tpu.memory_space<hbm>>) target(%dma_start3A_177 : memref<128x64xf32, #tpu.memory_space<vmem>>) offsets(%dma_start3A_180 : memref<128xi32, #tpu.memory_space<vmem>>) semaphore(%arg19 : memref<!tpu.dma_semaphore, #tpu.memory_space<semaphore_mem>>)
      } else {
      }
    }
    %scan3A_57 = arith.constant 39 : i32
    %lt3A_58 = arith.constant 4 : i32
    %lt3A_59 = arith.cmpi slt, %arg1, %lt3A_58 : i32
    %convert_element_type3A_60 = arith.extui %lt3A_59 : i1 to i32
    %cond3A_61 = arith.constant 0 : i32
    %cond3A_62 = arith.cmpi ne, %convert_element_type3A_60, %cond3A_61 : i32
    scf.if %cond3A_62 {
      %dma_start3A_68 = arith.constant 156 : i32
      %dma_start3A_69 = arith.constant 0 : i32
      %dma_start3A_70 = arith.constant 0 : i32
      %dma_start3A_71 = arith.constant 0 : i32
      %dma_start3A_72 = tpu.memref_slice %arg12[%dma_start3A_69, %dma_start3A_70, %dma_start3A_71] : memref<4x128x64xf32, #tpu.memory_space<vmem>> -> memref<1x128x64xf32, #tpu.memory_space<vmem>>
      %dma_start3A_73 = tpu.memref_squeeze %dma_start3A_72 : memref<1x128x64xf32, #tpu.memory_space<vmem>> -> memref<128x64xf32, #tpu.memory_space<vmem>>
      %dma_start3A_74 = arith.constant 0 : i32
      %dma_start3A_75 = tpu.memref_slice %arg10[%dma_start3A_68, %dma_start3A_74] : memref<157x128xi32, #tpu.memory_space<vmem>> -> memref<1x128xi32, #tpu.memory_space<vmem>>
      %dma_start3A_76 = tpu.memref_squeeze %dma_start3A_75 : memref<1x128xi32, #tpu.memory_space<vmem>> -> memref<128xi32, #tpu.memory_space<vmem>>
      %dma_start3A_77 = arith.constant 0 : i32
      %dma_start3A_78 = arith.constant 0 : i32
      %dma_start3A_79 = tpu.memref_slice %arg2[%dma_start3A_77, %dma_start3A_78] : memref<20000x64xf32, #tpu.memory_space<hbm>> -> memref<20000x64xf32, #tpu.memory_space<hbm>>
      tpu.enqueue_indirect_dma source(%dma_start3A_79 : memref<20000x64xf32, #tpu.memory_space<hbm>>) target(%dma_start3A_73 : memref<128x64xf32, #tpu.memory_space<vmem>>) offsets(%dma_start3A_76 : memref<128xi32, #tpu.memory_space<vmem>>) semaphore(%arg16 : memref<!tpu.dma_semaphore, #tpu.memory_space<semaphore_mem>>)
      %dma_wait3A = arith.constant 156 : i32
      %dma_wait3A_80 = arith.constant 0 : i32
      %dma_wait3A_81 = arith.constant 0 : i32
      %dma_wait3A_82 = arith.constant 0 : i32
      %dma_wait3A_83 = tpu.memref_slice %arg12[%dma_wait3A_80, %dma_wait3A_81, %dma_wait3A_82] : memref<4x128x64xf32, #tpu.memory_space<vmem>> -> memref<1x128x64xf32, #tpu.memory_space<vmem>>
      %dma_wait3A_84 = tpu.memref_squeeze %dma_wait3A_83 : memref<1x128x64xf32, #tpu.memory_space<vmem>> -> memref<128x64xf32, #tpu.memory_space<vmem>>
      %dma_wait3A_85 = arith.constant 0 : i32
      %dma_wait3A_86 = tpu.memref_slice %arg10[%dma_wait3A, %dma_wait3A_85] : memref<157x128xi32, #tpu.memory_space<vmem>> -> memref<1x128xi32, #tpu.memory_space<vmem>>
      %dma_wait3A_87 = tpu.memref_squeeze %dma_wait3A_86 : memref<1x128xi32, #tpu.memory_space<vmem>> -> memref<128xi32, #tpu.memory_space<vmem>>
      %dma_wait3A_88 = arith.constant 0 : i32
      %dma_wait3A_89 = arith.constant 0 : i32
      %dma_wait3A_90 = tpu.memref_slice %arg2[%dma_wait3A_88, %dma_wait3A_89] : memref<20000x64xf32, #tpu.memory_space<hbm>> -> memref<20000x64xf32, #tpu.memory_space<hbm>>
      tpu.wait_indirect_dma semaphore(%arg16 : memref<!tpu.dma_semaphore, #tpu.memory_space<semaphore_mem>>) src(%dma_wait3A_90 : memref<20000x64xf32, #tpu.memory_space<hbm>>) dst(%dma_wait3A_84 : memref<128x64xf32, #tpu.memory_space<vmem>>)
      %run_scoped3A = arith.constant 0 : i32
      %run_scoped3A_91 = arith.constant 156 : i32
      "tpu.region"() ({
        %run_scoped3A_105 = tpu.sem_alloc : memref<!tpu.dma_semaphore, #tpu.memory_space<semaphore_mem>>
        %dma_start3A_106 = arith.constant 0 : i32
        %dma_start3A_107 = arith.constant 0 : i32
        %dma_start3A_108 = tpu.memref_slice %arg12[%run_scoped3A, %dma_start3A_106, %dma_start3A_107] : memref<4x128x64xf32, #tpu.memory_space<vmem>> -> memref<1x128x64xf32, #tpu.memory_space<vmem>>
        %dma_start3A_109 = tpu.memref_squeeze %dma_start3A_108 : memref<1x128x64xf32, #tpu.memory_space<vmem>> -> memref<128x64xf32, #tpu.memory_space<vmem>>
        %dma_start3A_110 = arith.constant 0 : i32
        %dma_start3A_111 = tpu.memref_slice %arg11[%run_scoped3A_91, %dma_start3A_110] : memref<157x128xi32, #tpu.memory_space<vmem>> -> memref<1x128xi32, #tpu.memory_space<vmem>>
        %dma_start3A_112 = tpu.memref_squeeze %dma_start3A_111 : memref<1x128xi32, #tpu.memory_space<vmem>> -> memref<128xi32, #tpu.memory_space<vmem>>
        %dma_start3A_113 = arith.constant 0 : i32
        %dma_start3A_114 = arith.constant 0 : i32
        %dma_start3A_115 = tpu.memref_slice %arg14[%dma_start3A_113, %dma_start3A_114] : memref<10112x64xf32, #tpu.memory_space<vmem_shared>> -> memref<10112x64xf32, #tpu.memory_space<vmem_shared>>
        tpu.enqueue_indirect_dma source(%dma_start3A_109 : memref<128x64xf32, #tpu.memory_space<vmem>>) target(%dma_start3A_115 : memref<10112x64xf32, #tpu.memory_space<vmem_shared>>) offsets(%dma_start3A_112 : memref<128xi32, #tpu.memory_space<vmem>>) semaphore(%run_scoped3A_105 : memref<!tpu.dma_semaphore, #tpu.memory_space<semaphore_mem>>) {add = true}
        %dma_wait3A_116 = arith.constant 0 : i32
        %dma_wait3A_117 = arith.constant 0 : i32
        %dma_wait3A_118 = tpu.memref_slice %arg12[%run_scoped3A, %dma_wait3A_116, %dma_wait3A_117] : memref<4x128x64xf32, #tpu.memory_space<vmem>> -> memref<1x128x64xf32, #tpu.memory_space<vmem>>
        %dma_wait3A_119 = tpu.memref_squeeze %dma_wait3A_118 : memref<1x128x64xf32, #tpu.memory_space<vmem>> -> memref<128x64xf32, #tpu.memory_space<vmem>>
        %dma_wait3A_120 = arith.constant 0 : i32
        %dma_wait3A_121 = tpu.memref_slice %arg11[%run_scoped3A_91, %dma_wait3A_120] : memref<157x128xi32, #tpu.memory_space<vmem>> -> memref<1x128xi32, #tpu.memory_space<vmem>>
        %dma_wait3A_122 = tpu.memref_squeeze %dma_wait3A_121 : memref<1x128xi32, #tpu.memory_space<vmem>> -> memref<128xi32, #tpu.memory_space<vmem>>
        %dma_wait3A_123 = arith.constant 0 : i32
        %dma_wait3A_124 = arith.constant 0 : i32
        %dma_wait3A_125 = tpu.memref_slice %arg14[%dma_wait3A_123, %dma_wait3A_124] : memref<10112x64xf32, #tpu.memory_space<vmem_shared>> -> memref<10112x64xf32, #tpu.memory_space<vmem_shared>>
        tpu.wait_indirect_dma semaphore(%run_scoped3A_105 : memref<!tpu.dma_semaphore, #tpu.memory_space<semaphore_mem>>) src(%dma_wait3A_119 : memref<128x64xf32, #tpu.memory_space<vmem>>) dst(%dma_wait3A_125 : memref<10112x64xf32, #tpu.memory_space<vmem_shared>>)
        tpu.yield
      }) : () -> ()
      %jit3A = arith.constant 2 : i32
      %eq3A = arith.constant 0 : i32
      %eq3A_92 = arith.cmpi eq, %jit3A, %eq3A : i32
      %jit3A_93 = arith.constant 1 : i32
      %select_n3A = arith.select %eq3A_92, %jit3A_93, %jit3A : i32
      %rem3A = arith.remsi %arg1, %select_n3A : i32
      %ne3A = arith.constant 0 : i32
      %ne3A_94 = arith.cmpi ne, %rem3A, %ne3A : i32
      %lt3A_95 = arith.constant 0 : i32
      %lt3A_96 = arith.cmpi slt, %rem3A, %lt3A_95 : i32
      %lt3A_97 = arith.constant 0 : i32
      %lt3A_98 = arith.cmpi slt, %select_n3A, %lt3A_97 : i32
      %ne3A_99 = arith.xori %lt3A_96, %lt3A_98 : i1
      %and3A = arith.andi %ne3A_99, %ne3A_94 : i1
      %add3A = arith.addi %rem3A, %select_n3A : i32
      %select_n3A_100 = arith.select %and3A, %add3A, %rem3A : i32
      %eq3A_101 = arith.cmpi eq, %arg0, %select_n3A_100 : i32
      %convert_element_type3A_102 = arith.extui %eq3A_101 : i1 to i32
      %cond3A_103 = arith.constant 0 : i32
      %cond3A_104 = arith.cmpi ne, %convert_element_type3A_102, %cond3A_103 : i32
      scf.if %cond3A_104 {
        %run_scoped3A_105 = arith.constant 156 : i32
        "tpu.region"() ({
          %run_scoped3A_106 = tpu.sem_alloc : memref<!tpu.dma_semaphore, #tpu.memory_space<semaphore_mem>>
          %dma_start3A_107 = arith.constant 0 : i32
          %dma_start3A_108 = tpu.memref_slice %arg11[%run_scoped3A_105, %dma_start3A_107] : memref<157x128xi32, #tpu.memory_space<vmem>> -> memref<1x128xi32, #tpu.memory_space<vmem>>
          %dma_start3A_109 = tpu.memref_squeeze %dma_start3A_108 : memref<1x128xi32, #tpu.memory_space<vmem>> -> memref<128xi32, #tpu.memory_space<vmem>>
          %dma_start3A_110 = arith.constant 0 : i32
          %dma_start3A_111 = arith.constant 0 : i32
          %dma_start3A_112 = tpu.memref_slice %arg15[%dma_start3A_110, %dma_start3A_111] : memref<10112x8xf32, #tpu.memory_space<vmem_shared>> -> memref<10112x8xf32, #tpu.memory_space<vmem_shared>>
          tpu.enqueue_indirect_dma source(%arg13 : memref<128x8xf32, #tpu.memory_space<vmem>>) target(%dma_start3A_112 : memref<10112x8xf32, #tpu.memory_space<vmem_shared>>) offsets(%dma_start3A_109 : memref<128xi32, #tpu.memory_space<vmem>>) semaphore(%run_scoped3A_106 : memref<!tpu.dma_semaphore, #tpu.memory_space<semaphore_mem>>) {add = true}
          %dma_wait3A_113 = arith.constant 0 : i32
          %dma_wait3A_114 = tpu.memref_slice %arg11[%run_scoped3A_105, %dma_wait3A_113] : memref<157x128xi32, #tpu.memory_space<vmem>> -> memref<1x128xi32, #tpu.memory_space<vmem>>
          %dma_wait3A_115 = tpu.memref_squeeze %dma_wait3A_114 : memref<1x128xi32, #tpu.memory_space<vmem>> -> memref<128xi32, #tpu.memory_space<vmem>>
          %dma_wait3A_116 = arith.constant 0 : i32
          %dma_wait3A_117 = arith.constant 0 : i32
          %dma_wait3A_118 = tpu.memref_slice %arg15[%dma_wait3A_116, %dma_wait3A_117] : memref<10112x8xf32, #tpu.memory_space<vmem_shared>> -> memref<10112x8xf32, #tpu.memory_space<vmem_shared>>
          tpu.wait_indirect_dma semaphore(%run_scoped3A_106 : memref<!tpu.dma_semaphore, #tpu.memory_space<semaphore_mem>>) src(%arg13 : memref<128x8xf32, #tpu.memory_space<vmem>>) dst(%dma_wait3A_118 : memref<10112x8xf32, #tpu.memory_space<vmem_shared>>)
          tpu.yield
        }) : () -> ()
      } else {
      }
    } else {
    }
    %barrier3A_63 = arith.constant 0 : index
    tpu.barrier barrier_id(%barrier3A_63)
    %mul3A_64 = arith.constant 632 : i32
    %mul3A_65 = arith.muli %arg1, %mul3A_64 : i32
    %mul3A_66 = arith.constant 64 : i32
    %mul3A_67 = arith.muli %arg0, %mul3A_66 : i32
    "tpu.region"() ({
      %run_scoped3A = tpu.sem_alloc : memref<!tpu.dma_semaphore, #tpu.memory_space<semaphore_mem>>
      %dma_start3A_68 = tpu.memref_slice %arg8[%mul3A_65, %mul3A_67] : memref<10112x128xf32, #tpu.memory_space<hbm>> -> memref<632x64xf32, #tpu.memory_space<hbm>>
      %dma_start3A_69 = arith.constant 0 : i32
      %dma_start3A_70 = tpu.memref_slice %arg14[%mul3A_65, %dma_start3A_69] : memref<10112x64xf32, #tpu.memory_space<vmem_shared>> -> memref<632x64xf32, #tpu.memory_space<vmem_shared>>
      tpu.enqueue_dma source(%dma_start3A_70 : memref<632x64xf32, #tpu.memory_space<vmem_shared>>) target(%dma_start3A_68 : memref<632x64xf32, #tpu.memory_space<hbm>>) target_semaphore(%run_scoped3A : memref<!tpu.dma_semaphore, #tpu.memory_space<semaphore_mem>>)
      %dma_wait3A = tpu.memref_slice %arg8[%mul3A_65, %mul3A_67] : memref<10112x128xf32, #tpu.memory_space<hbm>> -> memref<632x64xf32, #tpu.memory_space<hbm>>
      %dma_wait3A_71 = arith.constant 0 : i32
      %dma_wait3A_72 = tpu.memref_slice %arg14[%mul3A_65, %dma_wait3A_71] : memref<10112x64xf32, #tpu.memory_space<vmem_shared>> -> memref<632x64xf32, #tpu.memory_space<vmem_shared>>
      tpu.wait_dma2 semaphore(%run_scoped3A : memref<!tpu.dma_semaphore, #tpu.memory_space<semaphore_mem>>) src(%dma_wait3A_72 : memref<632x64xf32, #tpu.memory_space<vmem_shared>>) dst(%dma_wait3A : memref<632x64xf32, #tpu.memory_space<hbm>>)
      tpu.yield
    }) : () -> ()
    "tpu.region"() ({
      %run_scoped3A = tpu.sem_alloc : memref<!tpu.dma_semaphore, #tpu.memory_space<semaphore_mem>>
      %dma_start3A_68 = arith.constant 0 : i32
      %dma_start3A_69 = tpu.memref_slice %arg9[%arg0, %mul3A_65, %dma_start3A_68] : memref<2x10112x8xf32, #tpu.memory_space<hbm>> -> memref<1x632x8xf32, #tpu.memory_space<hbm>>
      %dma_start3A_70 = tpu.memref_squeeze %dma_start3A_69 : memref<1x632x8xf32, #tpu.memory_space<hbm>> -> memref<632x8xf32, #tpu.memory_space<hbm>>
      %dma_start3A_71 = arith.constant 0 : i32
      %dma_start3A_72 = tpu.memref_slice %arg15[%mul3A_65, %dma_start3A_71] : memref<10112x8xf32, #tpu.memory_space<vmem_shared>> -> memref<632x8xf32, #tpu.memory_space<vmem_shared>>
      tpu.enqueue_dma source(%dma_start3A_72 : memref<632x8xf32, #tpu.memory_space<vmem_shared>>) target(%dma_start3A_70 : memref<632x8xf32, #tpu.memory_space<hbm>>) target_semaphore(%run_scoped3A : memref<!tpu.dma_semaphore, #tpu.memory_space<semaphore_mem>>)
      %dma_wait3A = arith.constant 0 : i32
      %dma_wait3A_73 = tpu.memref_slice %arg9[%arg0, %mul3A_65, %dma_wait3A] : memref<2x10112x8xf32, #tpu.memory_space<hbm>> -> memref<1x632x8xf32, #tpu.memory_space<hbm>>
      %dma_wait3A_74 = tpu.memref_squeeze %dma_wait3A_73 : memref<1x632x8xf32, #tpu.memory_space<hbm>> -> memref<632x8xf32, #tpu.memory_space<hbm>>
      %dma_wait3A_75 = arith.constant 0 : i32
      %dma_wait3A_76 = tpu.memref_slice %arg15[%mul3A_65, %dma_wait3A_75] : memref<10112x8xf32, #tpu.memory_space<vmem_shared>> -> memref<632x8xf32, #tpu.memory_space<vmem_shared>>
      tpu.wait_dma2 semaphore(%run_scoped3A : memref<!tpu.dma_semaphore, #tpu.memory_space<semaphore_mem>>) src(%dma_wait3A_76 : memref<632x8xf32, #tpu.memory_space<vmem_shared>>) dst(%dma_wait3A_74 : memref<632x8xf32, #tpu.memory_space<hbm>>)
      tpu.yield
    }) : () -> ()
    return
  }
}

module attributes {stable_mosaic.version = 14 : i64} {
  func.func @body(%arg0: i32, %arg1: memref<2000x128xf32, #tpu.memory_space<vmem>>, %arg2: memref<128x128xf32, #tpu.memory_space<vmem>>, %arg3: memref<1x128xf32, #tpu.memory_space<vmem>>, %arg4: memref<2000x128xf32, #tpu.memory_space<vmem>>) attributes {dimension_semantics = [#tpu.dimension_semantics<arbitrary>], iteration_bounds = array<i64: 5>, scalar_prefetch = 0 : i64, scratch_operands = 0 : i64, tpu.core_type = #tpu.core_type<tc>, window_params = [{transform_indices = @transform_0, window_bounds = array<i64: 2000, 128>}, {pipeline_mode = #tpu.pipeline_mode<synchronous>, transform_indices = @transform_1, window_bounds = array<i64: 128, 128>}, {pipeline_mode = #tpu.pipeline_mode<synchronous>, transform_indices = @transform_2, window_bounds = array<i64: 1, 128>}, {transform_indices = @transform_3, window_bounds = array<i64: 2000, 128>}]} {
    %get3A = arith.constant 0 : index
    %get3A_0 = arith.constant 0 : index
    %get3A_1 = vector.load %arg1[%get3A, %get3A_0] : memref<2000x128xf32, #tpu.memory_space<vmem>>, vector<2000x128xf32>
    %get3A_2 = arith.constant 0 : index
    %get3A_3 = arith.constant 0 : index
    %get3A_4 = vector.load %arg2[%get3A_2, %get3A_3] : memref<128x128xf32, #tpu.memory_space<vmem>>, vector<128x128xf32>
    %dot_general3A = arith.constant dense<0.000000e+00> : vector<2000x128xf32>
    %dot_general3A_5 = tpu.matmul %get3A_1, %get3A_4, %dot_general3A {dimension_numbers = #tpu.dot_dimension_numbers<[1], [1], [0], [0], [0, 0, 1, 0], [], []>, transpose_lhs_hint = false} : vector<2000x128xf32>, vector<128x128xf32>, vector<2000x128xf32> -> vector<2000x128xf32>
    %get3A_6 = arith.constant 0 : index
    %get3A_7 = arith.constant 0 : index
    %get3A_8 = vector.load %arg3[%get3A_6, %get3A_7] : memref<1x128xf32, #tpu.memory_space<vmem>>, vector<1x128xf32>
    %add3A = vector.broadcast %get3A_8 : vector<1x128xf32> to vector<2000x128xf32>
    %add3A_9 = arith.addf %dot_general3A_5, %add3A : vector<2000x128xf32>
    %swap3A = arith.constant 0 : index
    %swap3A_10 = arith.constant 0 : index
    %swap3A_11 = vector.load %arg4[%swap3A, %swap3A_10] : memref<2000x128xf32, #tpu.memory_space<vmem>>, vector<2000x128xf32>
    tpu.vector_store %arg4[%swap3A, %swap3A_10], %add3A_9 {strides = array<i32>} : memref<2000x128xf32, #tpu.memory_space<vmem>>, vector<2000x128xf32>,
    return
  }
  func.func @transform_0(%arg0: i32) -> (i32, i32) {
    %c0_i32 = arith.constant 0 : i32
    %c0_i32_0 = arith.constant 0 : i32
    return %arg0, %c0_i32 : i32, i32
  }
  func.func @transform_1(%arg0: i32) -> (i32, i32) {
    %c0_i32 = arith.constant 0 : i32
    %c0_i32_0 = arith.constant 0 : i32
    %c0_i32_1 = arith.constant 0 : i32
    return %c0_i32, %c0_i32_0 : i32, i32
  }
  func.func @transform_2(%arg0: i32) -> (i32, i32) {
    %c0_i32 = arith.constant 0 : i32
    %c0_i32_0 = arith.constant 0 : i32
    %c0_i32_1 = arith.constant 0 : i32
    return %c0_i32, %c0_i32_0 : i32, i32
  }
  func.func @transform_3(%arg0: i32) -> (i32, i32) {
    %c0_i32 = arith.constant 0 : i32
    %c0_i32_0 = arith.constant 0 : i32
    return %arg0, %c0_i32 : i32, i32
  }
}

module attributes {stable_mosaic.version = 14 : i64} {
  func.func @body(%arg0: i32, %arg1: memref<2000x128xf32, #tpu.memory_space<vmem>>, %arg2: memref<2x2000x8xf32, #tpu.memory_space<vmem>>, %arg3: memref<2000x128xf32, #tpu.memory_space<vmem>>, %arg4: memref<128x128xf32, #tpu.memory_space<vmem>>, %arg5: memref<128x128xf32, #tpu.memory_space<vmem>>, %arg6: memref<1x128xf32, #tpu.memory_space<vmem>>, %arg7: memref<2000x128xf32, #tpu.memory_space<vmem>>, %arg8: memref<2000x128xf32, #tpu.memory_space<vmem>>) attributes {dimension_semantics = [#tpu.dimension_semantics<arbitrary>], iteration_bounds = array<i64: 5>, scalar_prefetch = 0 : i64, scratch_operands = 0 : i64, tpu.core_type = #tpu.core_type<tc>, window_params = [{transform_indices = @transform_0, window_bounds = array<i64: 2000, 128>}, {transform_indices = @transform_1, window_bounds = array<i64: 2, 2000, 8>}, {transform_indices = @transform_2, window_bounds = array<i64: 2000, 128>}, {pipeline_mode = #tpu.pipeline_mode<synchronous>, transform_indices = @transform_3, window_bounds = array<i64: 128, 128>}, {pipeline_mode = #tpu.pipeline_mode<synchronous>, transform_indices = @transform_4, window_bounds = array<i64: 128, 128>}, {pipeline_mode = #tpu.pipeline_mode<synchronous>, transform_indices = @transform_5, window_bounds = array<i64: 1, 128>}, {transform_indices = @transform_6, window_bounds = array<i64: 2000, 128>}, {transform_indices = @transform_7, window_bounds = array<i64: 2000, 128>}]} {
    %get3A = arith.constant 0 : index
    %get3A_0 = arith.constant 0 : index
    %get3A_1 = arith.constant 0 : index
    %get3A_2 = vector.load %arg2[%get3A, %get3A_0, %get3A_1] : memref<2x2000x8xf32, #tpu.memory_space<vmem>>, vector<1x2000x1xf32>
    %get3A_3 = vector.shape_cast %get3A_2 : vector<1x2000x1xf32> to vector<2000x1xf32>
    %get3A_4 = arith.constant 1 : index
    %get3A_5 = arith.constant 0 : index
    %get3A_6 = arith.constant 0 : index
    %get3A_7 = vector.load %arg2[%get3A_4, %get3A_5, %get3A_6] : memref<2x2000x8xf32, #tpu.memory_space<vmem>>, vector<1x2000x1xf32>
    %get3A_8 = vector.shape_cast %get3A_7 : vector<1x2000x1xf32> to vector<2000x1xf32>
    %add3A = arith.addf %get3A_3, %get3A_8 : vector<2000x1xf32>
    %get3A_9 = arith.constant 0 : index
    %get3A_10 = arith.constant 0 : index
    %get3A_11 = vector.load %arg1[%get3A_9, %get3A_10] : memref<2000x128xf32, #tpu.memory_space<vmem>>, vector<2000x128xf32>
    %max3A = arith.constant 1.000000e+00 : f32
    %max3A_12 = vector.broadcast %max3A : f32 to vector<2000x1xf32>
    %max3A_13 = arith.maximumf %add3A, %max3A_12 : vector<2000x1xf32>
    %div3A = arith.constant 1.000000e+00 : f32
    %div3A_14 = vector.broadcast %div3A : f32 to vector<2000x1xf32>
    %div3A_15 = arith.divf %div3A_14, %max3A_13 : vector<2000x1xf32>
    %mul3A = vector.broadcast %div3A_15 : vector<2000x1xf32> to vector<2000x128xf32>
    %mul3A_16 = arith.mulf %get3A_11, %mul3A : vector<2000x128xf32>
    %get3A_17 = arith.constant 0 : index
    %get3A_18 = arith.constant 0 : index
    %get3A_19 = vector.load %arg4[%get3A_17, %get3A_18] : memref<128x128xf32, #tpu.memory_space<vmem>>, vector<128x128xf32>
    %dot_general3A = arith.constant dense<0.000000e+00> : vector<2000x128xf32>
    %dot_general3A_20 = tpu.matmul %mul3A_16, %get3A_19, %dot_general3A {dimension_numbers = #tpu.dot_dimension_numbers<[1], [1], [0], [0], [0, 0, 1, 0], [], []>, transpose_lhs_hint = false} : vector<2000x128xf32>, vector<128x128xf32>, vector<2000x128xf32> -> vector<2000x128xf32>
    %get3A_21 = arith.constant 0 : index
    %get3A_22 = arith.constant 0 : index
    %get3A_23 = vector.load %arg3[%get3A_21, %get3A_22] : memref<2000x128xf32, #tpu.memory_space<vmem>>, vector<2000x128xf32>
    %add3A_24 = arith.addf %dot_general3A_20, %get3A_23 : vector<2000x128xf32>
    %max3A_25 = arith.constant 0.000000e+00 : f32
    %max3A_26 = vector.broadcast %max3A_25 : f32 to vector<2000x128xf32>
    %max3A_27 = arith.maximumf %add3A_24, %max3A_26 : vector<2000x128xf32>
    %swap3A = arith.constant 0 : index
    %swap3A_28 = arith.constant 0 : index
    %swap3A_29 = vector.load %arg7[%swap3A, %swap3A_28] : memref<2000x128xf32, #tpu.memory_space<vmem>>, vector<2000x128xf32>
    tpu.vector_store %arg7[%swap3A, %swap3A_28], %max3A_27 {strides = array<i32>} : memref<2000x128xf32, #tpu.memory_space<vmem>>, vector<2000x128xf32>,
    %get3A_30 = arith.constant 0 : index
    %get3A_31 = arith.constant 0 : index
    %get3A_32 = vector.load %arg5[%get3A_30, %get3A_31] : memref<128x128xf32, #tpu.memory_space<vmem>>, vector<128x128xf32>
    %dot_general3A_33 = arith.constant dense<0.000000e+00> : vector<2000x128xf32>
    %dot_general3A_34 = tpu.matmul %max3A_27, %get3A_32, %dot_general3A_33 {dimension_numbers = #tpu.dot_dimension_numbers<[1], [1], [0], [0], [0, 0, 1, 0], [], []>, transpose_lhs_hint = false} : vector<2000x128xf32>, vector<128x128xf32>, vector<2000x128xf32> -> vector<2000x128xf32>
    %get3A_35 = arith.constant 0 : index
    %get3A_36 = arith.constant 0 : index
    %get3A_37 = vector.load %arg6[%get3A_35, %get3A_36] : memref<1x128xf32, #tpu.memory_space<vmem>>, vector<1x128xf32>
    %add3A_38 = vector.broadcast %get3A_37 : vector<1x128xf32> to vector<2000x128xf32>
    %add3A_39 = arith.addf %dot_general3A_34, %add3A_38 : vector<2000x128xf32>
    %swap3A_40 = arith.constant 0 : index
    %swap3A_41 = arith.constant 0 : index
    %swap3A_42 = vector.load %arg8[%swap3A_40, %swap3A_41] : memref<2000x128xf32, #tpu.memory_space<vmem>>, vector<2000x128xf32>
    tpu.vector_store %arg8[%swap3A_40, %swap3A_41], %add3A_39 {strides = array<i32>} : memref<2000x128xf32, #tpu.memory_space<vmem>>, vector<2000x128xf32>,
    return
  }
  func.func @transform_0(%arg0: i32) -> (i32, i32) {
    %c0_i32 = arith.constant 0 : i32
    %c0_i32_0 = arith.constant 0 : i32
    return %arg0, %c0_i32 : i32, i32
  }
  func.func @transform_1(%arg0: i32) -> (i32, i32, i32) {
    %c0_i32 = arith.constant 0 : i32
    %c0_i32_0 = arith.constant 0 : i32
    %c0_i32_1 = arith.constant 0 : i32
    return %c0_i32, %arg0, %c0_i32_0 : i32, i32, i32
  }
  func.func @transform_2(%arg0: i32) -> (i32, i32) {
    %c0_i32 = arith.constant 0 : i32
    %c0_i32_0 = arith.constant 0 : i32
    return %arg0, %c0_i32 : i32, i32
  }
  func.func @transform_3(%arg0: i32) -> (i32, i32) {
    %c0_i32 = arith.constant 0 : i32
    %c0_i32_0 = arith.constant 0 : i32
    %c0_i32_1 = arith.constant 0 : i32
    return %c0_i32, %c0_i32_0 : i32, i32
  }
  func.func @transform_4(%arg0: i32) -> (i32, i32) {
    %c0_i32 = arith.constant 0 : i32
    %c0_i32_0 = arith.constant 0 : i32
    %c0_i32_1 = arith.constant 0 : i32
    return %c0_i32, %c0_i32_0 : i32, i32
  }
  func.func @transform_5(%arg0: i32) -> (i32, i32) {
    %c0_i32 = arith.constant 0 : i32
    %c0_i32_0 = arith.constant 0 : i32
    %c0_i32_1 = arith.constant 0 : i32
    return %c0_i32, %c0_i32_0 : i32, i32
  }
  func.func @transform_6(%arg0: i32) -> (i32, i32) {
    %c0_i32 = arith.constant 0 : i32
    %c0_i32_0 = arith.constant 0 : i32
    return %arg0, %c0_i32 : i32, i32
  }
  func.func @transform_7(%arg0: i32) -> (i32, i32) {
    %c0_i32 = arith.constant 0 : i32
    %c0_i32_0 = arith.constant 0 : i32
    return %arg0, %c0_i32 : i32, i32
  }
}

module attributes {stable_mosaic.version = 14 : i64} {
  func.func @body(%arg0: i32, %arg1: memref<2000x128xf32, #tpu.memory_space<vmem>>, %arg2: memref<2x2000x8xf32, #tpu.memory_space<vmem>>, %arg3: memref<2000x128xf32, #tpu.memory_space<vmem>>, %arg4: memref<128x128xf32, #tpu.memory_space<vmem>>, %arg5: memref<2000x128xf32, #tpu.memory_space<vmem>>) attributes {dimension_semantics = [#tpu.dimension_semantics<arbitrary>], iteration_bounds = array<i64: 5>, scalar_prefetch = 0 : i64, scratch_operands = 0 : i64, tpu.core_type = #tpu.core_type<tc>, window_params = [{transform_indices = @transform_0, window_bounds = array<i64: 2000, 128>}, {transform_indices = @transform_1, window_bounds = array<i64: 2, 2000, 8>}, {transform_indices = @transform_2, window_bounds = array<i64: 2000, 128>}, {pipeline_mode = #tpu.pipeline_mode<synchronous>, transform_indices = @transform_3, window_bounds = array<i64: 128, 128>}, {transform_indices = @transform_4, window_bounds = array<i64: 2000, 128>}]} {
    %get3A = arith.constant 0 : index
    %get3A_0 = arith.constant 0 : index
    %get3A_1 = arith.constant 0 : index
    %get3A_2 = vector.load %arg2[%get3A, %get3A_0, %get3A_1] : memref<2x2000x8xf32, #tpu.memory_space<vmem>>, vector<1x2000x1xf32>
    %get3A_3 = vector.shape_cast %get3A_2 : vector<1x2000x1xf32> to vector<2000x1xf32>
    %get3A_4 = arith.constant 1 : index
    %get3A_5 = arith.constant 0 : index
    %get3A_6 = arith.constant 0 : index
    %get3A_7 = vector.load %arg2[%get3A_4, %get3A_5, %get3A_6] : memref<2x2000x8xf32, #tpu.memory_space<vmem>>, vector<1x2000x1xf32>
    %get3A_8 = vector.shape_cast %get3A_7 : vector<1x2000x1xf32> to vector<2000x1xf32>
    %add3A = arith.addf %get3A_3, %get3A_8 : vector<2000x1xf32>
    %get3A_9 = arith.constant 0 : index
    %get3A_10 = arith.constant 0 : index
    %get3A_11 = vector.load %arg1[%get3A_9, %get3A_10] : memref<2000x128xf32, #tpu.memory_space<vmem>>, vector<2000x128xf32>
    %max3A = arith.constant 1.000000e+00 : f32
    %max3A_12 = vector.broadcast %max3A : f32 to vector<2000x1xf32>
    %max3A_13 = arith.maximumf %add3A, %max3A_12 : vector<2000x1xf32>
    %div3A = arith.constant 1.000000e+00 : f32
    %div3A_14 = vector.broadcast %div3A : f32 to vector<2000x1xf32>
    %div3A_15 = arith.divf %div3A_14, %max3A_13 : vector<2000x1xf32>
    %mul3A = vector.broadcast %div3A_15 : vector<2000x1xf32> to vector<2000x128xf32>
    %mul3A_16 = arith.mulf %get3A_11, %mul3A : vector<2000x128xf32>
    %get3A_17 = arith.constant 0 : index
    %get3A_18 = arith.constant 0 : index
    %get3A_19 = vector.load %arg4[%get3A_17, %get3A_18] : memref<128x128xf32, #tpu.memory_space<vmem>>, vector<128x128xf32>
    %dot_general3A = arith.constant dense<0.000000e+00> : vector<2000x128xf32>
    %dot_general3A_20 = tpu.matmul %mul3A_16, %get3A_19, %dot_general3A {dimension_numbers = #tpu.dot_dimension_numbers<[1], [1], [0], [0], [0, 0, 1, 0], [], []>, transpose_lhs_hint = false} : vector<2000x128xf32>, vector<128x128xf32>, vector<2000x128xf32> -> vector<2000x128xf32>
    %get3A_21 = arith.constant 0 : index
    %get3A_22 = arith.constant 0 : index
    %get3A_23 = vector.load %arg3[%get3A_21, %get3A_22] : memref<2000x128xf32, #tpu.memory_space<vmem>>, vector<2000x128xf32>
    %add3A_24 = arith.addf %dot_general3A_20, %get3A_23 : vector<2000x128xf32>
    %swap3A = arith.constant 0 : index
    %swap3A_25 = arith.constant 0 : index
    %swap3A_26 = vector.load %arg5[%swap3A, %swap3A_25] : memref<2000x128xf32, #tpu.memory_space<vmem>>, vector<2000x128xf32>
    tpu.vector_store %arg5[%swap3A, %swap3A_25], %add3A_24 {strides = array<i32>} : memref<2000x128xf32, #tpu.memory_space<vmem>>, vector<2000x128xf32>,
    return
  }
  func.func @transform_0(%arg0: i32) -> (i32, i32) {
    %c0_i32 = arith.constant 0 : i32
    %c0_i32_0 = arith.constant 0 : i32
    return %arg0, %c0_i32 : i32, i32
  }
  func.func @transform_1(%arg0: i32) -> (i32, i32, i32) {
    %c0_i32 = arith.constant 0 : i32
    %c0_i32_0 = arith.constant 0 : i32
    %c0_i32_1 = arith.constant 0 : i32
    return %c0_i32, %arg0, %c0_i32_0 : i32, i32, i32
  }
  func.func @transform_2(%arg0: i32) -> (i32, i32) {
    %c0_i32 = arith.constant 0 : i32
    %c0_i32_0 = arith.constant 0 : i32
    return %arg0, %c0_i32 : i32, i32
  }
  func.func @transform_3(%arg0: i32) -> (i32, i32) {
    %c0_i32 = arith.constant 0 : i32
    %c0_i32_0 = arith.constant 0 : i32
    %c0_i32_1 = arith.constant 0 : i32
    return %c0_i32, %c0_i32_0 : i32, i32
  }
  func.func @transform_4(%arg0: i32) -> (i32, i32) {
    %c0_i32 = arith.constant 0 : i32
    %c0_i32_0 = arith.constant 0 : i32
    return %arg0, %c0_i32 : i32, i32
  }
}

</mosaic_0001>

<sc_bundles>
// kernel: kernel.10.cloned.1.call-start
scs
__scs_entry_jumppad:
0x0: {  	(pc) =	sbr.rel $0x88, $3  }
0x1: {  	(tag) =	ssettag $0x0;
	lr =	simm.s32 $0x1  }
0x2: {  	[smem:$0x3F99] =	sst lr;
	_ =	strace $0xD0000000  }
0x3: {  	_ = 	snop  }
0x4: {  	_ = 	snop  }
0x5: {  	_ = 	snop  }
0x6: {  	_ = 	snop  }
0x7: {  	_ = 	snop  }
__scs_overlays_trampoline_lowered:
0x8: {  	[smem:$0x3FA8] =	sst s0  }
0x9: {  	[smem:$0x3FA9] =	sst s1  }
0xa: {  	[smem:$0x3FAA] =	sst s2  }
0xb: {  	[smem:$0x3FAB] =	sst s3  }
0xc: {  	[smem:$0x3FAC] =	sst s4  }
0xd: {  	[smem:$0x3FAD] =	sst s5  }
0xe: {  	[smem:$0x3FAE] =	sst s6  }
0xf: {  	[smem:$0x3FAF] =	sst s7  }
0x10: {  	[smem:$0x3FB0] =	sst s8  }
0x11: {  	[smem:$0x3FB1] =	sst s9;
	s0 =	simm.s32 @!p0 $0x0  }
0x12: {  	s1 =	sld [smem:$0x3F97];
	s0 =	simm.s32 @p0 $0x1  }
0x13: {  	[smem:$0x3FB2] =	sst s0;
	s0 =	simm.s32 @!p1 $0x0  }
0x14: {  	s2 =	sld [smem:$0x3F96];
	s0 =	simm.s32 @p1 $0x1  }
0x15: {  	[smem:$0x3FB3] =	sst s0;
	s0 =	simm.s32 @!p2 $0x0  }
0x16: {  	s3 =	sld [smem:$0x3FDB];
	s0 =	simm.s32 @p2 $0x1  }
0x17: {  	s4 =	simm.s32 $0x1BF5;
	[smem:$0x3FB5] =	sst s0  }
0x18: {  	s0 =	sld [smem:$0x3F98];
	_ =	swait.ge [sflag:s4], $0x0  }
0x19: {  	s7 =	sld [smem:$0x3F99]  }
0x1a: {  	s8 =	sadd.s32 $0xFFFFE003, lr  }
0x1b: {  	s9 =	sadd.s32 $0xFFFFFEF7, lr;
	s5 =	simm.s32 $0xFFFFFFFF;
	p2 =	slt.u32 s8, $0xFFFFF086  }
0x1c: {  	p1 =	slt.u32 s9, $0xF7A;
	s5 =	simm.s32 @!p2 $0x0  }
0x1d: {  	s5 =	simm.s32 @p1 $0x1;
	p0 =	seq.s32 s7, s2  }
0x1e: {  	s7 =	smul.u32 @!p0 $0xF7A, s2;
	p2 =	seq.s32 @!p0 s5, $0x0  }
0x1f: {  	s9 =	smul.u32 $0xF7A, s1;
	s8 =	simm.s32 @!p0 $0x1BF5;
	p2 =	por !p2, p0  }
0x20: {  	[sflag:s8] =	ssyncset.s32 @!p0 $0xFFFFF086;
	s6 =	sadd.s32 @!p0 s3, s7;
	s7 =	simm.s32 @!p0 $0x108  }
0x21: {  	s3 =	sadd.s32 s3, s9;
	s6 =	sadd.s32 @!p0 $0x88, s6;
	s7 =	simm.s32 @p2 $0x1082  }
0x22: {  	[simem:s7], [sflag:s8] =	dma.local @!p0 [hbm:s6], $0xF7A  }
0x23: {  	s9 =	sor.u32 $0xD0000000, s2;
	s6 =	simm.s32 $0x108;
	_ =	swait.ge @!p0 [sflag:s8], $0x0  }
0x24: {  	s3 =	sadd.s32 $0x88, s3;
	s6 =	simm.s32 @!p1 $0x1082;
	[sflag:s4] =	ssyncset.s32 $0xFFFFF086  }
0x25: {  	[simem:s6], [sflag:s4] =	dma.local [hbm:s3], $0xF7A  }
0x26: {  	[smem:$0x3F99] =	sst s1;
	(tag) =	ssettag s2;
	_ =	strace s9  }
0x27: {  	s1 =	sld [smem:$0x3FA9]  }
0x28: {  	s2 =	sld [smem:$0x3FAA]  }
0x29: {  	s4 =	sld [smem:$0x3FAC]  }
0x2a: {  	p0 =	seq.s32 s5, $0x0;
	s5 =	sld [smem:$0x3FAD]  }
0x2b: {  	s6 =	sld [smem:$0x3FAE]  }
0x2c: {  	s7 =	sld [smem:$0x3FAF]  }
0x2d: {  	s3 =	simm.s32 $0x108;
	s8 =	sld [smem:$0x3FB0]  }
0x2e: {  	s3 =	simm.s32 @!p0 $0x1082;
	s9 =	sld [smem:$0x3FB1]  }
0x2f: {  	lr =	sadd.s32 s0, s3;
	s0 =	sld [smem:$0x3FA8]  }
0x30: {  	s3 =	sld [smem:$0x3FAB]  }
0x31: {  	[smem:$0x3FB4] =	sst s10  }
0x32: {  	s10 =	sld [smem:$0x3FB2];
	_ =	sdelay $0x3  }
0x33: {  	p0 =	seq.s32 s10, $0x1;
	s10 =	sld [smem:$0x3FB4];
	_ =	sdelay $0x3  }
0x34: {  	[smem:$0x3FB4] =	sst s10  }
0x35: {  	s10 =	sld [smem:$0x3FB3];
	_ =	sdelay $0x3  }
0x36: {  	p1 =	seq.s32 s10, $0x1;
	s10 =	sld [smem:$0x3FB4];
	_ =	sdelay $0x3  }
0x37: {  	[smem:$0x3FB4] =	sst s10  }
0x38: {  	s10 =	sld [smem:$0x3FB5]  }
0x39: {  	_ = 	snop;
	(pc) =	sbr.ind lr, $3  }
0x3a: {  	_ = 	snop  }
0x3b: {  	_ = 	snop  }
0x3c: {  	p2 =	seq.s32 s10, $0x1;
	s10 =	sld [smem:$0x3FB4]  }
0x3d: {  	_ =	shalt  }
0x3e: {  	_ =	shalt  }
0x3f: {  	_ =	shalt  }
0x40: {  	_ =	shalt  }
0x41: {  	_ =	shalt  }
0x42: {  	_ =	shalt  }
0x43: {  	_ =	shalt  }
0x44: {  	_ =	shalt  }
0x45: {  	_ =	shalt  }
0x46: {  	_ =	shalt  }
0x47: {  	_ =	shalt  }
0x48: {  	_ =	shalt  }
0x49: {  	_ =	shalt  }
0x4a: {  	_ =	shalt  }
0x4b: {  	_ =	shalt  }
0x4c: {  	_ =	shalt  }
0x4d: {  	_ =	shalt  }
0x4e: {  	_ =	shalt  }
0x4f: {  	_ =	shalt  }
0x50: {  	_ =	shalt  }
0x51: {  	_ =	shalt  }
0x52: {  	_ =	shalt  }
0x53: {  	_ =	shalt  }
0x54: {  	_ =	shalt  }
0x55: {  	_ =	shalt  }
0x56: {  	_ =	shalt  }
0x57: {  	_ =	shalt  }
0x58: {  	_ =	shalt  }
0x59: {  	_ =	shalt  }
0x5a: {  	_ =	shalt  }
0x5b: {  	_ =	shalt  }
0x5c: {  	_ =	shalt  }
0x5d: {  	_ =	shalt  }
0x5e: {  	_ =	shalt  }
0x5f: {  	_ =	shalt  }
0x60: {  	_ =	shalt  }
0x61: {  	_ =	shalt  }
0x62: {  	_ =	shalt  }
0x63: {  	_ =	shalt  }
0x64: {  	_ =	shalt  }
0x65: {  	_ =	shalt  }
0x66: {  	_ =	shalt  }
0x67: {  	_ =	shalt  }
0x68: {  	_ =	shalt  }
0x69: {  	_ =	shalt  }
0x6a: {  	_ =	shalt  }
0x6b: {  	_ =	shalt  }
0x6c: {  	_ =	shalt  }
0x6d: {  	_ =	shalt  }
0x6e: {  	_ =	shalt  }
0x6f: {  	_ =	shalt  }
0x70: {  	_ =	shalt  }
0x71: {  	_ =	shalt  }
0x72: {  	_ =	shalt  }
0x73: {  	_ =	shalt  }
0x74: {  	_ =	shalt  }
0x75: {  	_ =	shalt  }
0x76: {  	_ =	shalt  }
0x77: {  	_ =	shalt  }
0x78: {  	_ =	shalt  }
0x79: {  	_ =	shalt  }
0x7a: {  	_ =	shalt  }
0x7b: {  	_ =	shalt  }
0x7c: {  	_ =	shalt  }
0x7d: {  	_ =	shalt  }
0x7e: {  	_ =	shalt  }
0x7f: {  	_ =	shalt  }
0x80: {  	_ =	shalt  }
0x81: {  	_ =	shalt  }
0x82: {  	_ =	shalt  }
0x83: {  	_ =	shalt  }
0x84: {  	_ =	shalt  }
0x85: {  	_ =	shalt  }
0x86: {  	_ =	shalt  }
0x87: {  	_ =	shalt  }
.Lfunc_end0:
.L_simem_size_0:
called_computation.1_lowered:
.L_overlay_start_0:
0x88: {  	s2 =	sld [smem:$0x3FD9]  }
0x89: {  	s3 =	sld [smem:$0x3FFE];
	_ =	sdelay $0x1  }
0x8a: {  	s1 =	srdreg.scid  }
0x8b: {  	s0 =	sand.u32 $0x1, s1  }
0x8c: {  	s17 =	sshll.u32 s0, $0xA;
	s2 =	sadd.s32 s3, s2  }
0x8d: {  	s2 =	sadd.s32 s2, s17  }
0x8e: {  	[smem:$0x3FC0] =	sst s2  }
0x8f: {  	_ = 	snop  }
0x90: {  	s2 =	sld [smem:$0x3FD0];
	(tm) =	ssettm $0x1  }
0x91: {  	s18 =	sld [smem:$0x3FFB];
	_ =	sdelay $0x3  }
0x92: {  	_ =	strace s18  }
0x93: {  	s3 =	sld [smem:$0x3FFC];
	_ =	sdelay $0x3  }
0x94: {  	_ =	strace s3  }
0x95: {  	s3 =	sld [smem:$0x3FFD];
	_ =	sdelay $0x3  }
0x96: {  	_ =	strace s3  }
0x97: {  	_ =	strace $0x8FFFFFFF  }
0x98: {  	s19 =	sld [smem:$0x3FDB];
	_ =	sdelay $0x1  }
0x99: {  	s4 =	simm.s32 $_scs_section_size  }
0x9a: {  	s5 =	simm.s32 $_size__tile_overlayer_lowered;
	s6 =	simm.s32 $_tile_overlayer_lowered  }
0x9b: {  	s22 =	simm.s32 $0x1BFF;
	s21 =	sshll.u32 s6, $0x1;
	s3 =	sadd.s32 s4, s19  }
0x9c: {  	s7 =	simm.s32 $0x0;
	s20 =	sshll.u32 s5, $0x1;
	s5 =	sadd.s32 s21, s3  }
0x9d: {  	[timem:s7], [sflag:s22] =	dma.local [hbm:s5], s20  }
0x9e: {  	_ =	swait.ge [sflag:s22], s20  }
0x9f: {  	s4 =	ssub.s32 $0x0, s20;
	[sflag:s22] =	ssyncset.done $0x0  }
0xa0: {  	[sflag:s22] =	ssyncadd.s32 s4;
	_ =	sdelay $0x1  }
0xa1: {  	s23 =	simm.s32 $0x1B8B  }
0xa2: {  	_ =	swait.ge [sflag:s23], $0x1  }
0xa3: {  	[sflag:s23] =	ssyncset.done $0x0  }
0xa4: {  	s25 =	simm.s32 $0x1B8E;
	s24 =	sld [smem:$0x3FFE];
	[sflag:s23] =	ssyncadd.s32 $0xFFFFFFFF  }
0xa5: {  	s26 =	simm.s32 $execute0_lowered;
	[smem:$0x3FD2] =	sst s25  }
0xa6: {  	s5 =	sshll.u32 s26, $0x1;
	_ =	strace $0x80000049;
	[dreg:$0x1] =	wrdreg $0xFFFFFFFF  }
0xa7: {  	s28 =	simm.s32 $_size_execute0_lowered;
	s3 =	sadd.s32 s3, s5;
	[dreg:$0x0] =	wrdreg $0x0  }
0xa8: {  	s5 =	sshll.u32 s28, $0x1;
	[dreg:$0x2] =	wrdreg s3  }
0xa9: {  	[dreg:$0x3] =	wrdreg s5  }
0xaa: {  	[dreg:$0x4] =	wrdreg $0xC0  }
0xab: {  	_ =	task [dreg:s7], $0x5FFFF  }
0xac: {  	[dreg:$0x1] =	wrdreg $0xFFFFFFFF  }
0xad: {  	[dreg:$0x0] =	wrdreg $0x60  }
0xae: {  	[dreg:$0x2] =	wrdreg s2  }
0xaf: {  	[dreg:$0x3] =	wrdreg s24  }
0xb0: {  	[dreg:$0x4] =	wrdreg $0x11D000  }
0xb1: {  	[dreg:$0x5] =	wrdreg $0x9  }
0xb2: {  	_ =	task.clear_ibuf [dreg:s7], $0x6FFFF;
	_ =	strace $0x90000049  }
0xb3: {  	s29 =	simm.s32 $0x9;
	_ =	strace $0x8000004B  }
0xb4: {  	_ =	swait.ge [sflag:s29], $0x1  }
0xb5: {  	[sflag:s29] =	ssyncadd.s32 $0xFFFFFFFF  }
0xb6: {  	_ =	strace $0x9000004B  }
0xb7: {  	_ =	sfence  }
0xb8: {  	s30 =	sld [smem:$0x0];
	_ =	sdelay $0x2  }
0xb9: {  	s31 =	sshll.u32 s1, $0xD;
	s1 =	sshrl.u32 s1, $0x2  }
0xba: {  	s3 =	sand.u32 $0x4000, s31;
	s1 =	sadd.s32 s1, s30  }
0xbb: {  	s0 =	sor.u32 s3, s0;
	s1 =	sshll.u32 s1, $0x11  }
0xbc: {  	s0 =	sor.u32 s1, s0  }
0xbd: {  	s0 =	sadd.s32 $0x8F2B, s0  }
0xbe: {  	[sflag:s0] =	ssyncadd.remote.s32 $0x1  }
0xbf: {  	_ =	sfence.sel $0xFFFF  }
0xc0: {  	[dreg:$0x0] =	wrdreg $0xFFFFFFFF;
	(pc) =	sbr.abs _section_cstart, $3  }
0xc1: {  	[dreg:$0x1] =	wrdreg $0xFFFFFFFF  }
0xc2: {  	_ =	task.clear_ibuf [dreg:s7], $0x2FFFF;
	_ =	strace $0x9FFFFFFF  }
0xc3: {  	(tm) =	ssettm $0x7FFFFFFF  }
tec
execute0_lowered:
.L_overlay_start_1:
0x0: {  	(tag) =	ssettag $0x1  }
0x1: {  	s1 =	rddreg [dreg:$0x0]  }
0x2: {  	s0 =	rddreg [dreg:$0x1]  }
0x3: {  	s2 =	rddreg [dreg:$0x2];
	s3 =	simm.s32 $0x0;
	s5 =	srdreg.scid  }
0x4: {  	s16 =	stileid.u32;
	s29 =	simm.s32 $0x9B00;
	s30 =	simm.s32 $0x9B80  }
0x5: {  	s31 =	simm.s32 $0x9C00;
	[smem:$0x7FF] =	sst s3;
	s7 =	smul.u32 $0x13C00, s16  }
0x6: {  	s4 =	sadd.s32 $0xCA00, s0;
	s10 =	sadd.s32 $0x2C00, s0;
	s9 =	smul.u32 $0x27800, s16  }
0x7: {  	s6 =	sand.u32 $0x1, s5;
	s5 =	sadd.s32 $0x20A00, s0;
	s12 =	smul.u32 $0x4E00, s16  }
0x8: {  	s22 =	sshll.u32 s16, $0x7;
	s23 =	sshll.u32 s16, $0x6;
	p0 =	sgt.u32 s16, $0x3  }
0x9: {  	s16 =	simm.s32 $0x80;
	_ =	strace $0x8000004A;
	s8 =	sshll.u32 s6, $0x6  }
0xa: {  	s17 =	ssub.s32 $0x2, s6;
	s11 =	smul.u32 $0x4E200, s6;
	s15 =	sor.u32 $0x4E000, s22  }
0xb: {  	s6 =	sor.u32 $0x1C05, s23;
	s22 =	simm.s32 $0xFD00;
	s23 =	simm.s32 $0x1  }
0xc: {  	s7 =	sor.u32 s8, s7;
	s19 =	sshrl.u32 s17, $0x1;
	s20 =	sshrl.u32 s9, $0x2  }
0xd: {  	s26 =	sshrl.u32 s12, $0x3;
	s28 =	sshrl.u32 s15, $0x3;
	s18 =	sshrl.u32 s7, $0x3  }
0xe: {  	s13 =	ssub.s32 s17, s19;
	s14 =	sadd.s32 s20, s2;
	s21 =	sadd.s32 s12, s11  }
0xf: {  	s25 =	sadd.s32 s11, s15;
	s8 =	sadd.s32 s10, s26;
	s10 =	sadd.s32 s10, s28  }
0x10: {  	s17 =	simm.s32 $0x9D00;
	s20 =	simm.s32 $0xDD00;
	s26 =	simm.s32 $0x4  }
0x11: {  	s15 =	simm.s32 $0x0;
	s0 =	sadd.s32 s18, s0;
	s24 =	sshrl.u32 s21, $0x3  }
0x12: {  	s11 =	sshrl.u32 s25, $0x3;
	s12 =	smax.u32 s13, $0x1;
	s13 =	sshrl.u32 s14, $0x3  }
0x13: {  	s14 =	simm.s32 $0x5;
	s18 =	simm.s32 $0xBD00;
	s25 =	simm.s32 $0x3  }
0x14: {  	s7 =	sadd.s32 s4, s24;
	s9 =	sadd.s32 s4, s11;
	s11 =	sadd.s32 $0x21E00, s0  }
0x15: {  	s24 =	simm.s32 $0x2;
	s0 =	simm.s32 $0x10;
	s4 =	simm.s32 $0x8  }
.LBB2_1:
0x16: {  	[spmem:s13], [sflag:s6] =	dma.local [hbm:s5], $0x13C0  }
0x17: {  	_ =	swait.ge [sflag:s14], $0x13C0  }
0x18: {  	[sflag:s14] =	ssyncset.done $0x0  }
0x19: {  	[sflag:s14] =	ssyncadd.s32 $0xFFFFEC40  }
0x1a: {  	[tilespmem:s3], [sflag:$0x5] =	stream.linear.gather [hbm4b:s7+s3], $0x4E00, $0x38;
	[tilespmem:$0x1BB00] =	vst v63  }
0x1b: {  	_ =	swait.ge [sflag:s14], $0x4E00  }
0x1c: {  	[sflag:s14] =	ssyncset.done $0x0  }
0x1d: {  	s19 =	simm.s32 $0x4E80;
	[sflag:s14] =	ssyncadd.s32 $0xFFFFB200  }
0x1e: {  	[tilespmem:s19], [sflag:$0x5] =	stream.linear.gather [hbm4b:s8+s3], $0x4E00, $0x38;
	[tilespmem:$0x1BB00] =	vst v63  }
0x1f: {  	_ =	swait.ge [sflag:s14], $0x4E00  }
0x20: {  	[sflag:s14] =	ssyncset.done $0x0  }
0x21: {  	s21 =	simm.s32 @!p0 $0x4E00;
	s19 =	simm.s32 @!p0 $0x0;
	[sflag:s14] =	ssyncadd.s32 $0xFFFFB200  }
0x22: {  	[tilespmem:s21], [sflag:$0x5] =	stream.linear.gather @!p0 [hbm4b:s9+s19], $0x80, $0x38;
	[tilespmem:$0x1BB00] =	vst v63  }
0x23: {  	s21 =	simm.s32 @!p0 $0x5  }
0x24: {  	_ =	swait.ge @!p0 [sflag:s21], $0x80  }
0x25: {  	[sflag:s21] =	ssyncset.done @!p0 $0x0  }
0x26: {  	s28 =	simm.s32 @!p0 $0x9C80;
	[sflag:s21] =	ssyncadd.s32 @!p0 $0xFFFFFF80  }
0x27: {  	[tilespmem:s28], [sflag:$0x5] =	stream.linear.gather @!p0 [hbm4b:s10+s19], $0x80, $0x38;
	[tilespmem:$0x1BB00] =	vst v63  }
0x28: {  	_ =	swait.ge @!p0 [sflag:s21], $0x80  }
0x29: {  	[sflag:s21] =	ssyncset.done @!p0 $0x0  }
0x2a: {  	[sflag:s21] =	ssyncadd.s32 @!p0 $0xFFFFFF80  }
0x2b: {  	[bflag:$0x0] =	sbarrier.arrive $0xFFFF  }
0x2c: {  	[tilespmem:s17], [sflag:$0x1] =	stream.indirect.gather [hbm4b:s1+s16], $0x40, s3, s16, $0xb8;
	[tilespmem:$0x1BB00] =	vst v63  }
0x2d: {  	_ = 	snop  }
0x2e: {  	[tilespmem:s18], [sflag:$0x2] =	stream.indirect.gather [hbm4b:s1+s16], $0x40, s16, s16, $0xb8;
	[tilespmem:$0x1BB00] =	vst v63  }
0x2f: {  	s28 =	simm.s32 $0x100  }
0x30: {  	[tilespmem:s20], [sflag:$0x3] =	stream.indirect.gather [hbm4b:s1+s16], $0x40, s28, s16, $0xb8;
	[tilespmem:$0x1BB00] =	vst v63  }
0x31: {  	s21 =	simm.s32 $0x180  }
0x32: {  	[tilespmem:s22], [sflag:$0x4] =	stream.indirect.gather [hbm4b:s1+s16], $0x40, s21, s16, $0xb8;
	[tilespmem:$0x1BB00] =	vst v63  }
0x33: {  	_ =	swait.ge [sflag:s23], $0x2000  }
0x34: {  	[sflag:s23] =	ssyncset.done $0x0  }
0x35: {  	s28 =	simm.s32 $0x4E80;
	[sflag:s23] =	ssyncadd.s32 $0xFFFFE000  }
0x36: {  	[spmem:s2] =	stream.indirect.scatter.add.f32 [tilespmem:s17], [sflag:$0x5], $0x40, s28, s16, $0xb8;
	[tilespmem:$0x1BB00] =	vst v63  }
0x37: {  	_ =	swait.ge [sflag:s14], $0x2000  }
0x38: {  	[sflag:s14] =	ssyncset.done $0x0  }
0x39: {  	s21 =	simm.s32 $0x200;
	[sflag:s14] =	ssyncadd.s32 $0xFFFFE000  }
0x3a: {  	[tilespmem:s17], [sflag:$0x1] =	stream.indirect.gather [hbm4b:s1+s16], $0x40, s21, s16, $0xb8;
	[tilespmem:$0x1BB00] =	vst v63  }
0x3b: {  	_ =	swait.ge [sflag:s24], $0x2000  }
0x3c: {  	[sflag:s24] =	ssyncset.done $0x0  }
0x3d: {  	s28 =	simm.s32 $0x4F00;
	[sflag:s24] =	ssyncadd.s32 $0xFFFFE000  }
0x3e: {  	[spmem:s2] =	stream.indirect.scatter.add.f32 [tilespmem:s18], [sflag:$0x5], $0x40, s28, s16, $0xb8;
	[tilespmem:$0x1BB00] =	vst v63  }
0x3f: {  	_ =	swait.ge [sflag:s14], $0x2000  }
0x40: {  	[sflag:s14] =	ssyncset.done $0x0  }
0x41: {  	s21 =	simm.s32 $0x280;
	[sflag:s14] =	ssyncadd.s32 $0xFFFFE000  }
0x42: {  	[tilespmem:s18], [sflag:$0x2] =	stream.indirect.gather [hbm4b:s1+s16], $0x40, s21, s16, $0xb8;
	[tilespmem:$0x1BB00] =	vst v63  }
0x43: {  	_ =	swait.ge [sflag:s25], $0x2000  }
0x44: {  	[sflag:s25] =	ssyncset.done $0x0  }
0x45: {  	s28 =	simm.s32 $0x4F80;
	[sflag:s25] =	ssyncadd.s32 $0xFFFFE000  }
0x46: {  	[spmem:s2] =	stream.indirect.scatter.add.f32 [tilespmem:s20], [sflag:$0x5], $0x40, s28, s16, $0xb8;
	[tilespmem:$0x1BB00] =	vst v63  }
0x47: {  	_ =	swait.ge [sflag:s14], $0x2000  }
0x48: {  	[sflag:s14] =	ssyncset.done $0x0  }
0x49: {  	s21 =	simm.s32 $0x300;
	[sflag:s14] =	ssyncadd.s32 $0xFFFFE000  }
0x4a: {  	[tilespmem:s20], [sflag:$0x3] =	stream.indirect.gather [hbm4b:s1+s16], $0x40, s21, s16, $0xb8;
	[tilespmem:$0x1BB00] =	vst v63  }
0x4b: {  	_ =	swait.ge [sflag:s26], $0x2000  }
0x4c: {  	[sflag:s26] =	ssyncset.done $0x0  }
0x4d: {  	s28 =	simm.s32 $0x5000;
	[sflag:s26] =	ssyncadd.s32 $0xFFFFE000  }
0x4e: {  	[spmem:s2] =	stream.indirect.scatter.add.f32 [tilespmem:s22], [sflag:$0x5], $0x40, s28, s16, $0xb8;
	[tilespmem:$0x1BB00] =	vst v63  }
0x4f: {  	_ =	swait.ge [sflag:s14], $0x2000  }
0x50: {  	[sflag:s14] =	ssyncset.done $0x0  }
0x51: {  	s19 =	simm.s32 $0x800;
	s21 =	simm.s32 $0x380;
	[sflag:s14] =	ssyncadd.s32 $0xFFFFE000  }
.LBB2_2:
0x52: {  	[tilespmem:s22], [sflag:$0x4] =	stream.indirect.gather [hbm4b:s1+s16], $0x40, s21, s16, $0xb8;
	[tilespmem:$0x1BB00] =	vst v63  }
0x53: {  	s21 =	smov.u32 s19  }
0x54: {  	p1 =	sne.s32 s19, $0x12800;
	s19 =	sadd.s32 $0x800, s19;
	_ =	swait.ge [sflag:s23], $0x2000  }
0x55: {  	s21 =	sshra.s32 s21, $0x2;
	[sflag:s23] =	ssyncset.done $0x0  }
0x56: {  	s28 =	sadd.s32 $0x4E80, s21;
	[sflag:s23] =	ssyncadd.s32 $0xFFFFE000  }
0x57: {  	[spmem:s2] =	stream.indirect.scatter.add.f32 [tilespmem:s17], [sflag:$0x5], $0x40, s28, s16, $0xb8;
	[tilespmem:$0x1BB00] =	vst v63  }
0x58: {  	_ =	swait.ge [sflag:s14], $0x2000  }
0x59: {  	[sflag:s14] =	ssyncset.done $0x0  }
0x5a: {  	s28 =	sadd.s32 $0x200, s21;
	[sflag:s14] =	ssyncadd.s32 $0xFFFFE000  }
0x5b: {  	[tilespmem:s17], [sflag:$0x1] =	stream.indirect.gather [hbm4b:s1+s16], $0x40, s28, s16, $0xb8;
	[tilespmem:$0x1BB00] =	vst v63  }
0x5c: {  	_ =	swait.ge [sflag:s24], $0x2000  }
0x5d: {  	[sflag:s24] =	ssyncset.done $0x0  }
0x5e: {  	s28 =	sadd.s32 $0x4F00, s21;
	[sflag:s24] =	ssyncadd.s32 $0xFFFFE000  }
0x5f: {  	[spmem:s2] =	stream.indirect.scatter.add.f32 [tilespmem:s18], [sflag:$0x5], $0x40, s28, s16, $0xb8;
	[tilespmem:$0x1BB00] =	vst v63  }
0x60: {  	_ =	swait.ge [sflag:s14], $0x2000  }
0x61: {  	[sflag:s14] =	ssyncset.done $0x0  }
0x62: {  	s28 =	sadd.s32 $0x280, s21;
	[sflag:s14] =	ssyncadd.s32 $0xFFFFE000  }
0x63: {  	[tilespmem:s18], [sflag:$0x2] =	stream.indirect.gather [hbm4b:s1+s16], $0x40, s28, s16, $0xb8;
	[tilespmem:$0x1BB00] =	vst v63  }
0x64: {  	_ =	swait.ge [sflag:s25], $0x2000  }
0x65: {  	[sflag:s25] =	ssyncset.done $0x0  }
0x66: {  	s28 =	sadd.s32 $0x4F80, s21;
	[sflag:s25] =	ssyncadd.s32 $0xFFFFE000  }
0x67: {  	[spmem:s2] =	stream.indirect.scatter.add.f32 [tilespmem:s20], [sflag:$0x5], $0x40, s28, s16, $0xb8;
	[tilespmem:$0x1BB00] =	vst v63  }
0x68: {  	_ =	swait.ge [sflag:s14], $0x2000  }
0x69: {  	[sflag:s14] =	ssyncset.done $0x0  }
0x6a: {  	s28 =	sadd.s32 $0x300, s21;
	[sflag:s14] =	ssyncadd.s32 $0xFFFFE000  }
0x6b: {  	[tilespmem:s20], [sflag:$0x3] =	stream.indirect.gather [hbm4b:s1+s16], $0x40, s28, s16, $0xb8;
	[tilespmem:$0x1BB00] =	vst v63  }
0x6c: {  	_ =	swait.ge [sflag:s26], $0x2000  }
0x6d: {  	[sflag:s26] =	ssyncset.done $0x0  }
.Ltmp0:
0x6e: {  	s28 =	sadd.s32 $0x5000, s21;
	[sflag:s26] =	ssyncadd.s32 $0xFFFFE000;
	(pc) =	sbr.rel @p1 .LBB2_2-.Ltmp0, $4  }
0x6f: {  	[spmem:s2] =	stream.indirect.scatter.add.f32 [tilespmem:s22], [sflag:$0x5], $0x40, s28, s16, $0xb8;
	[tilespmem:$0x1BB00] =	vst v63  }
0x70: {  	_ =	swait.ge [sflag:s14], $0x2000  }
0x71: {  	[sflag:s14] =	ssyncset.done $0x0  }
0x72: {  	s21 =	sadd.s32 $0x380, s21;
	[sflag:s14] =	ssyncadd.s32 $0xFFFFE000  }
0x73: {  	[tilespmem:s22], [sflag:$0x4] =	stream.indirect.gather [hbm4b:s1+s16], $0x40, s21, s16, $0xb8;
	[tilespmem:$0x1BB00] =	vst v63  }
0x74: {  	_ =	swait.ge [sflag:s23], $0x2000  }
0x75: {  	[sflag:s23] =	ssyncset.done $0x0  }
0x76: {  	s19 =	simm.s32 $0x9A80;
	[sflag:s23] =	ssyncadd.s32 $0xFFFFE000  }
0x77: {  	[spmem:s2] =	stream.indirect.scatter.add.f32 [tilespmem:s17], [sflag:$0x5], $0x40, s19, s16, $0xb8;
	[tilespmem:$0x1BB00] =	vst v63  }
0x78: {  	_ =	swait.ge [sflag:s14], $0x2000  }
0x79: {  	[sflag:s14] =	ssyncset.done $0x0  }
0x7a: {  	[sflag:s14] =	ssyncadd.s32 $0xFFFFE000  }
0x7b: {  	_ =	swait.ge [sflag:s24], $0x2000  }
0x7c: {  	[sflag:s24] =	ssyncset.done $0x0  }
0x7d: {  	[sflag:s24] =	ssyncadd.s32 $0xFFFFE000  }
0x7e: {  	[spmem:s2] =	stream.indirect.scatter.add.f32 [tilespmem:s18], [sflag:$0x5], $0x40, s29, s16, $0xb8;
	[tilespmem:$0x1BB00] =	vst v63  }
0x7f: {  	_ =	swait.ge [sflag:s14], $0x2000  }
0x80: {  	[sflag:s14] =	ssyncset.done $0x0  }
0x81: {  	[sflag:s14] =	ssyncadd.s32 $0xFFFFE000  }
0x82: {  	_ =	swait.ge [sflag:s25], $0x2000  }
0x83: {  	[sflag:s25] =	ssyncset.done $0x0  }
0x84: {  	[sflag:s25] =	ssyncadd.s32 $0xFFFFE000  }
0x85: {  	[spmem:s2] =	stream.indirect.scatter.add.f32 [tilespmem:s20], [sflag:$0x5], $0x40, s30, s16, $0xb8;
	[tilespmem:$0x1BB00] =	vst v63  }
0x86: {  	_ =	swait.ge [sflag:s14], $0x2000  }
0x87: {  	[sflag:s14] =	ssyncset.done $0x0  }
0x88: {  	[sflag:s14] =	ssyncadd.s32 $0xFFFFE000  }
0x89: {  	_ =	swait.ge [sflag:s26], $0x2000  }
0x8a: {  	[sflag:s26] =	ssyncset.done $0x0  }
0x8b: {  	[sflag:s26] =	ssyncadd.s32 $0xFFFFE000  }
0x8c: {  	[spmem:s2] =	stream.indirect.scatter.add.f32 [tilespmem:s22], [sflag:$0x5], $0x40, s31, s16, $0xb8;
	[tilespmem:$0x1BB00] =	vst v63  }
0x8d: {  	_ =	swait.ge [sflag:s14], $0x2000  }
0x8e: {  	s21 =	simm.s32 @!p0 $0x4E00;
	[sflag:s14] =	ssyncset.done $0x0  }
0x8f: {  	s28 =	simm.s32 @!p0 $0x9D00;
	s19 =	simm.s32 @!p0 $0x80;
	[sflag:s14] =	ssyncadd.s32 $0xFFFFE000  }
0x90: {  	[tilespmem:s28], [sflag:$0x1] =	stream.indirect.gather @!p0 [hbm4b:s1+s19], $0x40, s21, s19, $0xb8;
	[tilespmem:$0x1BB00] =	vst v63  }
0x91: {  	s21 =	simm.s32 @!p0 $0x1  }
0x92: {  	_ =	swait.ge @!p0 [sflag:s21], $0x2000  }
0x93: {  	[sflag:s21] =	ssyncset.done @!p0 $0x0  }
0x94: {  	[sflag:s21] =	ssyncadd.s32 @!p0 $0xFFFFE000;
	s21 =	simm.s32 @!p0 $0x9C80  }
0x95: {  	[spmem:s2] =	stream.indirect.scatter.add.f32 @!p0 [tilespmem:s28], [sflag:$0x5], $0x40, s21, s19, $0xb8;
	[tilespmem:$0x1BB00] =	vst v63  }
0x96: {  	s19 =	simm.s32 @!p0 $0x5  }
0x97: {  	_ =	swait.ge @!p0 [sflag:s19], $0x2000  }
0x98: {  	s15 =	sadd.s32 $0x1, s15;
	[sflag:s19] =	ssyncset.done @!p0 $0x0  }
0x99: {  	p1 =	sne.s32 s15, s12;
	[sflag:s19] =	ssyncadd.s32 @!p0 $0xFFFFE000  }
.Ltmp1:
0x9a: {  	[bflag:$0x0] =	sbarrier.arrive $0xFFFF;
	(pc) =	sbr.rel @p1 .LBB2_1-.Ltmp1, $4  }
0x9b: {  	[hbm:s11@s0], [sflag:s6] =	dma.strided [spmem:s13@s4], $0x13C0, s23, $0x8   }
0x9c: {  	_ =	swait.ge [sflag:s14], $0x13C0  }
0x9d: {  	[sflag:s14] =	ssyncset.done $0x0  }
0x9e: {  	[sflag:s14] =	ssyncadd.s32 $0xFFFFEC40  }
0x9f: {  	_ =	sfence.sel $0x180000  }
0xa0: {  	[bflag:$0x0] =	sbarrier.arrive $0xFFFF  }
0xa1: {  	_ =	strace $0x9000004A  }
0xa2: {  	s0 =	stileid.u32;
	[bflag:$0x2] =	sbarrier.arrive $0xFFFF  }
0xa3: {  	p0 =	sne.s32 s0, $0x0;
	s0 =	rddreg [dreg:$0x3]  }
0xa4: {  	s0 =	sadd.s32 @!p0 $0x100000, s0  }
0xa5: {  	[sflag:s0] =	ssyncadd.tile.s32 @!p0 $0x1;
	_ =	shalt  }
.Lfunc_end2:
_tile_overlayer_lowered:
.L_overlay_start_2:
0xa6: {  	(tag) =	ssettag $0x2  }
0xa7: {  	s0 =	rddreg [dreg:$0x0];
	s2 =	stileid.u32  }
0xa8: {  	s1 =	rddreg [dreg:$0x1];
	p0 =	sne.s32 s2, $0x0  }
0xa9: {  	s3 =	rddreg [dreg:$0x2];
	[bflag:$0x3] =	sbarrier.arrive $0xFFFF;
	s2 =	simm.s32 @!p0 $0x1C05  }
0xaa: {  	[timem:s3], [sflag:s2] =	dma.local @!p0 [hbm:s0], s1  }
0xab: {  	s0 =	simm.s32 @!p0 $0x5  }
0xac: {  	_ =	swait.ge @!p0 [sflag:s0], s1  }
0xad: {  	s1 =	ssub.s32 @!p0 $0x0, s1;
	[sflag:s0] =	ssyncset.done @!p0 $0x0  }
0xae: {  	[sflag:s0] =	ssyncadd.s32 @!p0 s1  }
0xaf: {  	[bflag:$0x3] =	sbarrier.arrive $0xFFFF  }
0xb0: {  	_ =	shalt  }

// kernel: kernel.7.cloned.1.call-start
scs
__scs_entry_jumppad:
0x0: {  	(pc) =	sbr.rel $0x88, $3  }
0x1: {  	(tag) =	ssettag $0x0;
	lr =	simm.s32 $0x1  }
0x2: {  	[smem:$0x3F99] =	sst lr;
	_ =	strace $0xD0000000  }
0x3: {  	_ = 	snop  }
0x4: {  	_ = 	snop  }
0x5: {  	_ = 	snop  }
0x6: {  	_ = 	snop  }
0x7: {  	_ = 	snop  }
__scs_overlays_trampoline_lowered:
0x8: {  	[smem:$0x3FA8] =	sst s0  }
0x9: {  	[smem:$0x3FA9] =	sst s1  }
0xa: {  	[smem:$0x3FAA] =	sst s2  }
0xb: {  	[smem:$0x3FAB] =	sst s3  }
0xc: {  	[smem:$0x3FAC] =	sst s4  }
0xd: {  	[smem:$0x3FAD] =	sst s5  }
0xe: {  	[smem:$0x3FAE] =	sst s6  }
0xf: {  	[smem:$0x3FAF] =	sst s7  }
0x10: {  	[smem:$0x3FB0] =	sst s8  }
0x11: {  	[smem:$0x3FB1] =	sst s9;
	s0 =	simm.s32 @!p0 $0x0  }
0x12: {  	s1 =	sld [smem:$0x3F97];
	s0 =	simm.s32 @p0 $0x1  }
0x13: {  	[smem:$0x3FB2] =	sst s0;
	s0 =	simm.s32 @!p1 $0x0  }
0x14: {  	s2 =	sld [smem:$0x3F96];
	s0 =	simm.s32 @p1 $0x1  }
0x15: {  	[smem:$0x3FB3] =	sst s0;
	s0 =	simm.s32 @!p2 $0x0  }
0x16: {  	s3 =	sld [smem:$0x3FDB];
	s0 =	simm.s32 @p2 $0x1  }
0x17: {  	s4 =	simm.s32 $0x1BF5;
	[smem:$0x3FB5] =	sst s0  }
0x18: {  	s0 =	sld [smem:$0x3F98];
	_ =	swait.ge [sflag:s4], $0x0  }
0x19: {  	s7 =	sld [smem:$0x3F99]  }
0x1a: {  	s8 =	sadd.s32 $0xFFFFE003, lr  }
0x1b: {  	s9 =	sadd.s32 $0xFFFFFEF7, lr;
	s5 =	simm.s32 $0xFFFFFFFF;
	p2 =	slt.u32 s8, $0xFFFFF086  }
0x1c: {  	p1 =	slt.u32 s9, $0xF7A;
	s5 =	simm.s32 @!p2 $0x0  }
0x1d: {  	s5 =	simm.s32 @p1 $0x1;
	p0 =	seq.s32 s7, s2  }
0x1e: {  	s7 =	smul.u32 @!p0 $0xF7A, s2;
	p2 =	seq.s32 @!p0 s5, $0x0  }
0x1f: {  	s9 =	smul.u32 $0xF7A, s1;
	s8 =	simm.s32 @!p0 $0x1BF5;
	p2 =	por !p2, p0  }
0x20: {  	[sflag:s8] =	ssyncset.s32 @!p0 $0xFFFFF086;
	s6 =	sadd.s32 @!p0 s3, s7;
	s7 =	simm.s32 @!p0 $0x108  }
0x21: {  	s3 =	sadd.s32 s3, s9;
	s6 =	sadd.s32 @!p0 $0x88, s6;
	s7 =	simm.s32 @p2 $0x1082  }
0x22: {  	[simem:s7], [sflag:s8] =	dma.local @!p0 [hbm:s6], $0xF7A  }
0x23: {  	s9 =	sor.u32 $0xD0000000, s2;
	s6 =	simm.s32 $0x108;
	_ =	swait.ge @!p0 [sflag:s8], $0x0  }
0x24: {  	s3 =	sadd.s32 $0x88, s3;
	s6 =	simm.s32 @!p1 $0x1082;
	[sflag:s4] =	ssyncset.s32 $0xFFFFF086  }
0x25: {  	[simem:s6], [sflag:s4] =	dma.local [hbm:s3], $0xF7A  }
0x26: {  	[smem:$0x3F99] =	sst s1;
	(tag) =	ssettag s2;
	_ =	strace s9  }
0x27: {  	s1 =	sld [smem:$0x3FA9]  }
0x28: {  	s2 =	sld [smem:$0x3FAA]  }
0x29: {  	s4 =	sld [smem:$0x3FAC]  }
0x2a: {  	p0 =	seq.s32 s5, $0x0;
	s5 =	sld [smem:$0x3FAD]  }
0x2b: {  	s6 =	sld [smem:$0x3FAE]  }
0x2c: {  	s7 =	sld [smem:$0x3FAF]  }
0x2d: {  	s3 =	simm.s32 $0x108;
	s8 =	sld [smem:$0x3FB0]  }
0x2e: {  	s3 =	simm.s32 @!p0 $0x1082;
	s9 =	sld [smem:$0x3FB1]  }
0x2f: {  	lr =	sadd.s32 s0, s3;
	s0 =	sld [smem:$0x3FA8]  }
0x30: {  	s3 =	sld [smem:$0x3FAB]  }
0x31: {  	[smem:$0x3FB4] =	sst s10  }
0x32: {  	s10 =	sld [smem:$0x3FB2];
	_ =	sdelay $0x3  }
0x33: {  	p0 =	seq.s32 s10, $0x1;
	s10 =	sld [smem:$0x3FB4];
	_ =	sdelay $0x3  }
0x34: {  	[smem:$0x3FB4] =	sst s10  }
0x35: {  	s10 =	sld [smem:$0x3FB3];
	_ =	sdelay $0x3  }
0x36: {  	p1 =	seq.s32 s10, $0x1;
	s10 =	sld [smem:$0x3FB4];
	_ =	sdelay $0x3  }
0x37: {  	[smem:$0x3FB4] =	sst s10  }
0x38: {  	s10 =	sld [smem:$0x3FB5]  }
0x39: {  	_ = 	snop;
	(pc) =	sbr.ind lr, $3  }
0x3a: {  	_ = 	snop  }
0x3b: {  	_ = 	snop  }
0x3c: {  	p2 =	seq.s32 s10, $0x1;
	s10 =	sld [smem:$0x3FB4]  }
0x3d: {  	_ =	shalt  }
0x3e: {  	_ =	shalt  }
0x3f: {  	_ =	shalt  }
0x40: {  	_ =	shalt  }
0x41: {  	_ =	shalt  }
0x42: {  	_ =	shalt  }
0x43: {  	_ =	shalt  }
0x44: {  	_ =	shalt  }
0x45: {  	_ =	shalt  }
0x46: {  	_ =	shalt  }
0x47: {  	_ =	shalt  }
0x48: {  	_ =	shalt  }
0x49: {  	_ =	shalt  }
0x4a: {  	_ =	shalt  }
0x4b: {  	_ =	shalt  }
0x4c: {  	_ =	shalt  }
0x4d: {  	_ =	shalt  }
0x4e: {  	_ =	shalt  }
0x4f: {  	_ =	shalt  }
0x50: {  	_ =	shalt  }
0x51: {  	_ =	shalt  }
0x52: {  	_ =	shalt  }
0x53: {  	_ =	shalt  }
0x54: {  	_ =	shalt  }
0x55: {  	_ =	shalt  }
0x56: {  	_ =	shalt  }
0x57: {  	_ =	shalt  }
0x58: {  	_ =	shalt  }
0x59: {  	_ =	shalt  }
0x5a: {  	_ =	shalt  }
0x5b: {  	_ =	shalt  }
0x5c: {  	_ =	shalt  }
0x5d: {  	_ =	shalt  }
0x5e: {  	_ =	shalt  }
0x5f: {  	_ =	shalt  }
0x60: {  	_ =	shalt  }
0x61: {  	_ =	shalt  }
0x62: {  	_ =	shalt  }
0x63: {  	_ =	shalt  }
0x64: {  	_ =	shalt  }
0x65: {  	_ =	shalt  }
0x66: {  	_ =	shalt  }
0x67: {  	_ =	shalt  }
0x68: {  	_ =	shalt  }
0x69: {  	_ =	shalt  }
0x6a: {  	_ =	shalt  }
0x6b: {  	_ =	shalt  }
0x6c: {  	_ =	shalt  }
0x6d: {  	_ =	shalt  }
0x6e: {  	_ =	shalt  }
0x6f: {  	_ =	shalt  }
0x70: {  	_ =	shalt  }
0x71: {  	_ =	shalt  }
0x72: {  	_ =	shalt  }
0x73: {  	_ =	shalt  }
0x74: {  	_ =	shalt  }
0x75: {  	_ =	shalt  }
0x76: {  	_ =	shalt  }
0x77: {  	_ =	shalt  }
0x78: {  	_ =	shalt  }
0x79: {  	_ =	shalt  }
0x7a: {  	_ =	shalt  }
0x7b: {  	_ =	shalt  }
0x7c: {  	_ =	shalt  }
0x7d: {  	_ =	shalt  }
0x7e: {  	_ =	shalt  }
0x7f: {  	_ =	shalt  }
0x80: {  	_ =	shalt  }
0x81: {  	_ =	shalt  }
0x82: {  	_ =	shalt  }
0x83: {  	_ =	shalt  }
0x84: {  	_ =	shalt  }
0x85: {  	_ =	shalt  }
0x86: {  	_ =	shalt  }
0x87: {  	_ =	shalt  }
.Lfunc_end0:
.L_simem_size_0:
called_computation_lowered:
.L_overlay_start_0:
0x88: {  	s2 =	sld [smem:$0x3FD9]  }
0x89: {  	s3 =	sld [smem:$0x3FFE];
	_ =	sdelay $0x1  }
0x8a: {  	s1 =	srdreg.scid  }
0x8b: {  	s0 =	sand.u32 $0x1, s1  }
0x8c: {  	s17 =	sshll.u32 s0, $0xA;
	s2 =	sadd.s32 s3, s2  }
0x8d: {  	s2 =	sadd.s32 s2, s17  }
0x8e: {  	[smem:$0x3FC0] =	sst s2  }
0x8f: {  	_ = 	snop  }
0x90: {  	s2 =	sld [smem:$0x3FC9]  }
0x91: {  	s18 =	sld [smem:$0x3FD0];
	(tm) =	ssettm $0x1  }
0x92: {  	s4 =	sld [smem:$0x3FFB];
	_ =	sdelay $0x3  }
0x93: {  	_ =	strace s4  }
0x94: {  	s4 =	sld [smem:$0x3FFC];
	_ =	sdelay $0x3  }
0x95: {  	_ =	strace s4  }
0x96: {  	s4 =	sld [smem:$0x3FFD];
	_ =	sdelay $0x3  }
0x97: {  	_ =	strace s4  }
0x98: {  	_ =	strace $0x8FFFFFFF  }
0x99: {  	s19 =	sld [smem:$0x3FDB];
	_ =	sdelay $0x1  }
0x9a: {  	s5 =	simm.s32 $_scs_section_size  }
0x9b: {  	s6 =	simm.s32 $_size__tile_overlayer_lowered;
	s7 =	simm.s32 $_tile_overlayer_lowered  }
0x9c: {  	s22 =	simm.s32 $0x1BFF;
	s21 =	sshll.u32 s7, $0x1;
	s4 =	sadd.s32 s5, s19  }
0x9d: {  	s8 =	simm.s32 $0x0;
	s20 =	sshll.u32 s6, $0x1;
	s6 =	sadd.s32 s21, s4  }
0x9e: {  	[timem:s8], [sflag:s22] =	dma.local [hbm:s6], s20  }
0x9f: {  	_ =	swait.ge [sflag:s22], s20  }
0xa0: {  	s5 =	ssub.s32 $0x0, s20;
	[sflag:s22] =	ssyncset.done $0x0  }
0xa1: {  	[sflag:s22] =	ssyncadd.s32 s5;
	_ =	sdelay $0x1  }
0xa2: {  	s23 =	simm.s32 $0x1B8B  }
0xa3: {  	_ =	swait.ge [sflag:s23], $0x1  }
0xa4: {  	[sflag:s23] =	ssyncset.done $0x0  }
0xa5: {  	s25 =	simm.s32 $0x1B8E;
	s24 =	sld [smem:$0x3FFE];
	[sflag:s23] =	ssyncadd.s32 $0xFFFFFFFF  }
0xa6: {  	s26 =	simm.s32 $execute0_lowered;
	[smem:$0x3FD2] =	sst s25  }
0xa7: {  	s6 =	sshll.u32 s26, $0x1;
	_ =	strace $0x80000046;
	[dreg:$0x1] =	wrdreg $0xFFFFFFFF  }
0xa8: {  	s28 =	simm.s32 $_size_execute0_lowered;
	s4 =	sadd.s32 s4, s6;
	[dreg:$0x0] =	wrdreg $0x0  }
0xa9: {  	s6 =	sshll.u32 s28, $0x1;
	[dreg:$0x2] =	wrdreg s4  }
0xaa: {  	[dreg:$0x3] =	wrdreg s6  }
0xab: {  	[dreg:$0x4] =	wrdreg $0xC0  }
0xac: {  	_ =	task [dreg:s8], $0x5FFFF  }
0xad: {  	[dreg:$0x1] =	wrdreg $0xFFFFFFFF  }
0xae: {  	[dreg:$0x0] =	wrdreg $0x60  }
0xaf: {  	[dreg:$0x2] =	wrdreg s2  }
0xb0: {  	[dreg:$0x3] =	wrdreg s24  }
0xb1: {  	[dreg:$0x4] =	wrdreg s18  }
0xb2: {  	[dreg:$0x5] =	wrdreg $0x121000  }
0xb3: {  	[dreg:$0x6] =	wrdreg $0x1BF000  }
0xb4: {  	[dreg:$0x7] =	wrdreg $0x9  }
0xb5: {  	_ =	task.clear_ibuf [dreg:s8], $0x8FFFF;
	_ =	strace $0x90000046  }
0xb6: {  	s29 =	simm.s32 $0x9;
	_ =	strace $0x80000048  }
0xb7: {  	_ =	swait.ge [sflag:s29], $0x1  }
0xb8: {  	[sflag:s29] =	ssyncadd.s32 $0xFFFFFFFF  }
0xb9: {  	_ =	strace $0x90000048  }
0xba: {  	_ =	sfence  }
0xbb: {  	s30 =	sld [smem:$0x0];
	_ =	sdelay $0x2  }
0xbc: {  	s31 =	sshll.u32 s1, $0xD;
	s1 =	sshrl.u32 s1, $0x2  }
0xbd: {  	s3 =	sand.u32 $0x4000, s31;
	s1 =	sadd.s32 s1, s30  }
0xbe: {  	s0 =	sor.u32 s3, s0;
	s1 =	sshll.u32 s1, $0x11  }
0xbf: {  	s0 =	sor.u32 s1, s0  }
0xc0: {  	s0 =	sadd.s32 $0x8F2B, s0  }
0xc1: {  	[sflag:s0] =	ssyncadd.remote.s32 $0x1  }
0xc2: {  	_ =	sfence.sel $0xFFFF  }
0xc3: {  	[dreg:$0x0] =	wrdreg $0xFFFFFFFF;
	(pc) =	sbr.abs _section_cstart, $3  }
0xc4: {  	[dreg:$0x1] =	wrdreg $0xFFFFFFFF  }
0xc5: {  	_ =	task.clear_ibuf [dreg:s8], $0x2FFFF;
	_ =	strace $0x9FFFFFFF  }
0xc6: {  	(tm) =	ssettm $0x7FFFFFFF  }
0xc7: {  	_ =	shalt  }
tec
execute0_lowered:
.L_overlay_start_1:
0x0: {  	(tag) =	ssettag $0x1  }
0x1: {  	s1 =	rddreg [dreg:$0x0]  }
0x2: {  	s0 =	rddreg [dreg:$0x1]  }
0x3: {  	s4 =	rddreg [dreg:$0x2]  }
0x4: {  	s2 =	rddreg [dreg:$0x3]  }
0x5: {  	s3 =	rddreg [dreg:$0x4];
	s5 =	simm.s32 $0x0;
	s6 =	srdreg.scid  }
0x6: {  	s19 =	stileid.u32;
	s29 =	simm.s32 $0xFD00;
	s30 =	simm.s32 $0x1  }
0x7: {  	s31 =	simm.s32 $0x2;
	s28 =	simm.s32 $0x0;
	[smem:$0x7FF] =	sst s5  }
0x8: {  	s7 =	sadd.s32 $0xCA00, s0;
	s6 =	sand.u32 $0x1, s6;
	s8 =	smul.u32 $0x13C00, s19  }
0x9: {  	s10 =	sadd.s32 $0x2C00, s0;
	s9 =	sadd.s32 $0x20A00, s0;
	s16 =	smul.u32 $0x27800, s19  }
0xa: {  	s11 =	sadd.s32 $0x20600, s0;
	s14 =	sadd.s32 $0x20400, s0;
	s20 =	smul.u32 $0x4E00, s19  }
0xb: {  	s21 =	sshll.u32 s19, $0x6;
	_ =	strace $0x80000047;
	[dreg:$0x6] =	wrdreg s9  }
0xc: {  	p0 =	sgt.u32 s19, $0x3;
	[dreg:$0x7] =	wrdreg s11;
	s12 =	smul.u32 $0x4E200, s6  }
0xd: {  	s13 =	sshll.u32 s6, $0x6;
	[dreg:$0x8] =	wrdreg s14;
	s14 =	smul.u32 $0x13C0, s19  }
0xe: {  	s15 =	ssub.s32 $0x2, s6;
	s9 =	sor.u32 $0x1C05, s21;
	s22 =	smul.u32 $0x13C00, s6  }
0xf: {  	p1 =	sne.s32 s6, $0x0;
	p2 =	seq.s32 s6, $0x0;
	s8 =	sor.u32 s13, s8  }
0x10: {  	s17 =	sshrl.u32 s15, $0x1;
	s18 =	sshrl.u32 s16, $0x2;
	s11 =	sshrl.u32 s20, $0x3  }
0x11: {  	s8 =	sshrl.u32 s8, $0x3;
	s18 =	sadd.s32 s18, s2;
	s13 =	sadd.s32 s20, s12  }
0x12: {  	s16 =	sadd.s32 s14, s3;
	s11 =	sadd.s32 s10, s11;
	s25 =	sadd.s32 s14, s22  }
0x13: {  	s22 =	simm.s32 $0x80;
	s0 =	sadd.s32 s8, s0;
	s8 =	ssub.s32 s15, s17  }
0x14: {  	s15 =	sshll.u32 s19, $0x7;
	[dreg:$0x9] =	wrdreg s16;
	s13 =	sshrl.u32 s13, $0x3  }
0x15: {  	[dreg:$0xb] =	wrdreg s11;
	s26 =	sshrl.u32 s25, $0x3;
	s18 =	sshrl.u32 s18, $0x3  }
0x16: {  	s15 =	sor.u32 $0x4E000, s15;
	s13 =	sadd.s32 s7, s13;
	s16 =	sadd.s32 s4, s26  }
0x17: {  	s17 =	smax.u32 s8, $0x1;
	s26 =	simm.s32 $0xDD00;
	s12 =	sadd.s32 s12, s15  }
0x18: {  	s4 =	simm.s32 $0x4;
	[dreg:$0xa] =	wrdreg s13;
	s23 =	sshrl.u32 s12, $0x3  }
0x19: {  	s24 =	sshrl.u32 s15, $0x3;
	s15 =	sadd.s32 $0x21E00, s0;
	s7 =	sadd.s32 s7, s23  }
0x1a: {  	s0 =	simm.s32 $0x3;
	[dreg:$0xc] =	wrdreg s7;
	s7 =	sand.u32 $0x1, s19  }
0x1b: {  	s14 =	sadd.s32 s10, s24;
	s24 =	simm.s32 $0xBD00;
	p3 =	sne.s32 @!p0 s6, s7  }
0x1c: {  	s23 =	simm.s32 $0x9D00;
	s19 =	simm.s32 $0x5;
	p3 =	por p3, p0  }
.LBB2_1:
0x1d: {  	s6 =	rddreg [dreg:$0x6]  }
0x1e: {  	[spmem:s18], [sflag:s9] =	dma.local [hbm:s6], $0x13C0  }
0x1f: {  	_ =	swait.ge [sflag:s19], $0x13C0  }
0x20: {  	[sflag:s19] =	ssyncset.done $0x0;
	s10 =	rddreg [dreg:$0x9]  }
0x21: {  	s11 =	rddreg [dreg:$0x7];
	[sflag:s19] =	ssyncadd.s32 $0xFFFFEC40;
	s20 =	sshrl.u32 s10, $0x3  }
0x22: {  	[spmem:s20], [sflag:s9] =	dma.local [hbm:s11], $0x278  }
0x23: {  	_ =	swait.ge [sflag:s19], $0x278  }
0x24: {  	[sflag:s19] =	ssyncset.done $0x0  }
0x25: {  	s7 =	simm.s32 $0x11D00;
	s12 =	rddreg [dreg:$0x8];
	[sflag:s19] =	ssyncadd.s32 $0xFFFFFD88  }
0x26: {  	[tilespmem:s7], [sflag:$0x5] =	stream.linear.gather [hbm4b:s12+s5], $0x400, $0x38;
	[tilespmem:$0x1D2C0] =	vst v63  }
0x27: {  	_ =	swait.ge [sflag:s19], $0x400  }
0x28: {  	[sflag:s19] =	ssyncset.done $0x0  }
0x29: {  	s13 =	rddreg [dreg:$0xa];
	[sflag:s19] =	ssyncadd.s32 $0xFFFFFC00  }
0x2a: {  	[tilespmem:s5], [sflag:$0x5] =	stream.linear.gather [hbm4b:s13+s5], $0x4E00, $0x38;
	[tilespmem:$0x1D2C0] =	vst v63  }
0x2b: {  	_ =	swait.ge [sflag:s19], $0x4E00  }
0x2c: {  	[sflag:s19] =	ssyncset.done $0x0  }
0x2d: {  	s25 =	simm.s32 $0x4E80;
	s21 =	rddreg [dreg:$0xb];
	[sflag:s19] =	ssyncadd.s32 $0xFFFFB200  }
0x2e: {  	[tilespmem:s25], [sflag:$0x5] =	stream.linear.gather [hbm4b:s21+s5], $0x4E00, $0x38;
	[tilespmem:$0x1D2C0] =	vst v63  }
0x2f: {  	_ =	swait.ge [sflag:s19], $0x4E00  }
0x30: {  	s6 =	simm.s32 @!p0 $0x0;
	[sflag:s19] =	ssyncset.done $0x0  }
0x31: {  	s7 =	simm.s32 @!p0 $0x4E00;
	s8 =	rddreg [dreg:$0xc];
	[sflag:s19] =	ssyncadd.s32 $0xFFFFB200  }
0x32: {  	[tilespmem:s7], [sflag:$0x5] =	stream.linear.gather @!p0 [hbm4b:s8+s6], $0x80, $0x38;
	[tilespmem:$0x1D2C0] =	vst v63  }
0x33: {  	s7 =	simm.s32 @!p0 $0x5  }
0x34: {  	_ =	swait.ge @!p0 [sflag:s7], $0x80  }
0x35: {  	[sflag:s7] =	ssyncset.done @!p0 $0x0  }
0x36: {  	s8 =	simm.s32 @!p0 $0x9C80;
	[sflag:s7] =	ssyncadd.s32 @!p0 $0xFFFFFF80  }
0x37: {  	[tilespmem:s8], [sflag:$0x5] =	stream.linear.gather @!p0 [hbm4b:s14+s6], $0x80, $0x38;
	[tilespmem:$0x1D2C0] =	vst v63  }
0x38: {  	_ =	swait.ge @!p0 [sflag:s7], $0x80  }
0x39: {  	[sflag:s7] =	ssyncset.done @!p0 $0x0  }
0x3a: {  	[sflag:s7] =	ssyncadd.s32 @!p0 $0xFFFFFF80  }
0x3b: {  	[bflag:$0x0] =	sbarrier.arrive $0xFFFF  }
0x3c: {  	[tilespmem:s23], [sflag:$0x1] =	stream.indirect.gather [hbm4b:s1+s22], $0x40, s5, s22, $0xb8;
	[tilespmem:$0x1D2C0] =	vst v63  }
0x3d: {  	_ = 	snop  }
0x3e: {  	[tilespmem:s24], [sflag:$0x2] =	stream.indirect.gather [hbm4b:s1+s22], $0x40, s22, s22, $0xb8;
	[tilespmem:$0x1D2C0] =	vst v63  }
0x3f: {  	s8 =	simm.s32 $0x100  }
0x40: {  	[tilespmem:s26], [sflag:$0x3] =	stream.indirect.gather [hbm4b:s1+s22], $0x40, s8, s22, $0xb8;
	[tilespmem:$0x1D2C0] =	vst v63  }
0x41: {  	s10 =	simm.s32 $0x180  }
0x42: {  	[tilespmem:s29], [sflag:$0x4] =	stream.indirect.gather [hbm4b:s1+s22], $0x40, s10, s22, $0xb8;
	[tilespmem:$0x1D2C0] =	vst v63  }
0x43: {  	_ =	swait.ge [sflag:s30], $0x2000  }
0x44: {  	[sflag:s30] =	ssyncset.done $0x0  }
0x45: {  	s7 =	simm.s32 $0x4E80;
	[sflag:s30] =	ssyncadd.s32 $0xFFFFE000  }
0x46: {  	[spmem:s2] =	stream.indirect.scatter.add.f32 [tilespmem:s23], [sflag:$0x5], $0x40, s7, s22, $0xb8;
	[tilespmem:$0x1D2C0] =	vst v63  }
0x47: {  	_ =	swait.ge [sflag:s19], $0x2000  }
0x48: {  	s21 =	simm.s32 @!p1 $0x5;
	[sflag:s19] =	ssyncset.done $0x0  }
0x49: {  	s25 =	simm.s32 @!p1 $0x80;
	s6 =	simm.s32 @!p1 $0x11D00;
	[sflag:s19] =	ssyncadd.s32 $0xFFFFE000  }
0x4a: {  	[spmem:s3] =	stream.indirect.scatter.add.f32 @!p1 [tilespmem:s6], [sflag:$0x5], $0x8, s7, s25, $0xb8;
	[tilespmem:$0x1D2C0] =	vst v63  }
0x4b: {  	_ =	swait.ge @!p1 [sflag:s21], $0x400  }
0x4c: {  	[sflag:s21] =	ssyncset.done @!p1 $0x0  }
0x4d: {  	s11 =	simm.s32 $0x200;
	[sflag:s21] =	ssyncadd.s32 @!p1 $0xFFFFFC00  }
0x4e: {  	[tilespmem:s23], [sflag:$0x1] =	stream.indirect.gather [hbm4b:s1+s22], $0x40, s11, s22, $0xb8;
	[tilespmem:$0x1D2C0] =	vst v63  }
0x4f: {  	_ =	swait.ge [sflag:s31], $0x2000  }
0x50: {  	[sflag:s31] =	ssyncset.done $0x0  }
0x51: {  	s11 =	simm.s32 $0x4F00;
	[sflag:s31] =	ssyncadd.s32 $0xFFFFE000  }
0x52: {  	[spmem:s2] =	stream.indirect.scatter.add.f32 [tilespmem:s24], [sflag:$0x5], $0x40, s11, s22, $0xb8;
	[tilespmem:$0x1D2C0] =	vst v63  }
0x53: {  	_ =	swait.ge [sflag:s19], $0x2000  }
0x54: {  	s8 =	simm.s32 @!p2 $0x80;
	[sflag:s19] =	ssyncset.done $0x0  }
0x55: {  	s10 =	simm.s32 @!p2 $0x11D00;
	s7 =	simm.s32 @!p2 $0x5;
	[sflag:s19] =	ssyncadd.s32 $0xFFFFE000  }
0x56: {  	[spmem:s3] =	stream.indirect.scatter.add.f32 @!p2 [tilespmem:s10], [sflag:$0x5], $0x8, s11, s8, $0xb8;
	[tilespmem:$0x1D2C0] =	vst v63  }
0x57: {  	_ =	swait.ge @!p2 [sflag:s7], $0x400  }
0x58: {  	[sflag:s7] =	ssyncset.done @!p2 $0x0  }
0x59: {  	s12 =	simm.s32 $0x280;
	[sflag:s7] =	ssyncadd.s32 @!p2 $0xFFFFFC00  }
0x5a: {  	[tilespmem:s24], [sflag:$0x2] =	stream.indirect.gather [hbm4b:s1+s22], $0x40, s12, s22, $0xb8;
	[tilespmem:$0x1D2C0] =	vst v63  }
0x5b: {  	_ =	swait.ge [sflag:s0], $0x2000  }
0x5c: {  	[sflag:s0] =	ssyncset.done $0x0  }
0x5d: {  	s11 =	simm.s32 $0x4F80;
	[sflag:s0] =	ssyncadd.s32 $0xFFFFE000  }
0x5e: {  	[spmem:s2] =	stream.indirect.scatter.add.f32 [tilespmem:s26], [sflag:$0x5], $0x40, s11, s22, $0xb8;
	[tilespmem:$0x1D2C0] =	vst v63  }
0x5f: {  	_ =	swait.ge [sflag:s19], $0x2000  }
0x60: {  	[sflag:s19] =	ssyncset.done $0x0  }
0x61: {  	[sflag:s19] =	ssyncadd.s32 $0xFFFFE000  }
0x62: {  	[spmem:s3] =	stream.indirect.scatter.add.f32 @!p1 [tilespmem:s6], [sflag:$0x5], $0x8, s11, s25, $0xb8;
	[tilespmem:$0x1D2C0] =	vst v63  }
0x63: {  	_ =	swait.ge @!p1 [sflag:s21], $0x400  }
0x64: {  	[sflag:s21] =	ssyncset.done @!p1 $0x0  }
0x65: {  	s13 =	simm.s32 $0x300;
	[sflag:s21] =	ssyncadd.s32 @!p1 $0xFFFFFC00  }
0x66: {  	[tilespmem:s26], [sflag:$0x3] =	stream.indirect.gather [hbm4b:s1+s22], $0x40, s13, s22, $0xb8;
	[tilespmem:$0x1D2C0] =	vst v63  }
0x67: {  	_ =	swait.ge [sflag:s4], $0x2000  }
0x68: {  	[sflag:s4] =	ssyncset.done $0x0  }
0x69: {  	s11 =	simm.s32 $0x5000;
	[sflag:s4] =	ssyncadd.s32 $0xFFFFE000  }
0x6a: {  	[spmem:s2] =	stream.indirect.scatter.add.f32 [tilespmem:s29], [sflag:$0x5], $0x40, s11, s22, $0xb8;
	[tilespmem:$0x1D2C0] =	vst v63  }
0x6b: {  	_ =	swait.ge [sflag:s19], $0x2000  }
0x6c: {  	[sflag:s19] =	ssyncset.done $0x0  }
0x6d: {  	[sflag:s19] =	ssyncadd.s32 $0xFFFFE000  }
0x6e: {  	[spmem:s3] =	stream.indirect.scatter.add.f32 @!p2 [tilespmem:s10], [sflag:$0x5], $0x8, s11, s8, $0xb8;
	[tilespmem:$0x1D2C0] =	vst v63  }
0x6f: {  	_ =	swait.ge @!p2 [sflag:s7], $0x400  }
0x70: {  	[sflag:s7] =	ssyncset.done @!p2 $0x0  }
0x71: {  	s12 =	simm.s32 $0x380;
	s11 =	simm.s32 $0x800;
	[sflag:s7] =	ssyncadd.s32 @!p2 $0xFFFFFC00  }
.LBB2_2:
0x72: {  	[tilespmem:s29], [sflag:$0x4] =	stream.indirect.gather [hbm4b:s1+s22], $0x40, s12, s22, $0xb8;
	[tilespmem:$0x1D2C0] =	vst v63  }
0x73: {  	s12 =	smov.u32 s11;
	s11 =	sadd.s32 $0x800, s11;
	_ =	swait.ge [sflag:s30], $0x2000  }
0x74: {  	s12 =	sshra.s32 s12, $0x2;
	p4 =	sne.s32 s11, $0x13000;
	[sflag:s30] =	ssyncset.done $0x0  }
0x75: {  	s13 =	sadd.s32 $0x4E80, s12;
	[sflag:s30] =	ssyncadd.s32 $0xFFFFE000  }
0x76: {  	[spmem:s2] =	stream.indirect.scatter.add.f32 [tilespmem:s23], [sflag:$0x5], $0x40, s13, s22, $0xb8;
	[tilespmem:$0x1D2C0] =	vst v63  }
0x77: {  	_ =	swait.ge [sflag:s19], $0x2000  }
0x78: {  	[sflag:s19] =	ssyncset.done $0x0  }
0x79: {  	[sflag:s19] =	ssyncadd.s32 $0xFFFFE000  }
0x7a: {  	[spmem:s3] =	stream.indirect.scatter.add.f32 @!p1 [tilespmem:s6], [sflag:$0x5], $0x8, s13, s25, $0xb8;
	[tilespmem:$0x1D2C0] =	vst v63  }
0x7b: {  	_ =	swait.ge @!p1 [sflag:s21], $0x400  }
0x7c: {  	[sflag:s21] =	ssyncset.done @!p1 $0x0  }
0x7d: {  	s13 =	sadd.s32 $0x200, s12;
	[sflag:s21] =	ssyncadd.s32 @!p1 $0xFFFFFC00  }
0x7e: {  	[tilespmem:s23], [sflag:$0x1] =	stream.indirect.gather [hbm4b:s1+s22], $0x40, s13, s22, $0xb8;
	[tilespmem:$0x1D2C0] =	vst v63  }
0x7f: {  	_ =	swait.ge [sflag:s31], $0x2000  }
0x80: {  	[sflag:s31] =	ssyncset.done $0x0  }
0x81: {  	s13 =	sadd.s32 $0x4F00, s12;
	[sflag:s31] =	ssyncadd.s32 $0xFFFFE000  }
0x82: {  	[spmem:s2] =	stream.indirect.scatter.add.f32 [tilespmem:s24], [sflag:$0x5], $0x40, s13, s22, $0xb8;
	[tilespmem:$0x1D2C0] =	vst v63  }
0x83: {  	_ =	swait.ge [sflag:s19], $0x2000  }
0x84: {  	[sflag:s19] =	ssyncset.done $0x0  }
0x85: {  	[sflag:s19] =	ssyncadd.s32 $0xFFFFE000  }
0x86: {  	[spmem:s3] =	stream.indirect.scatter.add.f32 @!p2 [tilespmem:s10], [sflag:$0x5], $0x8, s13, s8, $0xb8;
	[tilespmem:$0x1D2C0] =	vst v63  }
0x87: {  	_ =	swait.ge @!p2 [sflag:s7], $0x400  }
0x88: {  	[sflag:s7] =	ssyncset.done @!p2 $0x0  }
0x89: {  	s13 =	sadd.s32 $0x280, s12;
	[sflag:s7] =	ssyncadd.s32 @!p2 $0xFFFFFC00  }
0x8a: {  	[tilespmem:s24], [sflag:$0x2] =	stream.indirect.gather [hbm4b:s1+s22], $0x40, s13, s22, $0xb8;
	[tilespmem:$0x1D2C0] =	vst v63  }
0x8b: {  	_ =	swait.ge [sflag:s0], $0x2000  }
0x8c: {  	[sflag:s0] =	ssyncset.done $0x0  }
0x8d: {  	s13 =	sadd.s32 $0x4F80, s12;
	[sflag:s0] =	ssyncadd.s32 $0xFFFFE000  }
0x8e: {  	[spmem:s2] =	stream.indirect.scatter.add.f32 [tilespmem:s26], [sflag:$0x5], $0x40, s13, s22, $0xb8;
	[tilespmem:$0x1D2C0] =	vst v63  }
0x8f: {  	_ =	swait.ge [sflag:s19], $0x2000  }
0x90: {  	[sflag:s19] =	ssyncset.done $0x0  }
0x91: {  	[sflag:s19] =	ssyncadd.s32 $0xFFFFE000  }
0x92: {  	[spmem:s3] =	stream.indirect.scatter.add.f32 @!p1 [tilespmem:s6], [sflag:$0x5], $0x8, s13, s25, $0xb8;
	[tilespmem:$0x1D2C0] =	vst v63  }
0x93: {  	_ =	swait.ge @!p1 [sflag:s21], $0x400  }
0x94: {  	[sflag:s21] =	ssyncset.done @!p1 $0x0  }
0x95: {  	s13 =	sadd.s32 $0x300, s12;
	[sflag:s21] =	ssyncadd.s32 @!p1 $0xFFFFFC00  }
0x96: {  	[tilespmem:s26], [sflag:$0x3] =	stream.indirect.gather [hbm4b:s1+s22], $0x40, s13, s22, $0xb8;
	[tilespmem:$0x1D2C0] =	vst v63  }
0x97: {  	_ =	swait.ge [sflag:s4], $0x2000  }
0x98: {  	[sflag:s4] =	ssyncset.done $0x0  }
0x99: {  	s13 =	sadd.s32 $0x5000, s12;
	[sflag:s4] =	ssyncadd.s32 $0xFFFFE000  }
0x9a: {  	[spmem:s2] =	stream.indirect.scatter.add.f32 [tilespmem:s29], [sflag:$0x5], $0x40, s13, s22, $0xb8;
	[tilespmem:$0x1D2C0] =	vst v63  }
0x9b: {  	_ =	swait.ge [sflag:s19], $0x2000  }
0x9c: {  	[sflag:s19] =	ssyncset.done $0x0  }
.Ltmp0:
0x9d: {  	[sflag:s19] =	ssyncadd.s32 $0xFFFFE000;
	(pc) =	sbr.rel @p4 .LBB2_2-.Ltmp0, $4  }
0x9e: {  	[spmem:s3] =	stream.indirect.scatter.add.f32 @!p2 [tilespmem:s10], [sflag:$0x5], $0x8, s13, s8, $0xb8;
	[tilespmem:$0x1D2C0] =	vst v63  }
0x9f: {  	_ =	swait.ge @!p2 [sflag:s7], $0x400  }
0xa0: {  	[sflag:s7] =	ssyncset.done @!p2 $0x0  }
0xa1: {  	s12 =	sadd.s32 $0x380, s12;
	[sflag:s7] =	ssyncadd.s32 @!p2 $0xFFFFFC00  }
0xa2: {  	[tilespmem:s29], [sflag:$0x4] =	stream.indirect.gather [hbm4b:s1+s22], $0x40, s12, s22, $0xb8;
	[tilespmem:$0x1D2C0] =	vst v63  }
0xa3: {  	_ =	swait.ge [sflag:s30], $0x2000  }
0xa4: {  	[sflag:s30] =	ssyncset.done $0x0  }
0xa5: {  	s7 =	simm.s32 $0x9A80;
	[sflag:s30] =	ssyncadd.s32 $0xFFFFE000  }
0xa6: {  	[spmem:s2] =	stream.indirect.scatter.add.f32 [tilespmem:s23], [sflag:$0x5], $0x40, s7, s22, $0xb8;
	[tilespmem:$0x1D2C0] =	vst v63  }
0xa7: {  	_ =	swait.ge [sflag:s19], $0x2000  }
0xa8: {  	[sflag:s19] =	ssyncset.done $0x0  }
0xa9: {  	s7 =	simm.s32 @p1 $0x2;
	[sflag:s19] =	ssyncadd.s32 $0xFFFFE000  }
0xaa: {  	_ =	swait.ge @p1 [sflag:s7], $0x2000  }
0xab: {  	s8 =	simm.s32 @p1 $0x9B00;
	[sflag:s7] =	ssyncset.done @p1 $0x0  }
0xac: {  	s10 =	simm.s32 @p1 $0xBD00;
	[sflag:s7] =	ssyncadd.s32 @p1 $0xFFFFE000;
	s7 =	simm.s32 @p1 $0x80  }
0xad: {  	[spmem:s2] =	stream.indirect.scatter.add.f32 @p1 [tilespmem:s10], [sflag:$0x5], $0x40, s8, s7, $0xb8;
	[tilespmem:$0x1D2C0] =	vst v63  }
0xae: {  	s10 =	simm.s32 @p1 $0x5  }
0xaf: {  	_ =	swait.ge @p1 [sflag:s10], $0x2000  }
0xb0: {  	[sflag:s10] =	ssyncset.done @p1 $0x0  }
0xb1: {  	s11 =	simm.s32 @p1 $0x11D00;
	[sflag:s10] =	ssyncadd.s32 @p1 $0xFFFFE000  }
0xb2: {  	[spmem:s3] =	stream.indirect.scatter.add.f32 @p1 [tilespmem:s11], [sflag:$0x5], $0x8, s8, s7, $0xb8;
	[tilespmem:$0x1D2C0] =	vst v63  }
0xb3: {  	_ =	swait.ge @p1 [sflag:s10], $0x400  }
0xb4: {  	[sflag:s10] =	ssyncset.done @p1 $0x0  }
0xb5: {  	s8 =	simm.s32 @p1 $0x3;
	[sflag:s10] =	ssyncadd.s32 @p1 $0xFFFFFC00  }
0xb6: {  	_ =	swait.ge @p1 [sflag:s8], $0x2000  }
0xb7: {  	[sflag:s8] =	ssyncset.done @p1 $0x0  }
0xb8: {  	s12 =	simm.s32 @p1 $0xDD00;
	[sflag:s8] =	ssyncadd.s32 @p1 $0xFFFFE000;
	s8 =	simm.s32 @p1 $0x9B80  }
0xb9: {  	[spmem:s2] =	stream.indirect.scatter.add.f32 @p1 [tilespmem:s12], [sflag:$0x5], $0x40, s8, s7, $0xb8;
	[tilespmem:$0x1D2C0] =	vst v63  }
0xba: {  	_ =	swait.ge @p1 [sflag:s10], $0x2000  }
0xbb: {  	[sflag:s10] =	ssyncset.done @p1 $0x0  }
0xbc: {  	s8 =	simm.s32 @p1 $0x4;
	[sflag:s10] =	ssyncadd.s32 @p1 $0xFFFFE000  }
0xbd: {  	_ =	swait.ge @p1 [sflag:s8], $0x2000  }
0xbe: {  	[sflag:s8] =	ssyncset.done @p1 $0x0  }
0xbf: {  	s12 =	simm.s32 @p1 $0xFD00;
	[sflag:s8] =	ssyncadd.s32 @p1 $0xFFFFE000;
	s8 =	simm.s32 @p1 $0x9C00  }
0xc0: {  	[spmem:s2] =	stream.indirect.scatter.add.f32 @p1 [tilespmem:s12], [sflag:$0x5], $0x40, s8, s7, $0xb8;
	[tilespmem:$0x1D2C0] =	vst v63  }
0xc1: {  	_ =	swait.ge @p1 [sflag:s10], $0x2000  }
0xc2: {  	[sflag:s10] =	ssyncset.done @p1 $0x0  }
0xc3: {  	[sflag:s10] =	ssyncadd.s32 @p1 $0xFFFFE000  }
0xc4: {  	[spmem:s3] =	stream.indirect.scatter.add.f32 @p1 [tilespmem:s11], [sflag:$0x5], $0x8, s8, s7, $0xb8;
	[tilespmem:$0x1D2C0] =	vst v63  }
0xc5: {  	_ =	swait.ge @p1 [sflag:s10], $0x400  }
0xc6: {  	[sflag:s10] =	ssyncset.done @p1 $0x0  }
0xc7: {  	s7 =	simm.s32 @!p1 $0x9A80;
	[sflag:s10] =	ssyncadd.s32 @p1 $0xFFFFFC00  }
0xc8: {  	[spmem:s3] =	stream.indirect.scatter.add.f32 @!p1 [tilespmem:s6], [sflag:$0x5], $0x8, s7, s25, $0xb8;
	[tilespmem:$0x1D2C0] =	vst v63  }
0xc9: {  	_ =	swait.ge @!p1 [sflag:s21], $0x400  }
0xca: {  	[sflag:s21] =	ssyncset.done @!p1 $0x0  }
0xcb: {  	s7 =	simm.s32 @!p1 $0x2;
	[sflag:s21] =	ssyncadd.s32 @!p1 $0xFFFFFC00  }
0xcc: {  	_ =	swait.ge @!p1 [sflag:s7], $0x2000  }
0xcd: {  	[sflag:s7] =	ssyncset.done @!p1 $0x0  }
0xce: {  	s8 =	simm.s32 @!p1 $0xBD00;
	[sflag:s7] =	ssyncadd.s32 @!p1 $0xFFFFE000;
	s7 =	simm.s32 @!p1 $0x9B00  }
0xcf: {  	[spmem:s2] =	stream.indirect.scatter.add.f32 @!p1 [tilespmem:s8], [sflag:$0x5], $0x40, s7, s25, $0xb8;
	[tilespmem:$0x1D2C0] =	vst v63  }
0xd0: {  	_ =	swait.ge @!p1 [sflag:s21], $0x2000  }
0xd1: {  	[sflag:s21] =	ssyncset.done @!p1 $0x0  }
0xd2: {  	s7 =	simm.s32 @!p1 $0x3;
	[sflag:s21] =	ssyncadd.s32 @!p1 $0xFFFFE000  }
0xd3: {  	_ =	swait.ge @!p1 [sflag:s7], $0x2000  }
0xd4: {  	[sflag:s7] =	ssyncset.done @!p1 $0x0  }
0xd5: {  	s8 =	simm.s32 @!p1 $0xDD00;
	[sflag:s7] =	ssyncadd.s32 @!p1 $0xFFFFE000;
	s7 =	simm.s32 @!p1 $0x9B80  }
0xd6: {  	[spmem:s2] =	stream.indirect.scatter.add.f32 @!p1 [tilespmem:s8], [sflag:$0x5], $0x40, s7, s25, $0xb8;
	[tilespmem:$0x1D2C0] =	vst v63  }
0xd7: {  	_ =	swait.ge @!p1 [sflag:s21], $0x2000  }
0xd8: {  	[sflag:s21] =	ssyncset.done @!p1 $0x0  }
0xd9: {  	[sflag:s21] =	ssyncadd.s32 @!p1 $0xFFFFE000  }
0xda: {  	[spmem:s3] =	stream.indirect.scatter.add.f32 @!p1 [tilespmem:s6], [sflag:$0x5], $0x8, s7, s25, $0xb8;
	[tilespmem:$0x1D2C0] =	vst v63  }
0xdb: {  	_ =	swait.ge @!p1 [sflag:s21], $0x400  }
0xdc: {  	[sflag:s21] =	ssyncset.done @!p1 $0x0  }
0xdd: {  	s6 =	simm.s32 @!p1 $0x4;
	[sflag:s21] =	ssyncadd.s32 @!p1 $0xFFFFFC00  }
0xde: {  	_ =	swait.ge @!p1 [sflag:s6], $0x2000  }
0xdf: {  	[sflag:s6] =	ssyncset.done @!p1 $0x0  }
0xe0: {  	s7 =	simm.s32 @!p1 $0xFD00;
	[sflag:s6] =	ssyncadd.s32 @!p1 $0xFFFFE000;
	s6 =	simm.s32 @!p1 $0x9C00  }
0xe1: {  	[spmem:s2] =	stream.indirect.scatter.add.f32 @!p1 [tilespmem:s7], [sflag:$0x5], $0x40, s6, s25, $0xb8;
	[tilespmem:$0x1D2C0] =	vst v63  }
0xe2: {  	_ =	swait.ge @!p1 [sflag:s21], $0x2000  }
0xe3: {  	s8 =	simm.s32 @!p0 $0x9D00;
	[sflag:s21] =	ssyncset.done @!p1 $0x0  }
0xe4: {  	s6 =	simm.s32 @!p0 $0x80;
	s7 =	simm.s32 @!p0 $0x4E00;
	[sflag:s21] =	ssyncadd.s32 @!p1 $0xFFFFE000  }
0xe5: {  	[tilespmem:s8], [sflag:$0x1] =	stream.indirect.gather @!p0 [hbm4b:s1+s6], $0x40, s7, s6, $0xb8;
	[tilespmem:$0x1D2C0] =	vst v63  }
0xe6: {  	s7 =	simm.s32 @!p0 $0x1  }
0xe7: {  	_ =	swait.ge @!p0 [sflag:s7], $0x2000  }
0xe8: {  	[sflag:s7] =	ssyncset.done @!p0 $0x0  }
0xe9: {  	[sflag:s7] =	ssyncadd.s32 @!p0 $0xFFFFE000;
	s7 =	simm.s32 @!p0 $0x9C80  }
0xea: {  	[spmem:s2] =	stream.indirect.scatter.add.f32 @!p0 [tilespmem:s8], [sflag:$0x5], $0x40, s7, s6, $0xb8;
	[tilespmem:$0x1D2C0] =	vst v63  }
0xeb: {  	s6 =	simm.s32 @!p0 $0x5  }
0xec: {  	_ =	swait.ge @!p0 [sflag:s6], $0x2000  }
0xed: {  	s7 =	simm.s32 @!p3 $0x9C80;
	[sflag:s6] =	ssyncset.done @!p0 $0x0  }
0xee: {  	s8 =	simm.s32 @!p3 $0x11D00;
	[sflag:s6] =	ssyncadd.s32 @!p0 $0xFFFFE000;
	s6 =	simm.s32 @!p3 $0x80  }
0xef: {  	[spmem:s3] =	stream.indirect.scatter.add.f32 @!p3 [tilespmem:s8], [sflag:$0x5], $0x8, s7, s6, $0xb8;
	[tilespmem:$0x1D2C0] =	vst v63  }
0xf0: {  	s6 =	simm.s32 @!p3 $0x5  }
0xf1: {  	_ =	swait.ge @!p3 [sflag:s6], $0x400  }
0xf2: {  	[sflag:s6] =	ssyncset.done @!p3 $0x0  }
0xf3: {  	[sflag:s6] =	ssyncadd.s32 @!p3 $0xFFFFFC00  }
0xf4: {  	s25 =	simm.s32 $0x8;
	s21 =	simm.s32 $0x10;
	[bflag:$0x0] =	sbarrier.arrive $0xFFFF  }
0xf5: {  	[hbm:s15@s21], [sflag:s9] =	dma.strided [spmem:s18@s25], $0x13C0, s30, $0x8   }
0xf6: {  	s28 =	sadd.s32 $0x1, s28;
	_ =	swait.ge [sflag:s19], $0x13C0  }
0xf7: {  	p4 =	sne.s32 s28, s17;
	[sflag:s19] =	ssyncset.done $0x0  }
.Ltmp1:
0xf8: {  	[sflag:s19] =	ssyncadd.s32 $0xFFFFEC40;
	(pc) =	sbr.rel @p4 .LBB2_1-.Ltmp1, $4  }
0xf9: {  	[hbm:s16], [sflag:s9] =	dma.local [spmem:s20], $0x278  }
0xfa: {  	_ =	swait.ge [sflag:s19], $0x278  }
0xfb: {  	[sflag:s19] =	ssyncset.done $0x0  }
0xfc: {  	[sflag:s19] =	ssyncadd.s32 $0xFFFFFD88  }
0xfd: {  	_ =	sfence.sel $0x180000  }
0xfe: {  	[bflag:$0x0] =	sbarrier.arrive $0xFFFF  }
0xff: {  	_ =	strace $0x90000047  }
0x100: {  	s0 =	stileid.u32;
	[bflag:$0x2] =	sbarrier.arrive $0xFFFF  }
0x101: {  	p0 =	sne.s32 s0, $0x0;
	s0 =	rddreg [dreg:$0x5]  }
0x102: {  	s0 =	sadd.s32 @!p0 $0x100000, s0  }
0x103: {  	[sflag:s0] =	ssyncadd.tile.s32 @!p0 $0x1;
	_ =	shalt  }
.Lfunc_end2:
_tile_overlayer_lowered:
.L_overlay_start_2:
0x104: {  	(tag) =	ssettag $0x2  }
0x105: {  	s0 =	rddreg [dreg:$0x0];
	s2 =	stileid.u32  }
0x106: {  	s1 =	rddreg [dreg:$0x1];
	p0 =	sne.s32 s2, $0x0  }
0x107: {  	s3 =	rddreg [dreg:$0x2];
	[bflag:$0x3] =	sbarrier.arrive $0xFFFF;
	s2 =	simm.s32 @!p0 $0x1C05  }
0x108: {  	[timem:s3], [sflag:s2] =	dma.local @!p0 [hbm:s0], s1  }
0x109: {  	s0 =	simm.s32 @!p0 $0x5  }
0x10a: {  	_ =	swait.ge @!p0 [sflag:s0], s1  }
0x10b: {  	s1 =	ssub.s32 @!p0 $0x0, s1;
	[sflag:s0] =	ssyncset.done @!p0 $0x0  }
0x10c: {  	[sflag:s0] =	ssyncadd.s32 @!p0 s1  }
0x10d: {  	[bflag:$0x3] =	sbarrier.arrive $0xFFFF  }
0x10e: {  	_ =	shalt  }

</sc_bundles>
